<compile_context>
chip_gen: v7x
topology: tpu7x:2x2x1
jax: 0.10.2.dev20260603
libtpu: 0.0.44.dev20260713+nightly
codegen_flags: <defaults>
</compile_context>

<pallas_src>
import functools

import jax
import jax.numpy as jnp
from jax import lax
from jax.experimental import pallas as pl
from jax.experimental.pallas import tpu as pltpu
from jax.experimental.pallas import tpu_sc as plsc

D = 128
NC = 2
NS = 16
NW = NC * NS
CHUNK = 128
CPP = 40
N_PAD = 10112
ROWS_PER_TILE = N_PAD // NS


def _make_edge_agg(c0: int, c1: int, cpp0: int, cpp1: int, n_pass: int,
                   row_len: int):
    assert c0 == cpp0 * n_pass and c1 == cpp1 * n_pass
    assert cpp0 % 2 == 0 and cpp1 % 2 == 0
    mesh = plsc.VectorSubcoreMesh(core_axis_name="c", subcore_axis_name="s")

    @functools.partial(
        pl.kernel,
        out_type=jax.ShapeDtypeStruct((NC, N_PAD, D), jnp.float32),
        mesh=mesh,
        scratch_types=[
            pltpu.VMEM((cpp0, CHUNK), jnp.int32),
            pltpu.VMEM((cpp0, CHUNK), jnp.int32),
            pltpu.VMEM((CHUNK, D), jnp.float32),
            pltpu.VMEM((CHUNK, D), jnp.float32),
            pltpu.VMEM_SHARED((N_PAD, D), jnp.float32),
            pltpu.SemaphoreType.DMA,
            pltpu.SemaphoreType.DMA,
        ],
    )
    def edge_agg(m_hbm, src_hbm, dst_hbm, zeros_hbm,
                 out_hbm, src_v, dst_v, rows0, rows1, agg_sh, sem0, sem1):
        cid = lax.axis_index("c")
        sid = lax.axis_index("s")
        wid = sid * NC + cid
        pltpu.sync_copy(zeros_hbm,
                        agg_sh.at[pl.ds(sid * ROWS_PER_TILE, ROWS_PER_TILE)])
        plsc.subcore_barrier()

        cpp = jnp.where(cid == 0, cpp0, cpp1)
        srow = src_hbm.at[wid]
        drow = dst_hbm.at[wid]

        for p in range(n_pass):
            slab0 = pl.multiple_of(p * cpp, 8)
            pltpu.sync_copy(srow.at[pl.ds(slab0, cpp0)], src_v)
            pltpu.sync_copy(drow.at[pl.ds(slab0, cpp0)], dst_v)
            pltpu.async_copy(m_hbm.at[src_v.at[0]], rows0, sem0)

            def body(k, carry):
                j0 = 2 * k
                j1 = j0 + 1
                pltpu.async_copy(m_hbm.at[src_v.at[j1]], rows1, sem1)
                pltpu.make_async_copy(
                    m_hbm.at[src_v.at[j0]], rows0, sem0).wait()
                pltpu.sync_copy(rows0, agg_sh.at[dst_v.at[j0]], add=True)

                @pl.when(j0 + 2 < cpp)
                def _():
                    pltpu.async_copy(m_hbm.at[src_v.at[j0 + 2]], rows0, sem0)

                pltpu.make_async_copy(
                    m_hbm.at[src_v.at[j1]], rows1, sem1).wait()
                pltpu.sync_copy(rows1, agg_sh.at[dst_v.at[j1]], add=True)
                return carry

            lax.fori_loop(0, cpp // 2, body, 0)
        plsc.subcore_barrier()
        pltpu.sync_copy(
            agg_sh.at[pl.ds(sid * ROWS_PER_TILE, ROWS_PER_TILE)],
            out_hbm.at[cid].at[pl.ds(sid * ROWS_PER_TILE, ROWS_PER_TILE)])

    return edge_agg


def _make_clicked_gather(b_pad: int):
    bpw = b_pad // NW
    mesh = plsc.VectorSubcoreMesh(core_axis_name="c", subcore_axis_name="s")

    @functools.partial(
        pl.kernel,
        out_type=jax.ShapeDtypeStruct((b_pad, D), jnp.float32),
        mesh=mesh,
        scratch_types=[
            pltpu.VMEM((bpw,), jnp.int32),
            pltpu.VMEM((bpw, D), jnp.float32),
            pltpu.SemaphoreType.DMA,
        ],
    )
    def clicked_gather(h_hbm, idx_hbm, out_hbm, idx_v, rows_v, sem):
        cid = lax.axis_index("c")
        sid = lax.axis_index("s")
        wid = sid * NC + cid
        base = wid * bpw
        pltpu.sync_copy(idx_hbm.at[pl.ds(base, bpw)], idx_v)
        pltpu.async_copy(h_hbm.at[idx_v], rows_v, sem).wait()
        pltpu.sync_copy(rows_v, out_hbm.at[pl.ds(base, bpw)])

    return clicked_gather


def _mm_body(x_ref, w_ref, o_ref):
    o_ref[...] = jnp.dot(x_ref[...], w_ref[...],
                         preferred_element_type=jnp.float32)


def _matmul(x, w, br=2000):
    n = x.shape[0]
    return pl.pallas_call(
        _mm_body,
        grid=(n // br,),
        in_specs=[
            pl.BlockSpec((br, D), lambda b: (b, 0)),
            pl.BlockSpec((D, D), lambda b: (0, 0)),
        ],
        out_specs=pl.BlockSpec((br, D), lambda b: (b, 0)),
        out_shape=jax.ShapeDtypeStruct((n, D), jnp.float32),
    )(x, w)


def _gru_math(p_ref, h_ref, wih_t_ref, whh_t_ref, bih_ref, bhh_ref):
    agg = p_ref[0] + p_ref[1]
    h = h_ref[...]
    gi = jnp.dot(agg, wih_t_ref[...],
                 preferred_element_type=jnp.float32) + bih_ref[...]
    gh = jnp.dot(h, whh_t_ref[...],
                 preferred_element_type=jnp.float32) + bhh_ref[...]
    r = jax.nn.sigmoid(gi[:, :D] + gh[:, :D])
    z = jax.nn.sigmoid(gi[:, D:2 * D] + gh[:, D:2 * D])
    n = jnp.tanh(gi[:, 2 * D:] + r * gh[:, 2 * D:])
    return (1.0 - z) * n + z * h


def _gru_body(p_ref, h_ref, wih_t_ref, whh_t_ref, bih_ref, bhh_ref, h_out_ref):
    h_out_ref[...] = _gru_math(p_ref, h_ref, wih_t_ref, whh_t_ref,
                               bih_ref, bhh_ref)


def _gru_mm_body(p_ref, h_ref, wih_t_ref, whh_t_ref, bih_ref, bhh_ref,
                 wn_ref, h_out_ref, m_out_ref):
    h_new = _gru_math(p_ref, h_ref, wih_t_ref, whh_t_ref, bih_ref, bhh_ref)
    h_out_ref[...] = h_new
    m_out_ref[...] = jnp.dot(h_new, wn_ref[...],
                             preferred_element_type=jnp.float32)


def _gru(parts, h, wih_t, whh_t, bih, bhh, w_next=None, br=2000):
    n = h.shape[0]
    grid = (n // br,)
    in_specs = [
        pl.BlockSpec((NC, br, D), lambda b: (0, b, 0)),
        pl.BlockSpec((br, D), lambda b: (b, 0)),
        pl.BlockSpec((D, 3 * D), lambda b: (0, 0)),
        pl.BlockSpec((D, 3 * D), lambda b: (0, 0)),
        pl.BlockSpec((1, 3 * D), lambda b: (0, 0)),
        pl.BlockSpec((1, 3 * D), lambda b: (0, 0)),
    ]
    if w_next is None:
        return pl.pallas_call(
            _gru_body,
            grid=grid,
            in_specs=in_specs,
            out_specs=pl.BlockSpec((br, D), lambda b: (b, 0)),
            out_shape=jax.ShapeDtypeStruct((n, D), jnp.float32),
        )(parts, h, wih_t, whh_t, bih, bhh)
    return pl.pallas_call(
        _gru_mm_body,
        grid=grid,
        in_specs=in_specs + [pl.BlockSpec((D, D), lambda b: (0, 0))],
        out_specs=[pl.BlockSpec((br, D), lambda b: (b, 0)),
                   pl.BlockSpec((br, D), lambda b: (b, 0))],
        out_shape=[jax.ShapeDtypeStruct((n, D), jnp.float32),
                   jax.ShapeDtypeStruct((n, D), jnp.float32)],
    )(parts, h, wih_t, whh_t, bih, bhh, w_next)


def kernel(x, weight, w_ih, w_hh, b_ih, b_hh, edge_index, mapping_idx):
    n_nodes, d = x.shape
    num_layers = weight.shape[0]
    e = edge_index.shape[1]
    batch, num_clicked = mapping_idx.shape

    c0, c1, n_pass = 96, 64, 2
    cpp0, cpp1 = c0 // n_pass, c1 // n_pass
    row_len = c0 + 1
    t_chunks = NS * (c0 + c1)
    e_pad = t_chunks * CHUNK
    src_flat = jnp.concatenate(
        [edge_index[0], jnp.zeros((e_pad - e,), jnp.int32)])
    dst_flat = jnp.concatenate(
        [edge_index[1], jnp.full((e_pad - e,), n_nodes, jnp.int32)])
    n0 = NS * c0 * CHUNK

    def layout(flat, fill):
        r0 = flat[:n0].reshape(NS, c0, CHUNK)
        r1 = flat[n0:].reshape(NS, c1, CHUNK)
        r0 = jnp.pad(r0, ((0, 0), (0, row_len - c0), (0, 0)),
                     constant_values=fill)
        r1 = jnp.pad(r1, ((0, 0), (0, row_len - c1), (0, 0)),
                     constant_values=fill)
        return jnp.stack([r0, r1], axis=1).reshape(NW, row_len, CHUNK)

    src = layout(src_flat, 0)
    dst = layout(dst_flat, n_nodes)
    zeros_tile = jnp.zeros((ROWS_PER_TILE, D), jnp.float32)

    wih_t = w_ih.T
    whh_t = w_hh.T
    bih = b_ih.reshape(1, 3 * D)
    bhh = b_hh.reshape(1, 3 * D)

    edge_agg = _make_edge_agg(c0, c1, cpp0, cpp1, n_pass, row_len)

    h = x
    m = _matmul(h, weight[0])
    for i in range(num_layers):
        parts = edge_agg(m, src, dst, zeros_tile)
        if i + 1 < num_layers:
            h, m = _gru(parts, h, wih_t, whh_t, bih, bhh, w_next=weight[i + 1])
        else:
            h = _gru(parts, h, wih_t, whh_t, bih, bhh)

    nb = batch * num_clicked
    bgran = 8 * NW
    b_pad = ((nb + bgran - 1) // bgran) * bgran
    idx_flat = jnp.concatenate(
        [mapping_idx.reshape(-1), jnp.zeros((b_pad - nb,), jnp.int32)])
    gathered = _make_clicked_gather(b_pad)(h, idx_flat)
    return gathered[:nb].reshape(batch, num_clicked, D)

# --- scband reference (transcript-rebuilt; emitter-appended) ---
"""Pipeline reference for scband-senti-entity-rec-9972914061626 (READ-ONLY COPY).

The authoritative reference and input builder live on the scoring server;
editing this copy changes nothing except your own understanding.
"""

import jax, jax.numpy as jnp
import numpy as np

NUM_LAYERS = 3


def setup_inputs(seed: int = 0) -> dict:
    key = jax.random.key(seed)
    ks = jax.random.split(key, 8)
    n_nodes, n_edges, d = 10000, 320000, 128
    batch, num_clicked = 32, 50
    x = jax.random.normal(ks[0], (n_nodes, d), dtype=jnp.float32)
    edge_index = jax.random.randint(ks[1], (2, n_edges), 0, n_nodes, dtype=jnp.int32)
    mapping_idx = jax.random.randint(ks[2], (batch, num_clicked), 0, n_nodes, dtype=jnp.int32)
    scale = 1.0 / np.sqrt(d)
    weight = jax.random.normal(ks[3], (NUM_LAYERS, d, d), dtype=jnp.float32) * scale
    w_ih = jax.random.normal(ks[4], (3 * d, d), dtype=jnp.float32) * scale
    w_hh = jax.random.normal(ks[5], (3 * d, d), dtype=jnp.float32) * scale
    b_ih = jnp.zeros((3 * d,), dtype=jnp.float32)
    b_hh = jnp.zeros((3 * d,), dtype=jnp.float32)
    return {"x": x, "weight": weight, "w_ih": w_ih, "w_hh": w_hh, "b_ih": b_ih, "b_hh": b_hh, "edge_index": edge_index, "mapping_idx": mapping_idx}


def _gru_cell(agg, h, w_ih, w_hh, b_ih, b_hh):
    gi = agg @ w_ih.T + b_ih
    gh = h @ w_hh.T + b_hh
    i_r, i_z, i_n = jnp.split(gi, 3, axis=-1)
    h_r, h_z, h_n = jnp.split(gh, 3, axis=-1)
    r = jax.nn.sigmoid(i_r + h_r)
    z = jax.nn.sigmoid(i_z + h_z)
    n = jnp.tanh(i_n + r * h_n)
    return (1.0 - z) * n + z * h


def reference(x, weight, w_ih, w_hh, b_ih, b_hh, edge_index, mapping_idx):
    # GatedGraphConv(news_dim, num_layers=3, aggr='add') over node embeddings,
    # followed by the clicked-news gather (graph_emb[mapping_idx, :]) from forward.
    n_nodes = x.shape[0]
    src = edge_index[0]
    dst = edge_index[1]
    h = x
    for i in range(NUM_LAYERS):
        m = h @ weight[i]
        msgs = jnp.take(m, src, axis=0)
        agg = jax.ops.segment_sum(msgs, dst, num_segments=n_nodes)
        h = _gru_cell(agg, h, w_ih, w_hh, b_ih, b_hh)
    clicked_graph_emb = jnp.take(h, mapping_idx, axis=0)
    return clicked_graph_emb

if __name__ == "__main__":
    import jax
    _d = setup_inputs()
    print(jax.jit(kernel)(*tuple(_d.values())))

</pallas_src>

<mosaic_0001>
#map = affine_map<(d0, d1) -> (0, 0)>
#map1 = affine_map<(d0, d1) -> (0, 0, 0)>
module attributes {stable_mosaic.version = 14 : i64} {
  func.func @edge_agg(%arg0: i32, %arg1: i32, %arg2: memref<10000x128xf32, #tpu.memory_space<hbm>>, %arg3: memref<32x97x128xi32, #tpu.memory_space<hbm>>, %arg4: memref<32x97x128xi32, #tpu.memory_space<hbm>>, %arg5: memref<632x128xf32, #tpu.memory_space<hbm>>, %arg6: memref<2x10112x128xf32, #tpu.memory_space<hbm>>, %arg7: memref<48x128xi32, #tpu.memory_space<vmem>>, %arg8: memref<48x128xi32, #tpu.memory_space<vmem>>, %arg9: memref<128x128xf32, #tpu.memory_space<vmem>>, %arg10: memref<128x128xf32, #tpu.memory_space<vmem>>, %arg11: memref<10112x128xf32, #tpu.memory_space<vmem_shared>>, %arg12: memref<!tpu.dma_semaphore, #tpu.memory_space<semaphore_mem>>, %arg13: memref<!tpu.dma_semaphore, #tpu.memory_space<semaphore_mem>>) attributes {dimension_semantics = [#tpu.dimension_semantics<core_parallel>, #tpu.dimension_semantics<subcore_parallel>], iteration_bounds = array<i64: 2, 16>, scalar_prefetch = 0 : i64, scratch_operands = 7 : i64, tpu.core_type = #tpu.core_type<sc_vector_subcore>, window_params = [{transform_indices = #map}, {transform_indices = #map1}, {transform_indices = #map1}, {transform_indices = #map}, {transform_indices = #map1}]} {
    %mul3A = arith.constant 2 : i32
    %mul3A_0 = arith.muli %arg1, %mul3A : i32
    %add3A = arith.addi %mul3A_0, %arg0 : i32
    %mul3A_1 = arith.constant 632 : i32
    %mul3A_2 = arith.muli %arg1, %mul3A_1 : i32
    "tpu.region"() ({
      %run_scoped3A = tpu.sem_alloc : memref<!tpu.dma_semaphore, #tpu.memory_space<semaphore_mem>>
      %dma_start3A_89 = arith.constant 0 : i32
      %dma_start3A_90 = tpu.memref_slice %arg11[%mul3A_2, %dma_start3A_89] : memref<10112x128xf32, #tpu.memory_space<vmem_shared>> -> memref<632x128xf32, #tpu.memory_space<vmem_shared>>
      tpu.enqueue_dma source(%arg5 : memref<632x128xf32, #tpu.memory_space<hbm>>) target(%dma_start3A_90 : memref<632x128xf32, #tpu.memory_space<vmem_shared>>) target_semaphore(%run_scoped3A : memref<!tpu.dma_semaphore, #tpu.memory_space<semaphore_mem>>)
      %dma_wait3A = arith.constant 0 : i32
      %dma_wait3A_91 = tpu.memref_slice %arg11[%mul3A_2, %dma_wait3A] : memref<10112x128xf32, #tpu.memory_space<vmem_shared>> -> memref<632x128xf32, #tpu.memory_space<vmem_shared>>
      tpu.wait_dma2 semaphore(%run_scoped3A : memref<!tpu.dma_semaphore, #tpu.memory_space<semaphore_mem>>) src(%arg5 : memref<632x128xf32, #tpu.memory_space<hbm>>) dst(%dma_wait3A_91 : memref<632x128xf32, #tpu.memory_space<vmem_shared>>)
      tpu.yield
    }) : () -> ()
    %barrier3A = arith.constant 0 : index
    tpu.barrier barrier_id(%barrier3A)
    %eq3A = arith.constant 0 : i32
    %eq3A_3 = arith.cmpi eq, %arg0, %eq3A : i32
    %jit3A = arith.constant 48 : i32
    %jit3A_4 = arith.constant 32 : i32
    %select_n3A = arith.select %eq3A_3, %jit3A, %jit3A_4 : i32
    %mul3A_5 = arith.constant 0 : i32
    %mul3A_6 = arith.muli %mul3A_5, %select_n3A : i32
    %multiple_of3A = tpu.assume_multiple %mul3A_6, 8 : i32
    "tpu.region"() ({
      %run_scoped3A = tpu.sem_alloc : memref<!tpu.dma_semaphore, #tpu.memory_space<semaphore_mem>>
      %dma_start3A_89 = arith.constant 0 : i32
      %dma_start3A_90 = arith.constant 0 : i32
      %dma_start3A_91 = tpu.memref_slice %arg3[%add3A, %dma_start3A_89, %dma_start3A_90] : memref<32x97x128xi32, #tpu.memory_space<hbm>> -> memref<1x97x128xi32, #tpu.memory_space<hbm>>
      %dma_start3A_92 = tpu.memref_squeeze %dma_start3A_91 : memref<1x97x128xi32, #tpu.memory_space<hbm>> -> memref<97x128xi32, #tpu.memory_space<hbm>>
      %dma_start3A_93 = arith.constant 0 : i32
      %dma_start3A_94 = tpu.memref_slice %dma_start3A_92[%multiple_of3A, %dma_start3A_93] : memref<97x128xi32, #tpu.memory_space<hbm>> -> memref<48x128xi32, #tpu.memory_space<hbm>>
      %dma_start3A_95 = arith.constant 0 : i32
      %dma_start3A_96 = arith.constant 0 : i32
      %dma_start3A_97 = tpu.memref_slice %arg3[%add3A, %dma_start3A_95, %dma_start3A_96] : memref<32x97x128xi32, #tpu.memory_space<hbm>> -> memref<1x97x128xi32, #tpu.memory_space<hbm>>
      %dma_start3A_98 = tpu.memref_squeeze %dma_start3A_97 : memref<1x97x128xi32, #tpu.memory_space<hbm>> -> memref<97x128xi32, #tpu.memory_space<hbm>>
      %dma_start3A_99 = arith.constant 0 : i32
      %dma_start3A_100 = tpu.memref_slice %dma_start3A_98[%multiple_of3A, %dma_start3A_99] : memref<97x128xi32, #tpu.memory_space<hbm>> -> memref<48x128xi32, #tpu.memory_space<hbm>>
      tpu.enqueue_dma source(%dma_start3A_100 : memref<48x128xi32, #tpu.memory_space<hbm>>) target(%arg7 : memref<48x128xi32, #tpu.memory_space<vmem>>) target_semaphore(%run_scoped3A : memref<!tpu.dma_semaphore, #tpu.memory_space<semaphore_mem>>)
      %dma_wait3A = arith.constant 0 : i32
      %dma_wait3A_101 = arith.constant 0 : i32
      %dma_wait3A_102 = tpu.memref_slice %arg3[%add3A, %dma_wait3A, %dma_wait3A_101] : memref<32x97x128xi32, #tpu.memory_space<hbm>> -> memref<1x97x128xi32, #tpu.memory_space<hbm>>
      %dma_wait3A_103 = tpu.memref_squeeze %dma_wait3A_102 : memref<1x97x128xi32, #tpu.memory_space<hbm>> -> memref<97x128xi32, #tpu.memory_space<hbm>>
      %dma_wait3A_104 = arith.constant 0 : i32
      %dma_wait3A_105 = tpu.memref_slice %dma_wait3A_103[%multiple_of3A, %dma_wait3A_104] : memref<97x128xi32, #tpu.memory_space<hbm>> -> memref<48x128xi32, #tpu.memory_space<hbm>>
      %dma_wait3A_106 = arith.constant 0 : i32
      %dma_wait3A_107 = arith.constant 0 : i32
      %dma_wait3A_108 = tpu.memref_slice %arg3[%add3A, %dma_wait3A_106, %dma_wait3A_107] : memref<32x97x128xi32, #tpu.memory_space<hbm>> -> memref<1x97x128xi32, #tpu.memory_space<hbm>>
      %dma_wait3A_109 = tpu.memref_squeeze %dma_wait3A_108 : memref<1x97x128xi32, #tpu.memory_space<hbm>> -> memref<97x128xi32, #tpu.memory_space<hbm>>
      %dma_wait3A_110 = arith.constant 0 : i32
      %dma_wait3A_111 = tpu.memref_slice %dma_wait3A_109[%multiple_of3A, %dma_wait3A_110] : memref<97x128xi32, #tpu.memory_space<hbm>> -> memref<48x128xi32, #tpu.memory_space<hbm>>
      tpu.wait_dma2 semaphore(%run_scoped3A : memref<!tpu.dma_semaphore, #tpu.memory_space<semaphore_mem>>) src(%dma_wait3A_111 : memref<48x128xi32, #tpu.memory_space<hbm>>) dst(%arg7 : memref<48x128xi32, #tpu.memory_space<vmem>>)
      tpu.yield
    }) : () -> ()
    "tpu.region"() ({
      %run_scoped3A = tpu.sem_alloc : memref<!tpu.dma_semaphore, #tpu.memory_space<semaphore_mem>>
      %dma_start3A_89 = arith.constant 0 : i32
      %dma_start3A_90 = arith.constant 0 : i32
      %dma_start3A_91 = tpu.memref_slice %arg4[%add3A, %dma_start3A_89, %dma_start3A_90] : memref<32x97x128xi32, #tpu.memory_space<hbm>> -> memref<1x97x128xi32, #tpu.memory_space<hbm>>
      %dma_start3A_92 = tpu.memref_squeeze %dma_start3A_91 : memref<1x97x128xi32, #tpu.memory_space<hbm>> -> memref<97x128xi32, #tpu.memory_space<hbm>>
      %dma_start3A_93 = arith.constant 0 : i32
      %dma_start3A_94 = tpu.memref_slice %dma_start3A_92[%multiple_of3A, %dma_start3A_93] : memref<97x128xi32, #tpu.memory_space<hbm>> -> memref<48x128xi32, #tpu.memory_space<hbm>>
      %dma_start3A_95 = arith.constant 0 : i32
      %dma_start3A_96 = arith.constant 0 : i32
      %dma_start3A_97 = tpu.memref_slice %arg4[%add3A, %dma_start3A_95, %dma_start3A_96] : memref<32x97x128xi32, #tpu.memory_space<hbm>> -> memref<1x97x128xi32, #tpu.memory_space<hbm>>
      %dma_start3A_98 = tpu.memref_squeeze %dma_start3A_97 : memref<1x97x128xi32, #tpu.memory_space<hbm>> -> memref<97x128xi32, #tpu.memory_space<hbm>>
      %dma_start3A_99 = arith.constant 0 : i32
      %dma_start3A_100 = tpu.memref_slice %dma_start3A_98[%multiple_of3A, %dma_start3A_99] : memref<97x128xi32, #tpu.memory_space<hbm>> -> memref<48x128xi32, #tpu.memory_space<hbm>>
      tpu.enqueue_dma source(%dma_start3A_100 : memref<48x128xi32, #tpu.memory_space<hbm>>) target(%arg8 : memref<48x128xi32, #tpu.memory_space<vmem>>) target_semaphore(%run_scoped3A : memref<!tpu.dma_semaphore, #tpu.memory_space<semaphore_mem>>)
      %dma_wait3A = arith.constant 0 : i32
      %dma_wait3A_101 = arith.constant 0 : i32
      %dma_wait3A_102 = tpu.memref_slice %arg4[%add3A, %dma_wait3A, %dma_wait3A_101] : memref<32x97x128xi32, #tpu.memory_space<hbm>> -> memref<1x97x128xi32, #tpu.memory_space<hbm>>
      %dma_wait3A_103 = tpu.memref_squeeze %dma_wait3A_102 : memref<1x97x128xi32, #tpu.memory_space<hbm>> -> memref<97x128xi32, #tpu.memory_space<hbm>>
      %dma_wait3A_104 = arith.constant 0 : i32
      %dma_wait3A_105 = tpu.memref_slice %dma_wait3A_103[%multiple_of3A, %dma_wait3A_104] : memref<97x128xi32, #tpu.memory_space<hbm>> -> memref<48x128xi32, #tpu.memory_space<hbm>>
      %dma_wait3A_106 = arith.constant 0 : i32
      %dma_wait3A_107 = arith.constant 0 : i32
      %dma_wait3A_108 = tpu.memref_slice %arg4[%add3A, %dma_wait3A_106, %dma_wait3A_107] : memref<32x97x128xi32, #tpu.memory_space<hbm>> -> memref<1x97x128xi32, #tpu.memory_space<hbm>>
      %dma_wait3A_109 = tpu.memref_squeeze %dma_wait3A_108 : memref<1x97x128xi32, #tpu.memory_space<hbm>> -> memref<97x128xi32, #tpu.memory_space<hbm>>
      %dma_wait3A_110 = arith.constant 0 : i32
      %dma_wait3A_111 = tpu.memref_slice %dma_wait3A_109[%multiple_of3A, %dma_wait3A_110] : memref<97x128xi32, #tpu.memory_space<hbm>> -> memref<48x128xi32, #tpu.memory_space<hbm>>
      tpu.wait_dma2 semaphore(%run_scoped3A : memref<!tpu.dma_semaphore, #tpu.memory_space<semaphore_mem>>) src(%dma_wait3A_111 : memref<48x128xi32, #tpu.memory_space<hbm>>) dst(%arg8 : memref<48x128xi32, #tpu.memory_space<vmem>>)
      tpu.yield
    }) : () -> ()
    %dma_start3A = arith.constant 0 : i32
    %dma_start3A_7 = arith.constant 0 : i32
    %dma_start3A_8 = tpu.memref_slice %arg7[%dma_start3A, %dma_start3A_7] : memref<48x128xi32, #tpu.memory_space<vmem>> -> memref<1x128xi32, #tpu.memory_space<vmem>>
    %dma_start3A_9 = tpu.memref_squeeze %dma_start3A_8 : memref<1x128xi32, #tpu.memory_space<vmem>> -> memref<128xi32, #tpu.memory_space<vmem>>
    %dma_start3A_10 = arith.constant 0 : i32
    %dma_start3A_11 = arith.constant 0 : i32
    %dma_start3A_12 = tpu.memref_slice %arg2[%dma_start3A_10, %dma_start3A_11] : memref<10000x128xf32, #tpu.memory_space<hbm>> -> memref<10000x128xf32, #tpu.memory_space<hbm>>
    tpu.enqueue_indirect_dma source(%dma_start3A_12 : memref<10000x128xf32, #tpu.memory_space<hbm>>) target(%arg9 : memref<128x128xf32, #tpu.memory_space<vmem>>) offsets(%dma_start3A_9 : memref<128xi32, #tpu.memory_space<vmem>>) semaphore(%arg12 : memref<!tpu.dma_semaphore, #tpu.memory_space<semaphore_mem>>)
    %jit3A_13 = arith.constant 2 : i32
    %div3A = arith.divsi %select_n3A, %jit3A_13 : i32
    %sign3A = arith.constant 0 : i32
    %sign3A_14 = arith.cmpi sgt, %select_n3A, %sign3A : i32
    %sign3A_15 = arith.extui %sign3A_14 : i1 to i32
    %sign3A_16 = arith.constant 0 : i32
    %sign3A_17 = arith.cmpi slt, %select_n3A, %sign3A_16 : i32
    %sign3A_18 = arith.extui %sign3A_17 : i1 to i32
    %sign3A_19 = arith.subi %sign3A_15, %sign3A_18 : i32
    %sign3A_20 = arith.constant 0 : i32
    %sign3A_21 = arith.cmpi sgt, %jit3A_13, %sign3A_20 : i32
    %sign3A_22 = arith.extui %sign3A_21 : i1 to i32
    %sign3A_23 = arith.constant 0 : i32
    %sign3A_24 = arith.cmpi slt, %jit3A_13, %sign3A_23 : i32
    %sign3A_25 = arith.extui %sign3A_24 : i1 to i32
    %sign3A_26 = arith.subi %sign3A_22, %sign3A_25 : i32
    %ne3A = arith.cmpi ne, %sign3A_19, %sign3A_26 : i32
    %rem3A = arith.remsi %select_n3A, %jit3A_13 : i32
    %ne3A_27 = arith.constant 0 : i32
    %ne3A_28 = arith.cmpi ne, %rem3A, %ne3A_27 : i32
    %and3A = arith.andi %ne3A, %ne3A_28 : i1
    %sub3A = arith.constant 1 : i32
    %sub3A_29 = arith.subi %div3A, %sub3A : i32
    %select_n3A_30 = arith.select %and3A, %sub3A_29, %div3A : i32
    %while3A = arith.constant 0 : i32
    %while3A_31 = arith.constant 0 : i32
    %while3A_32 = arith.subi %select_n3A_30, %while3A_31 : i32
    %while3A_33 = arith.addi %while3A_31, %while3A_32 : i32
    %while3A_34 = arith.constant 1 : i32
    %while3A_35 = arith.divsi %while3A_32, %while3A_34 : i32
    %while3A_36 = arith.muli %while3A_35, %while3A_34 : i32
    %while3A_37 = arith.addi %while3A_31, %while3A_36 : i32
    %while3A_38 = arith.constant 1 : i32
    scf.for %while3A_89 = %while3A_31 to %while3A_37 step %while3A_38  : i32 {
      %mul3A_90 = arith.constant 2 : i32
      %mul3A_91 = arith.muli %mul3A_90, %while3A_89 : i32
      %add3A_92 = arith.constant 1 : i32
      %add3A_93 = arith.addi %mul3A_91, %add3A_92 : i32
      %dma_start3A_94 = arith.constant 0 : i32
      %dma_start3A_95 = tpu.memref_slice %arg7[%add3A_93, %dma_start3A_94] : memref<48x128xi32, #tpu.memory_space<vmem>> -> memref<1x128xi32, #tpu.memory_space<vmem>>
      %dma_start3A_96 = tpu.memref_squeeze %dma_start3A_95 : memref<1x128xi32, #tpu.memory_space<vmem>> -> memref<128xi32, #tpu.memory_space<vmem>>
      %dma_start3A_97 = arith.constant 0 : i32
      %dma_start3A_98 = arith.constant 0 : i32
      %dma_start3A_99 = tpu.memref_slice %arg2[%dma_start3A_97, %dma_start3A_98] : memref<10000x128xf32, #tpu.memory_space<hbm>> -> memref<10000x128xf32, #tpu.memory_space<hbm>>
      tpu.enqueue_indirect_dma source(%dma_start3A_99 : memref<10000x128xf32, #tpu.memory_space<hbm>>) target(%arg10 : memref<128x128xf32, #tpu.memory_space<vmem>>) offsets(%dma_start3A_96 : memref<128xi32, #tpu.memory_space<vmem>>) semaphore(%arg13 : memref<!tpu.dma_semaphore, #tpu.memory_space<semaphore_mem>>)
      %dma_wait3A = arith.constant 0 : i32
      %dma_wait3A_100 = tpu.memref_slice %arg7[%mul3A_91, %dma_wait3A] : memref<48x128xi32, #tpu.memory_space<vmem>> -> memref<1x128xi32, #tpu.memory_space<vmem>>
      %dma_wait3A_101 = tpu.memref_squeeze %dma_wait3A_100 : memref<1x128xi32, #tpu.memory_space<vmem>> -> memref<128xi32, #tpu.memory_space<vmem>>
      %dma_wait3A_102 = arith.constant 0 : i32
      %dma_wait3A_103 = arith.constant 0 : i32
      %dma_wait3A_104 = tpu.memref_slice %arg2[%dma_wait3A_102, %dma_wait3A_103] : memref<10000x128xf32, #tpu.memory_space<hbm>> -> memref<10000x128xf32, #tpu.memory_space<hbm>>
      tpu.wait_indirect_dma semaphore(%arg12 : memref<!tpu.dma_semaphore, #tpu.memory_space<semaphore_mem>>) src(%dma_wait3A_104 : memref<10000x128xf32, #tpu.memory_space<hbm>>) dst(%arg9 : memref<128x128xf32, #tpu.memory_space<vmem>>)
      "tpu.region"() ({
        %run_scoped3A = tpu.sem_alloc : memref<!tpu.dma_semaphore, #tpu.memory_space<semaphore_mem>>
        %dma_start3A_114 = arith.constant 0 : i32
        %dma_start3A_115 = tpu.memref_slice %arg8[%mul3A_91, %dma_start3A_114] : memref<48x128xi32, #tpu.memory_space<vmem>> -> memref<1x128xi32, #tpu.memory_space<vmem>>
        %dma_start3A_116 = tpu.memref_squeeze %dma_start3A_115 : memref<1x128xi32, #tpu.memory_space<vmem>> -> memref<128xi32, #tpu.memory_space<vmem>>
        %dma_start3A_117 = arith.constant 0 : i32
        %dma_start3A_118 = arith.constant 0 : i32
        %dma_start3A_119 = tpu.memref_slice %arg11[%dma_start3A_117, %dma_start3A_118] : memref<10112x128xf32, #tpu.memory_space<vmem_shared>> -> memref<10112x128xf32, #tpu.memory_space<vmem_shared>>
        tpu.enqueue_indirect_dma source(%arg9 : memref<128x128xf32, #tpu.memory_space<vmem>>) target(%dma_start3A_119 : memref<10112x128xf32, #tpu.memory_space<vmem_shared>>) offsets(%dma_start3A_116 : memref<128xi32, #tpu.memory_space<vmem>>) semaphore(%run_scoped3A : memref<!tpu.dma_semaphore, #tpu.memory_space<semaphore_mem>>) {add = true}
        %dma_wait3A_120 = arith.constant 0 : i32
        %dma_wait3A_121 = tpu.memref_slice %arg8[%mul3A_91, %dma_wait3A_120] : memref<48x128xi32, #tpu.memory_space<vmem>> -> memref<1x128xi32, #tpu.memory_space<vmem>>
        %dma_wait3A_122 = tpu.memref_squeeze %dma_wait3A_121 : memref<1x128xi32, #tpu.memory_space<vmem>> -> memref<128xi32, #tpu.memory_space<vmem>>
        %dma_wait3A_123 = arith.constant 0 : i32
        %dma_wait3A_124 = arith.constant 0 : i32
        %dma_wait3A_125 = tpu.memref_slice %arg11[%dma_wait3A_123, %dma_wait3A_124] : memref<10112x128xf32, #tpu.memory_space<vmem_shared>> -> memref<10112x128xf32, #tpu.memory_space<vmem_shared>>
        tpu.wait_indirect_dma semaphore(%run_scoped3A : memref<!tpu.dma_semaphore, #tpu.memory_space<semaphore_mem>>) src(%arg9 : memref<128x128xf32, #tpu.memory_space<vmem>>) dst(%dma_wait3A_125 : memref<10112x128xf32, #tpu.memory_space<vmem_shared>>)
        tpu.yield
      }) : () -> ()
      %add3A_105 = arith.constant 2 : i32
      %add3A_106 = arith.addi %mul3A_91, %add3A_105 : i32
      %lt3A = arith.cmpi slt, %add3A_106, %select_n3A : i32
      %convert_element_type3A = arith.extui %lt3A : i1 to i32
      %cond3A = arith.constant 0 : i32
      %cond3A_107 = arith.cmpi ne, %convert_element_type3A, %cond3A : i32
      scf.if %cond3A_107 {
        %add3A_114 = arith.constant 2 : i32
        %add3A_115 = arith.addi %mul3A_91, %add3A_114 : i32
        %dma_start3A_116 = arith.constant 0 : i32
        %dma_start3A_117 = tpu.memref_slice %arg7[%add3A_115, %dma_start3A_116] : memref<48x128xi32, #tpu.memory_space<vmem>> -> memref<1x128xi32, #tpu.memory_space<vmem>>
        %dma_start3A_118 = tpu.memref_squeeze %dma_start3A_117 : memref<1x128xi32, #tpu.memory_space<vmem>> -> memref<128xi32, #tpu.memory_space<vmem>>
        %dma_start3A_119 = arith.constant 0 : i32
        %dma_start3A_120 = arith.constant 0 : i32
        %dma_start3A_121 = tpu.memref_slice %arg2[%dma_start3A_119, %dma_start3A_120] : memref<10000x128xf32, #tpu.memory_space<hbm>> -> memref<10000x128xf32, #tpu.memory_space<hbm>>
        tpu.enqueue_indirect_dma source(%dma_start3A_121 : memref<10000x128xf32, #tpu.memory_space<hbm>>) target(%arg9 : memref<128x128xf32, #tpu.memory_space<vmem>>) offsets(%dma_start3A_118 : memref<128xi32, #tpu.memory_space<vmem>>) semaphore(%arg12 : memref<!tpu.dma_semaphore, #tpu.memory_space<semaphore_mem>>)
      } else {
      }
      %dma_wait3A_108 = arith.constant 0 : i32
      %dma_wait3A_109 = tpu.memref_slice %arg7[%add3A_93, %dma_wait3A_108] : memref<48x128xi32, #tpu.memory_space<vmem>> -> memref<1x128xi32, #tpu.memory_space<vmem>>
      %dma_wait3A_110 = tpu.memref_squeeze %dma_wait3A_109 : memref<1x128xi32, #tpu.memory_space<vmem>> -> memref<128xi32, #tpu.memory_space<vmem>>
      %dma_wait3A_111 = arith.constant 0 : i32
      %dma_wait3A_112 = arith.constant 0 : i32
      %dma_wait3A_113 = tpu.memref_slice %arg2[%dma_wait3A_111, %dma_wait3A_112] : memref<10000x128xf32, #tpu.memory_space<hbm>> -> memref<10000x128xf32, #tpu.memory_space<hbm>>
      tpu.wait_indirect_dma semaphore(%arg13 : memref<!tpu.dma_semaphore, #tpu.memory_space<semaphore_mem>>) src(%dma_wait3A_113 : memref<10000x128xf32, #tpu.memory_space<hbm>>) dst(%arg10 : memref<128x128xf32, #tpu.memory_space<vmem>>)
      "tpu.region"() ({
        %run_scoped3A = tpu.sem_alloc : memref<!tpu.dma_semaphore, #tpu.memory_space<semaphore_mem>>
        %dma_start3A_114 = arith.constant 0 : i32
        %dma_start3A_115 = tpu.memref_slice %arg8[%add3A_93, %dma_start3A_114] : memref<48x128xi32, #tpu.memory_space<vmem>> -> memref<1x128xi32, #tpu.memory_space<vmem>>
        %dma_start3A_116 = tpu.memref_squeeze %dma_start3A_115 : memref<1x128xi32, #tpu.memory_space<vmem>> -> memref<128xi32, #tpu.memory_space<vmem>>
        %dma_start3A_117 = arith.constant 0 : i32
        %dma_start3A_118 = arith.constant 0 : i32
        %dma_start3A_119 = tpu.memref_slice %arg11[%dma_start3A_117, %dma_start3A_118] : memref<10112x128xf32, #tpu.memory_space<vmem_shared>> -> memref<10112x128xf32, #tpu.memory_space<vmem_shared>>
        tpu.enqueue_indirect_dma source(%arg10 : memref<128x128xf32, #tpu.memory_space<vmem>>) target(%dma_start3A_119 : memref<10112x128xf32, #tpu.memory_space<vmem_shared>>) offsets(%dma_start3A_116 : memref<128xi32, #tpu.memory_space<vmem>>) semaphore(%run_scoped3A : memref<!tpu.dma_semaphore, #tpu.memory_space<semaphore_mem>>) {add = true}
        %dma_wait3A_120 = arith.constant 0 : i32
        %dma_wait3A_121 = tpu.memref_slice %arg8[%add3A_93, %dma_wait3A_120] : memref<48x128xi32, #tpu.memory_space<vmem>> -> memref<1x128xi32, #tpu.memory_space<vmem>>
        %dma_wait3A_122 = tpu.memref_squeeze %dma_wait3A_121 : memref<1x128xi32, #tpu.memory_space<vmem>> -> memref<128xi32, #tpu.memory_space<vmem>>
        %dma_wait3A_123 = arith.constant 0 : i32
        %dma_wait3A_124 = arith.constant 0 : i32
        %dma_wait3A_125 = tpu.memref_slice %arg11[%dma_wait3A_123, %dma_wait3A_124] : memref<10112x128xf32, #tpu.memory_space<vmem_shared>> -> memref<10112x128xf32, #tpu.memory_space<vmem_shared>>
        tpu.wait_indirect_dma semaphore(%run_scoped3A : memref<!tpu.dma_semaphore, #tpu.memory_space<semaphore_mem>>) src(%arg10 : memref<128x128xf32, #tpu.memory_space<vmem>>) dst(%dma_wait3A_125 : memref<10112x128xf32, #tpu.memory_space<vmem_shared>>)
        tpu.yield
      }) : () -> ()
    }
    %while3A_39 = arith.constant 1 : i32
    scf.for %while3A_89 = %while3A_37 to %while3A_33 step %while3A_39  : i32 {
      %mul3A_90 = arith.constant 2 : i32
      %mul3A_91 = arith.muli %mul3A_90, %while3A_89 : i32
      %add3A_92 = arith.constant 1 : i32
      %add3A_93 = arith.addi %mul3A_91, %add3A_92 : i32
      %dma_start3A_94 = arith.constant 0 : i32
      %dma_start3A_95 = tpu.memref_slice %arg7[%add3A_93, %dma_start3A_94] : memref<48x128xi32, #tpu.memory_space<vmem>> -> memref<1x128xi32, #tpu.memory_space<vmem>>
      %dma_start3A_96 = tpu.memref_squeeze %dma_start3A_95 : memref<1x128xi32, #tpu.memory_space<vmem>> -> memref<128xi32, #tpu.memory_space<vmem>>
      %dma_start3A_97 = arith.constant 0 : i32
      %dma_start3A_98 = arith.constant 0 : i32
      %dma_start3A_99 = tpu.memref_slice %arg2[%dma_start3A_97, %dma_start3A_98] : memref<10000x128xf32, #tpu.memory_space<hbm>> -> memref<10000x128xf32, #tpu.memory_space<hbm>>
      tpu.enqueue_indirect_dma source(%dma_start3A_99 : memref<10000x128xf32, #tpu.memory_space<hbm>>) target(%arg10 : memref<128x128xf32, #tpu.memory_space<vmem>>) offsets(%dma_start3A_96 : memref<128xi32, #tpu.memory_space<vmem>>) semaphore(%arg13 : memref<!tpu.dma_semaphore, #tpu.memory_space<semaphore_mem>>)
      %dma_wait3A = arith.constant 0 : i32
      %dma_wait3A_100 = tpu.memref_slice %arg7[%mul3A_91, %dma_wait3A] : memref<48x128xi32, #tpu.memory_space<vmem>> -> memref<1x128xi32, #tpu.memory_space<vmem>>
      %dma_wait3A_101 = tpu.memref_squeeze %dma_wait3A_100 : memref<1x128xi32, #tpu.memory_space<vmem>> -> memref<128xi32, #tpu.memory_space<vmem>>
      %dma_wait3A_102 = arith.constant 0 : i32
      %dma_wait3A_103 = arith.constant 0 : i32
      %dma_wait3A_104 = tpu.memref_slice %arg2[%dma_wait3A_102, %dma_wait3A_103] : memref<10000x128xf32, #tpu.memory_space<hbm>> -> memref<10000x128xf32, #tpu.memory_space<hbm>>
      tpu.wait_indirect_dma semaphore(%arg12 : memref<!tpu.dma_semaphore, #tpu.memory_space<semaphore_mem>>) src(%dma_wait3A_104 : memref<10000x128xf32, #tpu.memory_space<hbm>>) dst(%arg9 : memref<128x128xf32, #tpu.memory_space<vmem>>)
      "tpu.region"() ({
        %run_scoped3A = tpu.sem_alloc : memref<!tpu.dma_semaphore, #tpu.memory_space<semaphore_mem>>
        %dma_start3A_114 = arith.constant 0 : i32
        %dma_start3A_115 = tpu.memref_slice %arg8[%mul3A_91, %dma_start3A_114] : memref<48x128xi32, #tpu.memory_space<vmem>> -> memref<1x128xi32, #tpu.memory_space<vmem>>
        %dma_start3A_116 = tpu.memref_squeeze %dma_start3A_115 : memref<1x128xi32, #tpu.memory_space<vmem>> -> memref<128xi32, #tpu.memory_space<vmem>>
        %dma_start3A_117 = arith.constant 0 : i32
        %dma_start3A_118 = arith.constant 0 : i32
        %dma_start3A_119 = tpu.memref_slice %arg11[%dma_start3A_117, %dma_start3A_118] : memref<10112x128xf32, #tpu.memory_space<vmem_shared>> -> memref<10112x128xf32, #tpu.memory_space<vmem_shared>>
        tpu.enqueue_indirect_dma source(%arg9 : memref<128x128xf32, #tpu.memory_space<vmem>>) target(%dma_start3A_119 : memref<10112x128xf32, #tpu.memory_space<vmem_shared>>) offsets(%dma_start3A_116 : memref<128xi32, #tpu.memory_space<vmem>>) semaphore(%run_scoped3A : memref<!tpu.dma_semaphore, #tpu.memory_space<semaphore_mem>>) {add = true}
        %dma_wait3A_120 = arith.constant 0 : i32
        %dma_wait3A_121 = tpu.memref_slice %arg8[%mul3A_91, %dma_wait3A_120] : memref<48x128xi32, #tpu.memory_space<vmem>> -> memref<1x128xi32, #tpu.memory_space<vmem>>
        %dma_wait3A_122 = tpu.memref_squeeze %dma_wait3A_121 : memref<1x128xi32, #tpu.memory_space<vmem>> -> memref<128xi32, #tpu.memory_space<vmem>>
        %dma_wait3A_123 = arith.constant 0 : i32
        %dma_wait3A_124 = arith.constant 0 : i32
        %dma_wait3A_125 = tpu.memref_slice %arg11[%dma_wait3A_123, %dma_wait3A_124] : memref<10112x128xf32, #tpu.memory_space<vmem_shared>> -> memref<10112x128xf32, #tpu.memory_space<vmem_shared>>
        tpu.wait_indirect_dma semaphore(%run_scoped3A : memref<!tpu.dma_semaphore, #tpu.memory_space<semaphore_mem>>) src(%arg9 : memref<128x128xf32, #tpu.memory_space<vmem>>) dst(%dma_wait3A_125 : memref<10112x128xf32, #tpu.memory_space<vmem_shared>>)
        tpu.yield
      }) : () -> ()
      %add3A_105 = arith.constant 2 : i32
      %add3A_106 = arith.addi %mul3A_91, %add3A_105 : i32
      %lt3A = arith.cmpi slt, %add3A_106, %select_n3A : i32
      %convert_element_type3A = arith.extui %lt3A : i1 to i32
      %cond3A = arith.constant 0 : i32
      %cond3A_107 = arith.cmpi ne, %convert_element_type3A, %cond3A : i32
      scf.if %cond3A_107 {
        %add3A_114 = arith.constant 2 : i32
        %add3A_115 = arith.addi %mul3A_91, %add3A_114 : i32
        %dma_start3A_116 = arith.constant 0 : i32
        %dma_start3A_117 = tpu.memref_slice %arg7[%add3A_115, %dma_start3A_116] : memref<48x128xi32, #tpu.memory_space<vmem>> -> memref<1x128xi32, #tpu.memory_space<vmem>>
        %dma_start3A_118 = tpu.memref_squeeze %dma_start3A_117 : memref<1x128xi32, #tpu.memory_space<vmem>> -> memref<128xi32, #tpu.memory_space<vmem>>
        %dma_start3A_119 = arith.constant 0 : i32
        %dma_start3A_120 = arith.constant 0 : i32
        %dma_start3A_121 = tpu.memref_slice %arg2[%dma_start3A_119, %dma_start3A_120] : memref<10000x128xf32, #tpu.memory_space<hbm>> -> memref<10000x128xf32, #tpu.memory_space<hbm>>
        tpu.enqueue_indirect_dma source(%dma_start3A_121 : memref<10000x128xf32, #tpu.memory_space<hbm>>) target(%arg9 : memref<128x128xf32, #tpu.memory_space<vmem>>) offsets(%dma_start3A_118 : memref<128xi32, #tpu.memory_space<vmem>>) semaphore(%arg12 : memref<!tpu.dma_semaphore, #tpu.memory_space<semaphore_mem>>)
      } else {
      }
      %dma_wait3A_108 = arith.constant 0 : i32
      %dma_wait3A_109 = tpu.memref_slice %arg7[%add3A_93, %dma_wait3A_108] : memref<48x128xi32, #tpu.memory_space<vmem>> -> memref<1x128xi32, #tpu.memory_space<vmem>>
      %dma_wait3A_110 = tpu.memref_squeeze %dma_wait3A_109 : memref<1x128xi32, #tpu.memory_space<vmem>> -> memref<128xi32, #tpu.memory_space<vmem>>
      %dma_wait3A_111 = arith.constant 0 : i32
      %dma_wait3A_112 = arith.constant 0 : i32
      %dma_wait3A_113 = tpu.memref_slice %arg2[%dma_wait3A_111, %dma_wait3A_112] : memref<10000x128xf32, #tpu.memory_space<hbm>> -> memref<10000x128xf32, #tpu.memory_space<hbm>>
      tpu.wait_indirect_dma semaphore(%arg13 : memref<!tpu.dma_semaphore, #tpu.memory_space<semaphore_mem>>) src(%dma_wait3A_113 : memref<10000x128xf32, #tpu.memory_space<hbm>>) dst(%arg10 : memref<128x128xf32, #tpu.memory_space<vmem>>)
      "tpu.region"() ({
        %run_scoped3A = tpu.sem_alloc : memref<!tpu.dma_semaphore, #tpu.memory_space<semaphore_mem>>
        %dma_start3A_114 = arith.constant 0 : i32
        %dma_start3A_115 = tpu.memref_slice %arg8[%add3A_93, %dma_start3A_114] : memref<48x128xi32, #tpu.memory_space<vmem>> -> memref<1x128xi32, #tpu.memory_space<vmem>>
        %dma_start3A_116 = tpu.memref_squeeze %dma_start3A_115 : memref<1x128xi32, #tpu.memory_space<vmem>> -> memref<128xi32, #tpu.memory_space<vmem>>
        %dma_start3A_117 = arith.constant 0 : i32
        %dma_start3A_118 = arith.constant 0 : i32
        %dma_start3A_119 = tpu.memref_slice %arg11[%dma_start3A_117, %dma_start3A_118] : memref<10112x128xf32, #tpu.memory_space<vmem_shared>> -> memref<10112x128xf32, #tpu.memory_space<vmem_shared>>
        tpu.enqueue_indirect_dma source(%arg10 : memref<128x128xf32, #tpu.memory_space<vmem>>) target(%dma_start3A_119 : memref<10112x128xf32, #tpu.memory_space<vmem_shared>>) offsets(%dma_start3A_116 : memref<128xi32, #tpu.memory_space<vmem>>) semaphore(%run_scoped3A : memref<!tpu.dma_semaphore, #tpu.memory_space<semaphore_mem>>) {add = true}
        %dma_wait3A_120 = arith.constant 0 : i32
        %dma_wait3A_121 = tpu.memref_slice %arg8[%add3A_93, %dma_wait3A_120] : memref<48x128xi32, #tpu.memory_space<vmem>> -> memref<1x128xi32, #tpu.memory_space<vmem>>
        %dma_wait3A_122 = tpu.memref_squeeze %dma_wait3A_121 : memref<1x128xi32, #tpu.memory_space<vmem>> -> memref<128xi32, #tpu.memory_space<vmem>>
        %dma_wait3A_123 = arith.constant 0 : i32
        %dma_wait3A_124 = arith.constant 0 : i32
        %dma_wait3A_125 = tpu.memref_slice %arg11[%dma_wait3A_123, %dma_wait3A_124] : memref<10112x128xf32, #tpu.memory_space<vmem_shared>> -> memref<10112x128xf32, #tpu.memory_space<vmem_shared>>
        tpu.wait_indirect_dma semaphore(%run_scoped3A : memref<!tpu.dma_semaphore, #tpu.memory_space<semaphore_mem>>) src(%arg10 : memref<128x128xf32, #tpu.memory_space<vmem>>) dst(%dma_wait3A_125 : memref<10112x128xf32, #tpu.memory_space<vmem_shared>>)
        tpu.yield
      }) : () -> ()
    }
    %mul3A_40 = arith.constant 1 : i32
    %mul3A_41 = arith.muli %mul3A_40, %select_n3A : i32
    %multiple_of3A_42 = tpu.assume_multiple %mul3A_41, 8 : i32
    "tpu.region"() ({
      %run_scoped3A = tpu.sem_alloc : memref<!tpu.dma_semaphore, #tpu.memory_space<semaphore_mem>>
      %dma_start3A_89 = arith.constant 0 : i32
      %dma_start3A_90 = arith.constant 0 : i32
      %dma_start3A_91 = tpu.memref_slice %arg3[%add3A, %dma_start3A_89, %dma_start3A_90] : memref<32x97x128xi32, #tpu.memory_space<hbm>> -> memref<1x97x128xi32, #tpu.memory_space<hbm>>
      %dma_start3A_92 = tpu.memref_squeeze %dma_start3A_91 : memref<1x97x128xi32, #tpu.memory_space<hbm>> -> memref<97x128xi32, #tpu.memory_space<hbm>>
      %dma_start3A_93 = arith.constant 0 : i32
      %dma_start3A_94 = tpu.memref_slice %dma_start3A_92[%multiple_of3A_42, %dma_start3A_93] : memref<97x128xi32, #tpu.memory_space<hbm>> -> memref<48x128xi32, #tpu.memory_space<hbm>>
      %dma_start3A_95 = arith.constant 0 : i32
      %dma_start3A_96 = arith.constant 0 : i32
      %dma_start3A_97 = tpu.memref_slice %arg3[%add3A, %dma_start3A_95, %dma_start3A_96] : memref<32x97x128xi32, #tpu.memory_space<hbm>> -> memref<1x97x128xi32, #tpu.memory_space<hbm>>
      %dma_start3A_98 = tpu.memref_squeeze %dma_start3A_97 : memref<1x97x128xi32, #tpu.memory_space<hbm>> -> memref<97x128xi32, #tpu.memory_space<hbm>>
      %dma_start3A_99 = arith.constant 0 : i32
      %dma_start3A_100 = tpu.memref_slice %dma_start3A_98[%multiple_of3A_42, %dma_start3A_99] : memref<97x128xi32, #tpu.memory_space<hbm>> -> memref<48x128xi32, #tpu.memory_space<hbm>>
      tpu.enqueue_dma source(%dma_start3A_100 : memref<48x128xi32, #tpu.memory_space<hbm>>) target(%arg7 : memref<48x128xi32, #tpu.memory_space<vmem>>) target_semaphore(%run_scoped3A : memref<!tpu.dma_semaphore, #tpu.memory_space<semaphore_mem>>)
      %dma_wait3A = arith.constant 0 : i32
      %dma_wait3A_101 = arith.constant 0 : i32
      %dma_wait3A_102 = tpu.memref_slice %arg3[%add3A, %dma_wait3A, %dma_wait3A_101] : memref<32x97x128xi32, #tpu.memory_space<hbm>> -> memref<1x97x128xi32, #tpu.memory_space<hbm>>
      %dma_wait3A_103 = tpu.memref_squeeze %dma_wait3A_102 : memref<1x97x128xi32, #tpu.memory_space<hbm>> -> memref<97x128xi32, #tpu.memory_space<hbm>>
      %dma_wait3A_104 = arith.constant 0 : i32
      %dma_wait3A_105 = tpu.memref_slice %dma_wait3A_103[%multiple_of3A_42, %dma_wait3A_104] : memref<97x128xi32, #tpu.memory_space<hbm>> -> memref<48x128xi32, #tpu.memory_space<hbm>>
      %dma_wait3A_106 = arith.constant 0 : i32
      %dma_wait3A_107 = arith.constant 0 : i32
      %dma_wait3A_108 = tpu.memref_slice %arg3[%add3A, %dma_wait3A_106, %dma_wait3A_107] : memref<32x97x128xi32, #tpu.memory_space<hbm>> -> memref<1x97x128xi32, #tpu.memory_space<hbm>>
      %dma_wait3A_109 = tpu.memref_squeeze %dma_wait3A_108 : memref<1x97x128xi32, #tpu.memory_space<hbm>> -> memref<97x128xi32, #tpu.memory_space<hbm>>
      %dma_wait3A_110 = arith.constant 0 : i32
      %dma_wait3A_111 = tpu.memref_slice %dma_wait3A_109[%multiple_of3A_42, %dma_wait3A_110] : memref<97x128xi32, #tpu.memory_space<hbm>> -> memref<48x128xi32, #tpu.memory_space<hbm>>
      tpu.wait_dma2 semaphore(%run_scoped3A : memref<!tpu.dma_semaphore, #tpu.memory_space<semaphore_mem>>) src(%dma_wait3A_111 : memref<48x128xi32, #tpu.memory_space<hbm>>) dst(%arg7 : memref<48x128xi32, #tpu.memory_space<vmem>>)
      tpu.yield
    }) : () -> ()
    "tpu.region"() ({
      %run_scoped3A = tpu.sem_alloc : memref<!tpu.dma_semaphore, #tpu.memory_space<semaphore_mem>>
      %dma_start3A_89 = arith.constant 0 : i32
      %dma_start3A_90 = arith.constant 0 : i32
      %dma_start3A_91 = tpu.memref_slice %arg4[%add3A, %dma_start3A_89, %dma_start3A_90] : memref<32x97x128xi32, #tpu.memory_space<hbm>> -> memref<1x97x128xi32, #tpu.memory_space<hbm>>
      %dma_start3A_92 = tpu.memref_squeeze %dma_start3A_91 : memref<1x97x128xi32, #tpu.memory_space<hbm>> -> memref<97x128xi32, #tpu.memory_space<hbm>>
      %dma_start3A_93 = arith.constant 0 : i32
      %dma_start3A_94 = tpu.memref_slice %dma_start3A_92[%multiple_of3A_42, %dma_start3A_93] : memref<97x128xi32, #tpu.memory_space<hbm>> -> memref<48x128xi32, #tpu.memory_space<hbm>>
      %dma_start3A_95 = arith.constant 0 : i32
      %dma_start3A_96 = arith.constant 0 : i32
      %dma_start3A_97 = tpu.memref_slice %arg4[%add3A, %dma_start3A_95, %dma_start3A_96] : memref<32x97x128xi32, #tpu.memory_space<hbm>> -> memref<1x97x128xi32, #tpu.memory_space<hbm>>
      %dma_start3A_98 = tpu.memref_squeeze %dma_start3A_97 : memref<1x97x128xi32, #tpu.memory_space<hbm>> -> memref<97x128xi32, #tpu.memory_space<hbm>>
      %dma_start3A_99 = arith.constant 0 : i32
      %dma_start3A_100 = tpu.memref_slice %dma_start3A_98[%multiple_of3A_42, %dma_start3A_99] : memref<97x128xi32, #tpu.memory_space<hbm>> -> memref<48x128xi32, #tpu.memory_space<hbm>>
      tpu.enqueue_dma source(%dma_start3A_100 : memref<48x128xi32, #tpu.memory_space<hbm>>) target(%arg8 : memref<48x128xi32, #tpu.memory_space<vmem>>) target_semaphore(%run_scoped3A : memref<!tpu.dma_semaphore, #tpu.memory_space<semaphore_mem>>)
      %dma_wait3A = arith.constant 0 : i32
      %dma_wait3A_101 = arith.constant 0 : i32
      %dma_wait3A_102 = tpu.memref_slice %arg4[%add3A, %dma_wait3A, %dma_wait3A_101] : memref<32x97x128xi32, #tpu.memory_space<hbm>> -> memref<1x97x128xi32, #tpu.memory_space<hbm>>
      %dma_wait3A_103 = tpu.memref_squeeze %dma_wait3A_102 : memref<1x97x128xi32, #tpu.memory_space<hbm>> -> memref<97x128xi32, #tpu.memory_space<hbm>>
      %dma_wait3A_104 = arith.constant 0 : i32
      %dma_wait3A_105 = tpu.memref_slice %dma_wait3A_103[%multiple_of3A_42, %dma_wait3A_104] : memref<97x128xi32, #tpu.memory_space<hbm>> -> memref<48x128xi32, #tpu.memory_space<hbm>>
      %dma_wait3A_106 = arith.constant 0 : i32
      %dma_wait3A_107 = arith.constant 0 : i32
      %dma_wait3A_108 = tpu.memref_slice %arg4[%add3A, %dma_wait3A_106, %dma_wait3A_107] : memref<32x97x128xi32, #tpu.memory_space<hbm>> -> memref<1x97x128xi32, #tpu.memory_space<hbm>>
      %dma_wait3A_109 = tpu.memref_squeeze %dma_wait3A_108 : memref<1x97x128xi32, #tpu.memory_space<hbm>> -> memref<97x128xi32, #tpu.memory_space<hbm>>
      %dma_wait3A_110 = arith.constant 0 : i32
      %dma_wait3A_111 = tpu.memref_slice %dma_wait3A_109[%multiple_of3A_42, %dma_wait3A_110] : memref<97x128xi32, #tpu.memory_space<hbm>> -> memref<48x128xi32, #tpu.memory_space<hbm>>
      tpu.wait_dma2 semaphore(%run_scoped3A : memref<!tpu.dma_semaphore, #tpu.memory_space<semaphore_mem>>) src(%dma_wait3A_111 : memref<48x128xi32, #tpu.memory_space<hbm>>) dst(%arg8 : memref<48x128xi32, #tpu.memory_space<vmem>>)
      tpu.yield
    }) : () -> ()
    %dma_start3A_43 = arith.constant 0 : i32
    %dma_start3A_44 = arith.constant 0 : i32
    %dma_start3A_45 = tpu.memref_slice %arg7[%dma_start3A_43, %dma_start3A_44] : memref<48x128xi32, #tpu.memory_space<vmem>> -> memref<1x128xi32, #tpu.memory_space<vmem>>
    %dma_start3A_46 = tpu.memref_squeeze %dma_start3A_45 : memref<1x128xi32, #tpu.memory_space<vmem>> -> memref<128xi32, #tpu.memory_space<vmem>>
    %dma_start3A_47 = arith.constant 0 : i32
    %dma_start3A_48 = arith.constant 0 : i32
    %dma_start3A_49 = tpu.memref_slice %arg2[%dma_start3A_47, %dma_start3A_48] : memref<10000x128xf32, #tpu.memory_space<hbm>> -> memref<10000x128xf32, #tpu.memory_space<hbm>>
    tpu.enqueue_indirect_dma source(%dma_start3A_49 : memref<10000x128xf32, #tpu.memory_space<hbm>>) target(%arg9 : memref<128x128xf32, #tpu.memory_space<vmem>>) offsets(%dma_start3A_46 : memref<128xi32, #tpu.memory_space<vmem>>) semaphore(%arg12 : memref<!tpu.dma_semaphore, #tpu.memory_space<semaphore_mem>>)
    %jit3A_50 = arith.constant 2 : i32
    %div3A_51 = arith.divsi %select_n3A, %jit3A_50 : i32
    %sign3A_52 = arith.constant 0 : i32
    %sign3A_53 = arith.cmpi sgt, %select_n3A, %sign3A_52 : i32
    %sign3A_54 = arith.extui %sign3A_53 : i1 to i32
    %sign3A_55 = arith.constant 0 : i32
    %sign3A_56 = arith.cmpi slt, %select_n3A, %sign3A_55 : i32
    %sign3A_57 = arith.extui %sign3A_56 : i1 to i32
    %sign3A_58 = arith.subi %sign3A_54, %sign3A_57 : i32
    %sign3A_59 = arith.constant 0 : i32
    %sign3A_60 = arith.cmpi sgt, %jit3A_50, %sign3A_59 : i32
    %sign3A_61 = arith.extui %sign3A_60 : i1 to i32
    %sign3A_62 = arith.constant 0 : i32
    %sign3A_63 = arith.cmpi slt, %jit3A_50, %sign3A_62 : i32
    %sign3A_64 = arith.extui %sign3A_63 : i1 to i32
    %sign3A_65 = arith.subi %sign3A_61, %sign3A_64 : i32
    %ne3A_66 = arith.cmpi ne, %sign3A_58, %sign3A_65 : i32
    %rem3A_67 = arith.remsi %select_n3A, %jit3A_50 : i32
    %ne3A_68 = arith.constant 0 : i32
    %ne3A_69 = arith.cmpi ne, %rem3A_67, %ne3A_68 : i32
    %and3A_70 = arith.andi %ne3A_66, %ne3A_69 : i1
    %sub3A_71 = arith.constant 1 : i32
    %sub3A_72 = arith.subi %div3A_51, %sub3A_71 : i32
    %select_n3A_73 = arith.select %and3A_70, %sub3A_72, %div3A_51 : i32
    %while3A_74 = arith.constant 0 : i32
    %while3A_75 = arith.constant 0 : i32
    %while3A_76 = arith.subi %select_n3A_73, %while3A_75 : i32
    %while3A_77 = arith.addi %while3A_75, %while3A_76 : i32
    %while3A_78 = arith.constant 1 : i32
    %while3A_79 = arith.divsi %while3A_76, %while3A_78 : i32
    %while3A_80 = arith.muli %while3A_79, %while3A_78 : i32
    %while3A_81 = arith.addi %while3A_75, %while3A_80 : i32
    %while3A_82 = arith.constant 1 : i32
    scf.for %while3A_89 = %while3A_75 to %while3A_81 step %while3A_82  : i32 {
      %mul3A_90 = arith.constant 2 : i32
      %mul3A_91 = arith.muli %mul3A_90, %while3A_89 : i32
      %add3A_92 = arith.constant 1 : i32
      %add3A_93 = arith.addi %mul3A_91, %add3A_92 : i32
      %dma_start3A_94 = arith.constant 0 : i32
      %dma_start3A_95 = tpu.memref_slice %arg7[%add3A_93, %dma_start3A_94] : memref<48x128xi32, #tpu.memory_space<vmem>> -> memref<1x128xi32, #tpu.memory_space<vmem>>
      %dma_start3A_96 = tpu.memref_squeeze %dma_start3A_95 : memref<1x128xi32, #tpu.memory_space<vmem>> -> memref<128xi32, #tpu.memory_space<vmem>>
      %dma_start3A_97 = arith.constant 0 : i32
      %dma_start3A_98 = arith.constant 0 : i32
      %dma_start3A_99 = tpu.memref_slice %arg2[%dma_start3A_97, %dma_start3A_98] : memref<10000x128xf32, #tpu.memory_space<hbm>> -> memref<10000x128xf32, #tpu.memory_space<hbm>>
      tpu.enqueue_indirect_dma source(%dma_start3A_99 : memref<10000x128xf32, #tpu.memory_space<hbm>>) target(%arg10 : memref<128x128xf32, #tpu.memory_space<vmem>>) offsets(%dma_start3A_96 : memref<128xi32, #tpu.memory_space<vmem>>) semaphore(%arg13 : memref<!tpu.dma_semaphore, #tpu.memory_space<semaphore_mem>>)
      %dma_wait3A = arith.constant 0 : i32
      %dma_wait3A_100 = tpu.memref_slice %arg7[%mul3A_91, %dma_wait3A] : memref<48x128xi32, #tpu.memory_space<vmem>> -> memref<1x128xi32, #tpu.memory_space<vmem>>
      %dma_wait3A_101 = tpu.memref_squeeze %dma_wait3A_100 : memref<1x128xi32, #tpu.memory_space<vmem>> -> memref<128xi32, #tpu.memory_space<vmem>>
      %dma_wait3A_102 = arith.constant 0 : i32
      %dma_wait3A_103 = arith.constant 0 : i32
      %dma_wait3A_104 = tpu.memref_slice %arg2[%dma_wait3A_102, %dma_wait3A_103] : memref<10000x128xf32, #tpu.memory_space<hbm>> -> memref<10000x128xf32, #tpu.memory_space<hbm>>
      tpu.wait_indirect_dma semaphore(%arg12 : memref<!tpu.dma_semaphore, #tpu.memory_space<semaphore_mem>>) src(%dma_wait3A_104 : memref<10000x128xf32, #tpu.memory_space<hbm>>) dst(%arg9 : memref<128x128xf32, #tpu.memory_space<vmem>>)
      "tpu.region"() ({
        %run_scoped3A = tpu.sem_alloc : memref<!tpu.dma_semaphore, #tpu.memory_space<semaphore_mem>>
        %dma_start3A_114 = arith.constant 0 : i32
        %dma_start3A_115 = tpu.memref_slice %arg8[%mul3A_91, %dma_start3A_114] : memref<48x128xi32, #tpu.memory_space<vmem>> -> memref<1x128xi32, #tpu.memory_space<vmem>>
        %dma_start3A_116 = tpu.memref_squeeze %dma_start3A_115 : memref<1x128xi32, #tpu.memory_space<vmem>> -> memref<128xi32, #tpu.memory_space<vmem>>
        %dma_start3A_117 = arith.constant 0 : i32
        %dma_start3A_118 = arith.constant 0 : i32
        %dma_start3A_119 = tpu.memref_slice %arg11[%dma_start3A_117, %dma_start3A_118] : memref<10112x128xf32, #tpu.memory_space<vmem_shared>> -> memref<10112x128xf32, #tpu.memory_space<vmem_shared>>
        tpu.enqueue_indirect_dma source(%arg9 : memref<128x128xf32, #tpu.memory_space<vmem>>) target(%dma_start3A_119 : memref<10112x128xf32, #tpu.memory_space<vmem_shared>>) offsets(%dma_start3A_116 : memref<128xi32, #tpu.memory_space<vmem>>) semaphore(%run_scoped3A : memref<!tpu.dma_semaphore, #tpu.memory_space<semaphore_mem>>) {add = true}
        %dma_wait3A_120 = arith.constant 0 : i32
        %dma_wait3A_121 = tpu.memref_slice %arg8[%mul3A_91, %dma_wait3A_120] : memref<48x128xi32, #tpu.memory_space<vmem>> -> memref<1x128xi32, #tpu.memory_space<vmem>>
        %dma_wait3A_122 = tpu.memref_squeeze %dma_wait3A_121 : memref<1x128xi32, #tpu.memory_space<vmem>> -> memref<128xi32, #tpu.memory_space<vmem>>
        %dma_wait3A_123 = arith.constant 0 : i32
        %dma_wait3A_124 = arith.constant 0 : i32
        %dma_wait3A_125 = tpu.memref_slice %arg11[%dma_wait3A_123, %dma_wait3A_124] : memref<10112x128xf32, #tpu.memory_space<vmem_shared>> -> memref<10112x128xf32, #tpu.memory_space<vmem_shared>>
        tpu.wait_indirect_dma semaphore(%run_scoped3A : memref<!tpu.dma_semaphore, #tpu.memory_space<semaphore_mem>>) src(%arg9 : memref<128x128xf32, #tpu.memory_space<vmem>>) dst(%dma_wait3A_125 : memref<10112x128xf32, #tpu.memory_space<vmem_shared>>)
        tpu.yield
      }) : () -> ()
      %add3A_105 = arith.constant 2 : i32
      %add3A_106 = arith.addi %mul3A_91, %add3A_105 : i32
      %lt3A = arith.cmpi slt, %add3A_106, %select_n3A : i32
      %convert_element_type3A = arith.extui %lt3A : i1 to i32
      %cond3A = arith.constant 0 : i32
      %cond3A_107 = arith.cmpi ne, %convert_element_type3A, %cond3A : i32
      scf.if %cond3A_107 {
        %add3A_114 = arith.constant 2 : i32
        %add3A_115 = arith.addi %mul3A_91, %add3A_114 : i32
        %dma_start3A_116 = arith.constant 0 : i32
        %dma_start3A_117 = tpu.memref_slice %arg7[%add3A_115, %dma_start3A_116] : memref<48x128xi32, #tpu.memory_space<vmem>> -> memref<1x128xi32, #tpu.memory_space<vmem>>
        %dma_start3A_118 = tpu.memref_squeeze %dma_start3A_117 : memref<1x128xi32, #tpu.memory_space<vmem>> -> memref<128xi32, #tpu.memory_space<vmem>>
        %dma_start3A_119 = arith.constant 0 : i32
        %dma_start3A_120 = arith.constant 0 : i32
        %dma_start3A_121 = tpu.memref_slice %arg2[%dma_start3A_119, %dma_start3A_120] : memref<10000x128xf32, #tpu.memory_space<hbm>> -> memref<10000x128xf32, #tpu.memory_space<hbm>>
        tpu.enqueue_indirect_dma source(%dma_start3A_121 : memref<10000x128xf32, #tpu.memory_space<hbm>>) target(%arg9 : memref<128x128xf32, #tpu.memory_space<vmem>>) offsets(%dma_start3A_118 : memref<128xi32, #tpu.memory_space<vmem>>) semaphore(%arg12 : memref<!tpu.dma_semaphore, #tpu.memory_space<semaphore_mem>>)
      } else {
      }
      %dma_wait3A_108 = arith.constant 0 : i32
      %dma_wait3A_109 = tpu.memref_slice %arg7[%add3A_93, %dma_wait3A_108] : memref<48x128xi32, #tpu.memory_space<vmem>> -> memref<1x128xi32, #tpu.memory_space<vmem>>
      %dma_wait3A_110 = tpu.memref_squeeze %dma_wait3A_109 : memref<1x128xi32, #tpu.memory_space<vmem>> -> memref<128xi32, #tpu.memory_space<vmem>>
      %dma_wait3A_111 = arith.constant 0 : i32
      %dma_wait3A_112 = arith.constant 0 : i32
      %dma_wait3A_113 = tpu.memref_slice %arg2[%dma_wait3A_111, %dma_wait3A_112] : memref<10000x128xf32, #tpu.memory_space<hbm>> -> memref<10000x128xf32, #tpu.memory_space<hbm>>
      tpu.wait_indirect_dma semaphore(%arg13 : memref<!tpu.dma_semaphore, #tpu.memory_space<semaphore_mem>>) src(%dma_wait3A_113 : memref<10000x128xf32, #tpu.memory_space<hbm>>) dst(%arg10 : memref<128x128xf32, #tpu.memory_space<vmem>>)
      "tpu.region"() ({
        %run_scoped3A = tpu.sem_alloc : memref<!tpu.dma_semaphore, #tpu.memory_space<semaphore_mem>>
        %dma_start3A_114 = arith.constant 0 : i32
        %dma_start3A_115 = tpu.memref_slice %arg8[%add3A_93, %dma_start3A_114] : memref<48x128xi32, #tpu.memory_space<vmem>> -> memref<1x128xi32, #tpu.memory_space<vmem>>
        %dma_start3A_116 = tpu.memref_squeeze %dma_start3A_115 : memref<1x128xi32, #tpu.memory_space<vmem>> -> memref<128xi32, #tpu.memory_space<vmem>>
        %dma_start3A_117 = arith.constant 0 : i32
        %dma_start3A_118 = arith.constant 0 : i32
        %dma_start3A_119 = tpu.memref_slice %arg11[%dma_start3A_117, %dma_start3A_118] : memref<10112x128xf32, #tpu.memory_space<vmem_shared>> -> memref<10112x128xf32, #tpu.memory_space<vmem_shared>>
        tpu.enqueue_indirect_dma source(%arg10 : memref<128x128xf32, #tpu.memory_space<vmem>>) target(%dma_start3A_119 : memref<10112x128xf32, #tpu.memory_space<vmem_shared>>) offsets(%dma_start3A_116 : memref<128xi32, #tpu.memory_space<vmem>>) semaphore(%run_scoped3A : memref<!tpu.dma_semaphore, #tpu.memory_space<semaphore_mem>>) {add = true}
        %dma_wait3A_120 = arith.constant 0 : i32
        %dma_wait3A_121 = tpu.memref_slice %arg8[%add3A_93, %dma_wait3A_120] : memref<48x128xi32, #tpu.memory_space<vmem>> -> memref<1x128xi32, #tpu.memory_space<vmem>>
        %dma_wait3A_122 = tpu.memref_squeeze %dma_wait3A_121 : memref<1x128xi32, #tpu.memory_space<vmem>> -> memref<128xi32, #tpu.memory_space<vmem>>
        %dma_wait3A_123 = arith.constant 0 : i32
        %dma_wait3A_124 = arith.constant 0 : i32
        %dma_wait3A_125 = tpu.memref_slice %arg11[%dma_wait3A_123, %dma_wait3A_124] : memref<10112x128xf32, #tpu.memory_space<vmem_shared>> -> memref<10112x128xf32, #tpu.memory_space<vmem_shared>>
        tpu.wait_indirect_dma semaphore(%run_scoped3A : memref<!tpu.dma_semaphore, #tpu.memory_space<semaphore_mem>>) src(%arg10 : memref<128x128xf32, #tpu.memory_space<vmem>>) dst(%dma_wait3A_125 : memref<10112x128xf32, #tpu.memory_space<vmem_shared>>)
        tpu.yield
      }) : () -> ()
    }
    %while3A_83 = arith.constant 1 : i32
    scf.for %while3A_89 = %while3A_81 to %while3A_77 step %while3A_83  : i32 {
      %mul3A_90 = arith.constant 2 : i32
      %mul3A_91 = arith.muli %mul3A_90, %while3A_89 : i32
      %add3A_92 = arith.constant 1 : i32
      %add3A_93 = arith.addi %mul3A_91, %add3A_92 : i32
      %dma_start3A_94 = arith.constant 0 : i32
      %dma_start3A_95 = tpu.memref_slice %arg7[%add3A_93, %dma_start3A_94] : memref<48x128xi32, #tpu.memory_space<vmem>> -> memref<1x128xi32, #tpu.memory_space<vmem>>
      %dma_start3A_96 = tpu.memref_squeeze %dma_start3A_95 : memref<1x128xi32, #tpu.memory_space<vmem>> -> memref<128xi32, #tpu.memory_space<vmem>>
      %dma_start3A_97 = arith.constant 0 : i32
      %dma_start3A_98 = arith.constant 0 : i32
      %dma_start3A_99 = tpu.memref_slice %arg2[%dma_start3A_97, %dma_start3A_98] : memref<10000x128xf32, #tpu.memory_space<hbm>> -> memref<10000x128xf32, #tpu.memory_space<hbm>>
      tpu.enqueue_indirect_dma source(%dma_start3A_99 : memref<10000x128xf32, #tpu.memory_space<hbm>>) target(%arg10 : memref<128x128xf32, #tpu.memory_space<vmem>>) offsets(%dma_start3A_96 : memref<128xi32, #tpu.memory_space<vmem>>) semaphore(%arg13 : memref<!tpu.dma_semaphore, #tpu.memory_space<semaphore_mem>>)
      %dma_wait3A = arith.constant 0 : i32
      %dma_wait3A_100 = tpu.memref_slice %arg7[%mul3A_91, %dma_wait3A] : memref<48x128xi32, #tpu.memory_space<vmem>> -> memref<1x128xi32, #tpu.memory_space<vmem>>
      %dma_wait3A_101 = tpu.memref_squeeze %dma_wait3A_100 : memref<1x128xi32, #tpu.memory_space<vmem>> -> memref<128xi32, #tpu.memory_space<vmem>>
      %dma_wait3A_102 = arith.constant 0 : i32
      %dma_wait3A_103 = arith.constant 0 : i32
      %dma_wait3A_104 = tpu.memref_slice %arg2[%dma_wait3A_102, %dma_wait3A_103] : memref<10000x128xf32, #tpu.memory_space<hbm>> -> memref<10000x128xf32, #tpu.memory_space<hbm>>
      tpu.wait_indirect_dma semaphore(%arg12 : memref<!tpu.dma_semaphore, #tpu.memory_space<semaphore_mem>>) src(%dma_wait3A_104 : memref<10000x128xf32, #tpu.memory_space<hbm>>) dst(%arg9 : memref<128x128xf32, #tpu.memory_space<vmem>>)
      "tpu.region"() ({
        %run_scoped3A = tpu.sem_alloc : memref<!tpu.dma_semaphore, #tpu.memory_space<semaphore_mem>>
        %dma_start3A_114 = arith.constant 0 : i32
        %dma_start3A_115 = tpu.memref_slice %arg8[%mul3A_91, %dma_start3A_114] : memref<48x128xi32, #tpu.memory_space<vmem>> -> memref<1x128xi32, #tpu.memory_space<vmem>>
        %dma_start3A_116 = tpu.memref_squeeze %dma_start3A_115 : memref<1x128xi32, #tpu.memory_space<vmem>> -> memref<128xi32, #tpu.memory_space<vmem>>
        %dma_start3A_117 = arith.constant 0 : i32
        %dma_start3A_118 = arith.constant 0 : i32
        %dma_start3A_119 = tpu.memref_slice %arg11[%dma_start3A_117, %dma_start3A_118] : memref<10112x128xf32, #tpu.memory_space<vmem_shared>> -> memref<10112x128xf32, #tpu.memory_space<vmem_shared>>
        tpu.enqueue_indirect_dma source(%arg9 : memref<128x128xf32, #tpu.memory_space<vmem>>) target(%dma_start3A_119 : memref<10112x128xf32, #tpu.memory_space<vmem_shared>>) offsets(%dma_start3A_116 : memref<128xi32, #tpu.memory_space<vmem>>) semaphore(%run_scoped3A : memref<!tpu.dma_semaphore, #tpu.memory_space<semaphore_mem>>) {add = true}
        %dma_wait3A_120 = arith.constant 0 : i32
        %dma_wait3A_121 = tpu.memref_slice %arg8[%mul3A_91, %dma_wait3A_120] : memref<48x128xi32, #tpu.memory_space<vmem>> -> memref<1x128xi32, #tpu.memory_space<vmem>>
        %dma_wait3A_122 = tpu.memref_squeeze %dma_wait3A_121 : memref<1x128xi32, #tpu.memory_space<vmem>> -> memref<128xi32, #tpu.memory_space<vmem>>
        %dma_wait3A_123 = arith.constant 0 : i32
        %dma_wait3A_124 = arith.constant 0 : i32
        %dma_wait3A_125 = tpu.memref_slice %arg11[%dma_wait3A_123, %dma_wait3A_124] : memref<10112x128xf32, #tpu.memory_space<vmem_shared>> -> memref<10112x128xf32, #tpu.memory_space<vmem_shared>>
        tpu.wait_indirect_dma semaphore(%run_scoped3A : memref<!tpu.dma_semaphore, #tpu.memory_space<semaphore_mem>>) src(%arg9 : memref<128x128xf32, #tpu.memory_space<vmem>>) dst(%dma_wait3A_125 : memref<10112x128xf32, #tpu.memory_space<vmem_shared>>)
        tpu.yield
      }) : () -> ()
      %add3A_105 = arith.constant 2 : i32
      %add3A_106 = arith.addi %mul3A_91, %add3A_105 : i32
      %lt3A = arith.cmpi slt, %add3A_106, %select_n3A : i32
      %convert_element_type3A = arith.extui %lt3A : i1 to i32
      %cond3A = arith.constant 0 : i32
      %cond3A_107 = arith.cmpi ne, %convert_element_type3A, %cond3A : i32
      scf.if %cond3A_107 {
        %add3A_114 = arith.constant 2 : i32
        %add3A_115 = arith.addi %mul3A_91, %add3A_114 : i32
        %dma_start3A_116 = arith.constant 0 : i32
        %dma_start3A_117 = tpu.memref_slice %arg7[%add3A_115, %dma_start3A_116] : memref<48x128xi32, #tpu.memory_space<vmem>> -> memref<1x128xi32, #tpu.memory_space<vmem>>
        %dma_start3A_118 = tpu.memref_squeeze %dma_start3A_117 : memref<1x128xi32, #tpu.memory_space<vmem>> -> memref<128xi32, #tpu.memory_space<vmem>>
        %dma_start3A_119 = arith.constant 0 : i32
        %dma_start3A_120 = arith.constant 0 : i32
        %dma_start3A_121 = tpu.memref_slice %arg2[%dma_start3A_119, %dma_start3A_120] : memref<10000x128xf32, #tpu.memory_space<hbm>> -> memref<10000x128xf32, #tpu.memory_space<hbm>>
        tpu.enqueue_indirect_dma source(%dma_start3A_121 : memref<10000x128xf32, #tpu.memory_space<hbm>>) target(%arg9 : memref<128x128xf32, #tpu.memory_space<vmem>>) offsets(%dma_start3A_118 : memref<128xi32, #tpu.memory_space<vmem>>) semaphore(%arg12 : memref<!tpu.dma_semaphore, #tpu.memory_space<semaphore_mem>>)
      } else {
      }
      %dma_wait3A_108 = arith.constant 0 : i32
      %dma_wait3A_109 = tpu.memref_slice %arg7[%add3A_93, %dma_wait3A_108] : memref<48x128xi32, #tpu.memory_space<vmem>> -> memref<1x128xi32, #tpu.memory_space<vmem>>
      %dma_wait3A_110 = tpu.memref_squeeze %dma_wait3A_109 : memref<1x128xi32, #tpu.memory_space<vmem>> -> memref<128xi32, #tpu.memory_space<vmem>>
      %dma_wait3A_111 = arith.constant 0 : i32
      %dma_wait3A_112 = arith.constant 0 : i32
      %dma_wait3A_113 = tpu.memref_slice %arg2[%dma_wait3A_111, %dma_wait3A_112] : memref<10000x128xf32, #tpu.memory_space<hbm>> -> memref<10000x128xf32, #tpu.memory_space<hbm>>
      tpu.wait_indirect_dma semaphore(%arg13 : memref<!tpu.dma_semaphore, #tpu.memory_space<semaphore_mem>>) src(%dma_wait3A_113 : memref<10000x128xf32, #tpu.memory_space<hbm>>) dst(%arg10 : memref<128x128xf32, #tpu.memory_space<vmem>>)
      "tpu.region"() ({
        %run_scoped3A = tpu.sem_alloc : memref<!tpu.dma_semaphore, #tpu.memory_space<semaphore_mem>>
        %dma_start3A_114 = arith.constant 0 : i32
        %dma_start3A_115 = tpu.memref_slice %arg8[%add3A_93, %dma_start3A_114] : memref<48x128xi32, #tpu.memory_space<vmem>> -> memref<1x128xi32, #tpu.memory_space<vmem>>
        %dma_start3A_116 = tpu.memref_squeeze %dma_start3A_115 : memref<1x128xi32, #tpu.memory_space<vmem>> -> memref<128xi32, #tpu.memory_space<vmem>>
        %dma_start3A_117 = arith.constant 0 : i32
        %dma_start3A_118 = arith.constant 0 : i32
        %dma_start3A_119 = tpu.memref_slice %arg11[%dma_start3A_117, %dma_start3A_118] : memref<10112x128xf32, #tpu.memory_space<vmem_shared>> -> memref<10112x128xf32, #tpu.memory_space<vmem_shared>>
        tpu.enqueue_indirect_dma source(%arg10 : memref<128x128xf32, #tpu.memory_space<vmem>>) target(%dma_start3A_119 : memref<10112x128xf32, #tpu.memory_space<vmem_shared>>) offsets(%dma_start3A_116 : memref<128xi32, #tpu.memory_space<vmem>>) semaphore(%run_scoped3A : memref<!tpu.dma_semaphore, #tpu.memory_space<semaphore_mem>>) {add = true}
        %dma_wait3A_120 = arith.constant 0 : i32
        %dma_wait3A_121 = tpu.memref_slice %arg8[%add3A_93, %dma_wait3A_120] : memref<48x128xi32, #tpu.memory_space<vmem>> -> memref<1x128xi32, #tpu.memory_space<vmem>>
        %dma_wait3A_122 = tpu.memref_squeeze %dma_wait3A_121 : memref<1x128xi32, #tpu.memory_space<vmem>> -> memref<128xi32, #tpu.memory_space<vmem>>
        %dma_wait3A_123 = arith.constant 0 : i32
        %dma_wait3A_124 = arith.constant 0 : i32
        %dma_wait3A_125 = tpu.memref_slice %arg11[%dma_wait3A_123, %dma_wait3A_124] : memref<10112x128xf32, #tpu.memory_space<vmem_shared>> -> memref<10112x128xf32, #tpu.memory_space<vmem_shared>>
        tpu.wait_indirect_dma semaphore(%run_scoped3A : memref<!tpu.dma_semaphore, #tpu.memory_space<semaphore_mem>>) src(%arg10 : memref<128x128xf32, #tpu.memory_space<vmem>>) dst(%dma_wait3A_125 : memref<10112x128xf32, #tpu.memory_space<vmem_shared>>)
        tpu.yield
      }) : () -> ()
    }
    %barrier3A_84 = arith.constant 0 : index
    tpu.barrier barrier_id(%barrier3A_84)
    %mul3A_85 = arith.constant 632 : i32
    %mul3A_86 = arith.muli %arg1, %mul3A_85 : i32
    %mul3A_87 = arith.constant 632 : i32
    %mul3A_88 = arith.muli %arg1, %mul3A_87 : i32
    "tpu.region"() ({
      %run_scoped3A = tpu.sem_alloc : memref<!tpu.dma_semaphore, #tpu.memory_space<semaphore_mem>>
      %dma_start3A_89 = arith.constant 0 : i32
      %dma_start3A_90 = arith.constant 0 : i32
      %dma_start3A_91 = tpu.memref_slice %arg6[%arg0, %dma_start3A_89, %dma_start3A_90] : memref<2x10112x128xf32, #tpu.memory_space<hbm>> -> memref<1x10112x128xf32, #tpu.memory_space<hbm>>
      %dma_start3A_92 = tpu.memref_squeeze %dma_start3A_91 : memref<1x10112x128xf32, #tpu.memory_space<hbm>> -> memref<10112x128xf32, #tpu.memory_space<hbm>>
      %dma_start3A_93 = arith.constant 0 : i32
      %dma_start3A_94 = tpu.memref_slice %dma_start3A_92[%mul3A_88, %dma_start3A_93] : memref<10112x128xf32, #tpu.memory_space<hbm>> -> memref<632x128xf32, #tpu.memory_space<hbm>>
      %dma_start3A_95 = arith.constant 0 : i32
      %dma_start3A_96 = tpu.memref_slice %arg11[%mul3A_86, %dma_start3A_95] : memref<10112x128xf32, #tpu.memory_space<vmem_shared>> -> memref<632x128xf32, #tpu.memory_space<vmem_shared>>
      tpu.enqueue_dma source(%dma_start3A_96 : memref<632x128xf32, #tpu.memory_space<vmem_shared>>) target(%dma_start3A_94 : memref<632x128xf32, #tpu.memory_space<hbm>>) target_semaphore(%run_scoped3A : memref<!tpu.dma_semaphore, #tpu.memory_space<semaphore_mem>>)
      %dma_wait3A = arith.constant 0 : i32
      %dma_wait3A_97 = arith.constant 0 : i32
      %dma_wait3A_98 = tpu.memref_slice %arg6[%arg0, %dma_wait3A, %dma_wait3A_97] : memref<2x10112x128xf32, #tpu.memory_space<hbm>> -> memref<1x10112x128xf32, #tpu.memory_space<hbm>>
      %dma_wait3A_99 = tpu.memref_squeeze %dma_wait3A_98 : memref<1x10112x128xf32, #tpu.memory_space<hbm>> -> memref<10112x128xf32, #tpu.memory_space<hbm>>
      %dma_wait3A_100 = arith.constant 0 : i32
      %dma_wait3A_101 = tpu.memref_slice %dma_wait3A_99[%mul3A_88, %dma_wait3A_100] : memref<10112x128xf32, #tpu.memory_space<hbm>> -> memref<632x128xf32, #tpu.memory_space<hbm>>
      %dma_wait3A_102 = arith.constant 0 : i32
      %dma_wait3A_103 = tpu.memref_slice %arg11[%mul3A_86, %dma_wait3A_102] : memref<10112x128xf32, #tpu.memory_space<vmem_shared>> -> memref<632x128xf32, #tpu.memory_space<vmem_shared>>
      tpu.wait_dma2 semaphore(%run_scoped3A : memref<!tpu.dma_semaphore, #tpu.memory_space<semaphore_mem>>) src(%dma_wait3A_103 : memref<632x128xf32, #tpu.memory_space<vmem_shared>>) dst(%dma_wait3A_101 : memref<632x128xf32, #tpu.memory_space<hbm>>)
      tpu.yield
    }) : () -> ()
    return
  }
}

#map = affine_map<(d0, d1) -> (0, 0)>
#map1 = affine_map<(d0, d1) -> (0)>
module attributes {stable_mosaic.version = 14 : i64} {
  func.func @clicked_gather(%arg0: i32, %arg1: i32, %arg2: memref<10000x128xf32, #tpu.memory_space<hbm>>, %arg3: memref<1792xi32, #tpu.memory_space<hbm>>, %arg4: memref<1792x128xf32, #tpu.memory_space<hbm>>, %arg5: memref<56xi32, #tpu.memory_space<vmem>>, %arg6: memref<56x128xf32, #tpu.memory_space<vmem>>, %arg7: memref<!tpu.dma_semaphore, #tpu.memory_space<semaphore_mem>>) attributes {dimension_semantics = [#tpu.dimension_semantics<core_parallel>, #tpu.dimension_semantics<subcore_parallel>], iteration_bounds = array<i64: 2, 16>, scalar_prefetch = 0 : i64, scratch_operands = 3 : i64, tpu.core_type = #tpu.core_type<sc_vector_subcore>, window_params = [{transform_indices = #map}, {transform_indices = #map1}, {transform_indices = #map}]} {
    %mul3A = arith.constant 2 : i32
    %mul3A_0 = arith.muli %arg1, %mul3A : i32
    %add3A = arith.addi %mul3A_0, %arg0 : i32
    %mul3A_1 = arith.constant 56 : i32
    %mul3A_2 = arith.muli %add3A, %mul3A_1 : i32
    "tpu.region"() ({
      %run_scoped3A = tpu.sem_alloc : memref<!tpu.dma_semaphore, #tpu.memory_space<semaphore_mem>>
      %dma_start3A_7 = tpu.memref_slice %arg3[%mul3A_2] : memref<1792xi32, #tpu.memory_space<hbm>> -> memref<56xi32, #tpu.memory_space<hbm>>
      %dma_start3A_8 = tpu.memref_slice %arg3[%mul3A_2] : memref<1792xi32, #tpu.memory_space<hbm>> -> memref<56xi32, #tpu.memory_space<hbm>>
      tpu.enqueue_dma source(%dma_start3A_8 : memref<56xi32, #tpu.memory_space<hbm>>) target(%arg5 : memref<56xi32, #tpu.memory_space<vmem>>) target_semaphore(%run_scoped3A : memref<!tpu.dma_semaphore, #tpu.memory_space<semaphore_mem>>)
      %dma_wait3A_9 = tpu.memref_slice %arg3[%mul3A_2] : memref<1792xi32, #tpu.memory_space<hbm>> -> memref<56xi32, #tpu.memory_space<hbm>>
      %dma_wait3A_10 = tpu.memref_slice %arg3[%mul3A_2] : memref<1792xi32, #tpu.memory_space<hbm>> -> memref<56xi32, #tpu.memory_space<hbm>>
      tpu.wait_dma2 semaphore(%run_scoped3A : memref<!tpu.dma_semaphore, #tpu.memory_space<semaphore_mem>>) src(%dma_wait3A_10 : memref<56xi32, #tpu.memory_space<hbm>>) dst(%arg5 : memref<56xi32, #tpu.memory_space<vmem>>)
      tpu.yield
    }) : () -> ()
    %dma_start3A = arith.constant 0 : i32
    %dma_start3A_3 = arith.constant 0 : i32
    %dma_start3A_4 = tpu.memref_slice %arg2[%dma_start3A, %dma_start3A_3] : memref<10000x128xf32, #tpu.memory_space<hbm>> -> memref<10000x128xf32, #tpu.memory_space<hbm>>
    tpu.enqueue_indirect_dma source(%dma_start3A_4 : memref<10000x128xf32, #tpu.memory_space<hbm>>) target(%arg6 : memref<56x128xf32, #tpu.memory_space<vmem>>) offsets(%arg5 : memref<56xi32, #tpu.memory_space<vmem>>) semaphore(%arg7 : memref<!tpu.dma_semaphore, #tpu.memory_space<semaphore_mem>>)
    %dma_wait3A = arith.constant 0 : i32
    %dma_wait3A_5 = arith.constant 0 : i32
    %dma_wait3A_6 = tpu.memref_slice %arg2[%dma_wait3A, %dma_wait3A_5] : memref<10000x128xf32, #tpu.memory_space<hbm>> -> memref<10000x128xf32, #tpu.memory_space<hbm>>
    tpu.wait_indirect_dma semaphore(%arg7 : memref<!tpu.dma_semaphore, #tpu.memory_space<semaphore_mem>>) src(%dma_wait3A_6 : memref<10000x128xf32, #tpu.memory_space<hbm>>) dst(%arg6 : memref<56x128xf32, #tpu.memory_space<vmem>>)
    "tpu.region"() ({
      %run_scoped3A = tpu.sem_alloc : memref<!tpu.dma_semaphore, #tpu.memory_space<semaphore_mem>>
      %dma_start3A_7 = arith.constant 0 : i32
      %dma_start3A_8 = tpu.memref_slice %arg4[%mul3A_2, %dma_start3A_7] : memref<1792x128xf32, #tpu.memory_space<hbm>> -> memref<56x128xf32, #tpu.memory_space<hbm>>
      %dma_start3A_9 = arith.constant 0 : i32
      %dma_start3A_10 = tpu.memref_slice %arg4[%mul3A_2, %dma_start3A_9] : memref<1792x128xf32, #tpu.memory_space<hbm>> -> memref<56x128xf32, #tpu.memory_space<hbm>>
      tpu.enqueue_dma source(%arg6 : memref<56x128xf32, #tpu.memory_space<vmem>>) target(%dma_start3A_10 : memref<56x128xf32, #tpu.memory_space<hbm>>) target_semaphore(%run_scoped3A : memref<!tpu.dma_semaphore, #tpu.memory_space<semaphore_mem>>)
      %dma_wait3A_11 = arith.constant 0 : i32
      %dma_wait3A_12 = tpu.memref_slice %arg4[%mul3A_2, %dma_wait3A_11] : memref<1792x128xf32, #tpu.memory_space<hbm>> -> memref<56x128xf32, #tpu.memory_space<hbm>>
      %dma_wait3A_13 = arith.constant 0 : i32
      %dma_wait3A_14 = tpu.memref_slice %arg4[%mul3A_2, %dma_wait3A_13] : memref<1792x128xf32, #tpu.memory_space<hbm>> -> memref<56x128xf32, #tpu.memory_space<hbm>>
      tpu.wait_dma2 semaphore(%run_scoped3A : memref<!tpu.dma_semaphore, #tpu.memory_space<semaphore_mem>>) src(%arg6 : memref<56x128xf32, #tpu.memory_space<vmem>>) dst(%dma_wait3A_14 : memref<56x128xf32, #tpu.memory_space<hbm>>)
      tpu.yield
    }) : () -> ()
    return
  }
}

#map = affine_map<(d0, d1) -> (0, 0)>
#map1 = affine_map<(d0, d1) -> (0, 0, 0)>
module attributes {stable_mosaic.version = 14 : i64} {
  func.func @edge_agg(%arg0: i32, %arg1: i32, %arg2: memref<10000x128xf32, #tpu.memory_space<hbm>>, %arg3: memref<32x97x128xi32, #tpu.memory_space<hbm>>, %arg4: memref<32x97x128xi32, #tpu.memory_space<hbm>>, %arg5: memref<632x128xf32, #tpu.memory_space<hbm>>, %arg6: memref<2x10112x128xf32, #tpu.memory_space<hbm>>, %arg7: memref<48x128xi32, #tpu.memory_space<vmem>>, %arg8: memref<48x128xi32, #tpu.memory_space<vmem>>, %arg9: memref<128x128xf32, #tpu.memory_space<vmem>>, %arg10: memref<128x128xf32, #tpu.memory_space<vmem>>, %arg11: memref<10112x128xf32, #tpu.memory_space<vmem_shared>>, %arg12: memref<!tpu.dma_semaphore, #tpu.memory_space<semaphore_mem>>, %arg13: memref<!tpu.dma_semaphore, #tpu.memory_space<semaphore_mem>>) attributes {dimension_semantics = [#tpu.dimension_semantics<core_parallel>, #tpu.dimension_semantics<subcore_parallel>], iteration_bounds = array<i64: 2, 16>, scalar_prefetch = 0 : i64, scratch_operands = 7 : i64, tpu.core_type = #tpu.core_type<sc_vector_subcore>, window_params = [{transform_indices = #map}, {transform_indices = #map1}, {transform_indices = #map1}, {transform_indices = #map}, {transform_indices = #map1}]} {
    %mul3A = arith.constant 2 : i32
    %mul3A_0 = arith.muli %arg1, %mul3A : i32
    %add3A = arith.addi %mul3A_0, %arg0 : i32
    %mul3A_1 = arith.constant 632 : i32
    %mul3A_2 = arith.muli %arg1, %mul3A_1 : i32
    "tpu.region"() ({
      %run_scoped3A = tpu.sem_alloc : memref<!tpu.dma_semaphore, #tpu.memory_space<semaphore_mem>>
      %dma_start3A_89 = arith.constant 0 : i32
      %dma_start3A_90 = tpu.memref_slice %arg11[%mul3A_2, %dma_start3A_89] : memref<10112x128xf32, #tpu.memory_space<vmem_shared>> -> memref<632x128xf32, #tpu.memory_space<vmem_shared>>
      tpu.enqueue_dma source(%arg5 : memref<632x128xf32, #tpu.memory_space<hbm>>) target(%dma_start3A_90 : memref<632x128xf32, #tpu.memory_space<vmem_shared>>) target_semaphore(%run_scoped3A : memref<!tpu.dma_semaphore, #tpu.memory_space<semaphore_mem>>)
      %dma_wait3A = arith.constant 0 : i32
      %dma_wait3A_91 = tpu.memref_slice %arg11[%mul3A_2, %dma_wait3A] : memref<10112x128xf32, #tpu.memory_space<vmem_shared>> -> memref<632x128xf32, #tpu.memory_space<vmem_shared>>
      tpu.wait_dma2 semaphore(%run_scoped3A : memref<!tpu.dma_semaphore, #tpu.memory_space<semaphore_mem>>) src(%arg5 : memref<632x128xf32, #tpu.memory_space<hbm>>) dst(%dma_wait3A_91 : memref<632x128xf32, #tpu.memory_space<vmem_shared>>)
      tpu.yield
    }) : () -> ()
    %barrier3A = arith.constant 0 : index
    tpu.barrier barrier_id(%barrier3A)
    %eq3A = arith.constant 0 : i32
    %eq3A_3 = arith.cmpi eq, %arg0, %eq3A : i32
    %jit3A = arith.constant 48 : i32
    %jit3A_4 = arith.constant 32 : i32
    %select_n3A = arith.select %eq3A_3, %jit3A, %jit3A_4 : i32
    %mul3A_5 = arith.constant 0 : i32
    %mul3A_6 = arith.muli %mul3A_5, %select_n3A : i32
    %multiple_of3A = tpu.assume_multiple %mul3A_6, 8 : i32
    "tpu.region"() ({
      %run_scoped3A = tpu.sem_alloc : memref<!tpu.dma_semaphore, #tpu.memory_space<semaphore_mem>>
      %dma_start3A_89 = arith.constant 0 : i32
      %dma_start3A_90 = arith.constant 0 : i32
      %dma_start3A_91 = tpu.memref_slice %arg3[%add3A, %dma_start3A_89, %dma_start3A_90] : memref<32x97x128xi32, #tpu.memory_space<hbm>> -> memref<1x97x128xi32, #tpu.memory_space<hbm>>
      %dma_start3A_92 = tpu.memref_squeeze %dma_start3A_91 : memref<1x97x128xi32, #tpu.memory_space<hbm>> -> memref<97x128xi32, #tpu.memory_space<hbm>>
      %dma_start3A_93 = arith.constant 0 : i32
      %dma_start3A_94 = tpu.memref_slice %dma_start3A_92[%multiple_of3A, %dma_start3A_93] : memref<97x128xi32, #tpu.memory_space<hbm>> -> memref<48x128xi32, #tpu.memory_space<hbm>>
      %dma_start3A_95 = arith.constant 0 : i32
      %dma_start3A_96 = arith.constant 0 : i32
      %dma_start3A_97 = tpu.memref_slice %arg3[%add3A, %dma_start3A_95, %dma_start3A_96] : memref<32x97x128xi32, #tpu.memory_space<hbm>> -> memref<1x97x128xi32, #tpu.memory_space<hbm>>
      %dma_start3A_98 = tpu.memref_squeeze %dma_start3A_97 : memref<1x97x128xi32, #tpu.memory_space<hbm>> -> memref<97x128xi32, #tpu.memory_space<hbm>>
      %dma_start3A_99 = arith.constant 0 : i32
      %dma_start3A_100 = tpu.memref_slice %dma_start3A_98[%multiple_of3A, %dma_start3A_99] : memref<97x128xi32, #tpu.memory_space<hbm>> -> memref<48x128xi32, #tpu.memory_space<hbm>>
      tpu.enqueue_dma source(%dma_start3A_100 : memref<48x128xi32, #tpu.memory_space<hbm>>) target(%arg7 : memref<48x128xi32, #tpu.memory_space<vmem>>) target_semaphore(%run_scoped3A : memref<!tpu.dma_semaphore, #tpu.memory_space<semaphore_mem>>)
      %dma_wait3A = arith.constant 0 : i32
      %dma_wait3A_101 = arith.constant 0 : i32
      %dma_wait3A_102 = tpu.memref_slice %arg3[%add3A, %dma_wait3A, %dma_wait3A_101] : memref<32x97x128xi32, #tpu.memory_space<hbm>> -> memref<1x97x128xi32, #tpu.memory_space<hbm>>
      %dma_wait3A_103 = tpu.memref_squeeze %dma_wait3A_102 : memref<1x97x128xi32, #tpu.memory_space<hbm>> -> memref<97x128xi32, #tpu.memory_space<hbm>>
      %dma_wait3A_104 = arith.constant 0 : i32
      %dma_wait3A_105 = tpu.memref_slice %dma_wait3A_103[%multiple_of3A, %dma_wait3A_104] : memref<97x128xi32, #tpu.memory_space<hbm>> -> memref<48x128xi32, #tpu.memory_space<hbm>>
      %dma_wait3A_106 = arith.constant 0 : i32
      %dma_wait3A_107 = arith.constant 0 : i32
      %dma_wait3A_108 = tpu.memref_slice %arg3[%add3A, %dma_wait3A_106, %dma_wait3A_107] : memref<32x97x128xi32, #tpu.memory_space<hbm>> -> memref<1x97x128xi32, #tpu.memory_space<hbm>>
      %dma_wait3A_109 = tpu.memref_squeeze %dma_wait3A_108 : memref<1x97x128xi32, #tpu.memory_space<hbm>> -> memref<97x128xi32, #tpu.memory_space<hbm>>
      %dma_wait3A_110 = arith.constant 0 : i32
      %dma_wait3A_111 = tpu.memref_slice %dma_wait3A_109[%multiple_of3A, %dma_wait3A_110] : memref<97x128xi32, #tpu.memory_space<hbm>> -> memref<48x128xi32, #tpu.memory_space<hbm>>
      tpu.wait_dma2 semaphore(%run_scoped3A : memref<!tpu.dma_semaphore, #tpu.memory_space<semaphore_mem>>) src(%dma_wait3A_111 : memref<48x128xi32, #tpu.memory_space<hbm>>) dst(%arg7 : memref<48x128xi32, #tpu.memory_space<vmem>>)
      tpu.yield
    }) : () -> ()
    "tpu.region"() ({
      %run_scoped3A = tpu.sem_alloc : memref<!tpu.dma_semaphore, #tpu.memory_space<semaphore_mem>>
      %dma_start3A_89 = arith.constant 0 : i32
      %dma_start3A_90 = arith.constant 0 : i32
      %dma_start3A_91 = tpu.memref_slice %arg4[%add3A, %dma_start3A_89, %dma_start3A_90] : memref<32x97x128xi32, #tpu.memory_space<hbm>> -> memref<1x97x128xi32, #tpu.memory_space<hbm>>
      %dma_start3A_92 = tpu.memref_squeeze %dma_start3A_91 : memref<1x97x128xi32, #tpu.memory_space<hbm>> -> memref<97x128xi32, #tpu.memory_space<hbm>>
      %dma_start3A_93 = arith.constant 0 : i32
      %dma_start3A_94 = tpu.memref_slice %dma_start3A_92[%multiple_of3A, %dma_start3A_93] : memref<97x128xi32, #tpu.memory_space<hbm>> -> memref<48x128xi32, #tpu.memory_space<hbm>>
      %dma_start3A_95 = arith.constant 0 : i32
      %dma_start3A_96 = arith.constant 0 : i32
      %dma_start3A_97 = tpu.memref_slice %arg4[%add3A, %dma_start3A_95, %dma_start3A_96] : memref<32x97x128xi32, #tpu.memory_space<hbm>> -> memref<1x97x128xi32, #tpu.memory_space<hbm>>
      %dma_start3A_98 = tpu.memref_squeeze %dma_start3A_97 : memref<1x97x128xi32, #tpu.memory_space<hbm>> -> memref<97x128xi32, #tpu.memory_space<hbm>>
      %dma_start3A_99 = arith.constant 0 : i32
      %dma_start3A_100 = tpu.memref_slice %dma_start3A_98[%multiple_of3A, %dma_start3A_99] : memref<97x128xi32, #tpu.memory_space<hbm>> -> memref<48x128xi32, #tpu.memory_space<hbm>>
      tpu.enqueue_dma source(%dma_start3A_100 : memref<48x128xi32, #tpu.memory_space<hbm>>) target(%arg8 : memref<48x128xi32, #tpu.memory_space<vmem>>) target_semaphore(%run_scoped3A : memref<!tpu.dma_semaphore, #tpu.memory_space<semaphore_mem>>)
      %dma_wait3A = arith.constant 0 : i32
      %dma_wait3A_101 = arith.constant 0 : i32
      %dma_wait3A_102 = tpu.memref_slice %arg4[%add3A, %dma_wait3A, %dma_wait3A_101] : memref<32x97x128xi32, #tpu.memory_space<hbm>> -> memref<1x97x128xi32, #tpu.memory_space<hbm>>
      %dma_wait3A_103 = tpu.memref_squeeze %dma_wait3A_102 : memref<1x97x128xi32, #tpu.memory_space<hbm>> -> memref<97x128xi32, #tpu.memory_space<hbm>>
      %dma_wait3A_104 = arith.constant 0 : i32
      %dma_wait3A_105 = tpu.memref_slice %dma_wait3A_103[%multiple_of3A, %dma_wait3A_104] : memref<97x128xi32, #tpu.memory_space<hbm>> -> memref<48x128xi32, #tpu.memory_space<hbm>>
      %dma_wait3A_106 = arith.constant 0 : i32
      %dma_wait3A_107 = arith.constant 0 : i32
      %dma_wait3A_108 = tpu.memref_slice %arg4[%add3A, %dma_wait3A_106, %dma_wait3A_107] : memref<32x97x128xi32, #tpu.memory_space<hbm>> -> memref<1x97x128xi32, #tpu.memory_space<hbm>>
      %dma_wait3A_109 = tpu.memref_squeeze %dma_wait3A_108 : memref<1x97x128xi32, #tpu.memory_space<hbm>> -> memref<97x128xi32, #tpu.memory_space<hbm>>
      %dma_wait3A_110 = arith.constant 0 : i32
      %dma_wait3A_111 = tpu.memref_slice %dma_wait3A_109[%multiple_of3A, %dma_wait3A_110] : memref<97x128xi32, #tpu.memory_space<hbm>> -> memref<48x128xi32, #tpu.memory_space<hbm>>
      tpu.wait_dma2 semaphore(%run_scoped3A : memref<!tpu.dma_semaphore, #tpu.memory_space<semaphore_mem>>) src(%dma_wait3A_111 : memref<48x128xi32, #tpu.memory_space<hbm>>) dst(%arg8 : memref<48x128xi32, #tpu.memory_space<vmem>>)
      tpu.yield
    }) : () -> ()
    %dma_start3A = arith.constant 0 : i32
    %dma_start3A_7 = arith.constant 0 : i32
    %dma_start3A_8 = tpu.memref_slice %arg7[%dma_start3A, %dma_start3A_7] : memref<48x128xi32, #tpu.memory_space<vmem>> -> memref<1x128xi32, #tpu.memory_space<vmem>>
    %dma_start3A_9 = tpu.memref_squeeze %dma_start3A_8 : memref<1x128xi32, #tpu.memory_space<vmem>> -> memref<128xi32, #tpu.memory_space<vmem>>
    %dma_start3A_10 = arith.constant 0 : i32
    %dma_start3A_11 = arith.constant 0 : i32
    %dma_start3A_12 = tpu.memref_slice %arg2[%dma_start3A_10, %dma_start3A_11] : memref<10000x128xf32, #tpu.memory_space<hbm>> -> memref<10000x128xf32, #tpu.memory_space<hbm>>
    tpu.enqueue_indirect_dma source(%dma_start3A_12 : memref<10000x128xf32, #tpu.memory_space<hbm>>) target(%arg9 : memref<128x128xf32, #tpu.memory_space<vmem>>) offsets(%dma_start3A_9 : memref<128xi32, #tpu.memory_space<vmem>>) semaphore(%arg12 : memref<!tpu.dma_semaphore, #tpu.memory_space<semaphore_mem>>)
    %jit3A_13 = arith.constant 2 : i32
    %div3A = arith.divsi %select_n3A, %jit3A_13 : i32
    %sign3A = arith.constant 0 : i32
    %sign3A_14 = arith.cmpi sgt, %select_n3A, %sign3A : i32
    %sign3A_15 = arith.extui %sign3A_14 : i1 to i32
    %sign3A_16 = arith.constant 0 : i32
    %sign3A_17 = arith.cmpi slt, %select_n3A, %sign3A_16 : i32
    %sign3A_18 = arith.extui %sign3A_17 : i1 to i32
    %sign3A_19 = arith.subi %sign3A_15, %sign3A_18 : i32
    %sign3A_20 = arith.constant 0 : i32
    %sign3A_21 = arith.cmpi sgt, %jit3A_13, %sign3A_20 : i32
    %sign3A_22 = arith.extui %sign3A_21 : i1 to i32
    %sign3A_23 = arith.constant 0 : i32
    %sign3A_24 = arith.cmpi slt, %jit3A_13, %sign3A_23 : i32
    %sign3A_25 = arith.extui %sign3A_24 : i1 to i32
    %sign3A_26 = arith.subi %sign3A_22, %sign3A_25 : i32
    %ne3A = arith.cmpi ne, %sign3A_19, %sign3A_26 : i32
    %rem3A = arith.remsi %select_n3A, %jit3A_13 : i32
    %ne3A_27 = arith.constant 0 : i32
    %ne3A_28 = arith.cmpi ne, %rem3A, %ne3A_27 : i32
    %and3A = arith.andi %ne3A, %ne3A_28 : i1
    %sub3A = arith.constant 1 : i32
    %sub3A_29 = arith.subi %div3A, %sub3A : i32
    %select_n3A_30 = arith.select %and3A, %sub3A_29, %div3A : i32
    %while3A = arith.constant 0 : i32
    %while3A_31 = arith.constant 0 : i32
    %while3A_32 = arith.subi %select_n3A_30, %while3A_31 : i32
    %while3A_33 = arith.addi %while3A_31, %while3A_32 : i32
    %while3A_34 = arith.constant 1 : i32
    %while3A_35 = arith.divsi %while3A_32, %while3A_34 : i32
    %while3A_36 = arith.muli %while3A_35, %while3A_34 : i32
    %while3A_37 = arith.addi %while3A_31, %while3A_36 : i32
    %while3A_38 = arith.constant 1 : i32
    scf.for %while3A_89 = %while3A_31 to %while3A_37 step %while3A_38  : i32 {
      %mul3A_90 = arith.constant 2 : i32
      %mul3A_91 = arith.muli %mul3A_90, %while3A_89 : i32
      %add3A_92 = arith.constant 1 : i32
      %add3A_93 = arith.addi %mul3A_91, %add3A_92 : i32
      %dma_start3A_94 = arith.constant 0 : i32
      %dma_start3A_95 = tpu.memref_slice %arg7[%add3A_93, %dma_start3A_94] : memref<48x128xi32, #tpu.memory_space<vmem>> -> memref<1x128xi32, #tpu.memory_space<vmem>>
      %dma_start3A_96 = tpu.memref_squeeze %dma_start3A_95 : memref<1x128xi32, #tpu.memory_space<vmem>> -> memref<128xi32, #tpu.memory_space<vmem>>
      %dma_start3A_97 = arith.constant 0 : i32
      %dma_start3A_98 = arith.constant 0 : i32
      %dma_start3A_99 = tpu.memref_slice %arg2[%dma_start3A_97, %dma_start3A_98] : memref<10000x128xf32, #tpu.memory_space<hbm>> -> memref<10000x128xf32, #tpu.memory_space<hbm>>
      tpu.enqueue_indirect_dma source(%dma_start3A_99 : memref<10000x128xf32, #tpu.memory_space<hbm>>) target(%arg10 : memref<128x128xf32, #tpu.memory_space<vmem>>) offsets(%dma_start3A_96 : memref<128xi32, #tpu.memory_space<vmem>>) semaphore(%arg13 : memref<!tpu.dma_semaphore, #tpu.memory_space<semaphore_mem>>)
      %dma_wait3A = arith.constant 0 : i32
      %dma_wait3A_100 = tpu.memref_slice %arg7[%mul3A_91, %dma_wait3A] : memref<48x128xi32, #tpu.memory_space<vmem>> -> memref<1x128xi32, #tpu.memory_space<vmem>>
      %dma_wait3A_101 = tpu.memref_squeeze %dma_wait3A_100 : memref<1x128xi32, #tpu.memory_space<vmem>> -> memref<128xi32, #tpu.memory_space<vmem>>
      %dma_wait3A_102 = arith.constant 0 : i32
      %dma_wait3A_103 = arith.constant 0 : i32
      %dma_wait3A_104 = tpu.memref_slice %arg2[%dma_wait3A_102, %dma_wait3A_103] : memref<10000x128xf32, #tpu.memory_space<hbm>> -> memref<10000x128xf32, #tpu.memory_space<hbm>>
      tpu.wait_indirect_dma semaphore(%arg12 : memref<!tpu.dma_semaphore, #tpu.memory_space<semaphore_mem>>) src(%dma_wait3A_104 : memref<10000x128xf32, #tpu.memory_space<hbm>>) dst(%arg9 : memref<128x128xf32, #tpu.memory_space<vmem>>)
      "tpu.region"() ({
        %run_scoped3A = tpu.sem_alloc : memref<!tpu.dma_semaphore, #tpu.memory_space<semaphore_mem>>
        %dma_start3A_114 = arith.constant 0 : i32
        %dma_start3A_115 = tpu.memref_slice %arg8[%mul3A_91, %dma_start3A_114] : memref<48x128xi32, #tpu.memory_space<vmem>> -> memref<1x128xi32, #tpu.memory_space<vmem>>
        %dma_start3A_116 = tpu.memref_squeeze %dma_start3A_115 : memref<1x128xi32, #tpu.memory_space<vmem>> -> memref<128xi32, #tpu.memory_space<vmem>>
        %dma_start3A_117 = arith.constant 0 : i32
        %dma_start3A_118 = arith.constant 0 : i32
        %dma_start3A_119 = tpu.memref_slice %arg11[%dma_start3A_117, %dma_start3A_118] : memref<10112x128xf32, #tpu.memory_space<vmem_shared>> -> memref<10112x128xf32, #tpu.memory_space<vmem_shared>>
        tpu.enqueue_indirect_dma source(%arg9 : memref<128x128xf32, #tpu.memory_space<vmem>>) target(%dma_start3A_119 : memref<10112x128xf32, #tpu.memory_space<vmem_shared>>) offsets(%dma_start3A_116 : memref<128xi32, #tpu.memory_space<vmem>>) semaphore(%run_scoped3A : memref<!tpu.dma_semaphore, #tpu.memory_space<semaphore_mem>>) {add = true}
        %dma_wait3A_120 = arith.constant 0 : i32
        %dma_wait3A_121 = tpu.memref_slice %arg8[%mul3A_91, %dma_wait3A_120] : memref<48x128xi32, #tpu.memory_space<vmem>> -> memref<1x128xi32, #tpu.memory_space<vmem>>
        %dma_wait3A_122 = tpu.memref_squeeze %dma_wait3A_121 : memref<1x128xi32, #tpu.memory_space<vmem>> -> memref<128xi32, #tpu.memory_space<vmem>>
        %dma_wait3A_123 = arith.constant 0 : i32
        %dma_wait3A_124 = arith.constant 0 : i32
        %dma_wait3A_125 = tpu.memref_slice %arg11[%dma_wait3A_123, %dma_wait3A_124] : memref<10112x128xf32, #tpu.memory_space<vmem_shared>> -> memref<10112x128xf32, #tpu.memory_space<vmem_shared>>
        tpu.wait_indirect_dma semaphore(%run_scoped3A : memref<!tpu.dma_semaphore, #tpu.memory_space<semaphore_mem>>) src(%arg9 : memref<128x128xf32, #tpu.memory_space<vmem>>) dst(%dma_wait3A_125 : memref<10112x128xf32, #tpu.memory_space<vmem_shared>>)
        tpu.yield
      }) : () -> ()
      %add3A_105 = arith.constant 2 : i32
      %add3A_106 = arith.addi %mul3A_91, %add3A_105 : i32
      %lt3A = arith.cmpi slt, %add3A_106, %select_n3A : i32
      %convert_element_type3A = arith.extui %lt3A : i1 to i32
      %cond3A = arith.constant 0 : i32
      %cond3A_107 = arith.cmpi ne, %convert_element_type3A, %cond3A : i32
      scf.if %cond3A_107 {
        %add3A_114 = arith.constant 2 : i32
        %add3A_115 = arith.addi %mul3A_91, %add3A_114 : i32
        %dma_start3A_116 = arith.constant 0 : i32
        %dma_start3A_117 = tpu.memref_slice %arg7[%add3A_115, %dma_start3A_116] : memref<48x128xi32, #tpu.memory_space<vmem>> -> memref<1x128xi32, #tpu.memory_space<vmem>>
        %dma_start3A_118 = tpu.memref_squeeze %dma_start3A_117 : memref<1x128xi32, #tpu.memory_space<vmem>> -> memref<128xi32, #tpu.memory_space<vmem>>
        %dma_start3A_119 = arith.constant 0 : i32
        %dma_start3A_120 = arith.constant 0 : i32
        %dma_start3A_121 = tpu.memref_slice %arg2[%dma_start3A_119, %dma_start3A_120] : memref<10000x128xf32, #tpu.memory_space<hbm>> -> memref<10000x128xf32, #tpu.memory_space<hbm>>
        tpu.enqueue_indirect_dma source(%dma_start3A_121 : memref<10000x128xf32, #tpu.memory_space<hbm>>) target(%arg9 : memref<128x128xf32, #tpu.memory_space<vmem>>) offsets(%dma_start3A_118 : memref<128xi32, #tpu.memory_space<vmem>>) semaphore(%arg12 : memref<!tpu.dma_semaphore, #tpu.memory_space<semaphore_mem>>)
      } else {
      }
      %dma_wait3A_108 = arith.constant 0 : i32
      %dma_wait3A_109 = tpu.memref_slice %arg7[%add3A_93, %dma_wait3A_108] : memref<48x128xi32, #tpu.memory_space<vmem>> -> memref<1x128xi32, #tpu.memory_space<vmem>>
      %dma_wait3A_110 = tpu.memref_squeeze %dma_wait3A_109 : memref<1x128xi32, #tpu.memory_space<vmem>> -> memref<128xi32, #tpu.memory_space<vmem>>
      %dma_wait3A_111 = arith.constant 0 : i32
      %dma_wait3A_112 = arith.constant 0 : i32
      %dma_wait3A_113 = tpu.memref_slice %arg2[%dma_wait3A_111, %dma_wait3A_112] : memref<10000x128xf32, #tpu.memory_space<hbm>> -> memref<10000x128xf32, #tpu.memory_space<hbm>>
      tpu.wait_indirect_dma semaphore(%arg13 : memref<!tpu.dma_semaphore, #tpu.memory_space<semaphore_mem>>) src(%dma_wait3A_113 : memref<10000x128xf32, #tpu.memory_space<hbm>>) dst(%arg10 : memref<128x128xf32, #tpu.memory_space<vmem>>)
      "tpu.region"() ({
        %run_scoped3A = tpu.sem_alloc : memref<!tpu.dma_semaphore, #tpu.memory_space<semaphore_mem>>
        %dma_start3A_114 = arith.constant 0 : i32
        %dma_start3A_115 = tpu.memref_slice %arg8[%add3A_93, %dma_start3A_114] : memref<48x128xi32, #tpu.memory_space<vmem>> -> memref<1x128xi32, #tpu.memory_space<vmem>>
        %dma_start3A_116 = tpu.memref_squeeze %dma_start3A_115 : memref<1x128xi32, #tpu.memory_space<vmem>> -> memref<128xi32, #tpu.memory_space<vmem>>
        %dma_start3A_117 = arith.constant 0 : i32
        %dma_start3A_118 = arith.constant 0 : i32
        %dma_start3A_119 = tpu.memref_slice %arg11[%dma_start3A_117, %dma_start3A_118] : memref<10112x128xf32, #tpu.memory_space<vmem_shared>> -> memref<10112x128xf32, #tpu.memory_space<vmem_shared>>
        tpu.enqueue_indirect_dma source(%arg10 : memref<128x128xf32, #tpu.memory_space<vmem>>) target(%dma_start3A_119 : memref<10112x128xf32, #tpu.memory_space<vmem_shared>>) offsets(%dma_start3A_116 : memref<128xi32, #tpu.memory_space<vmem>>) semaphore(%run_scoped3A : memref<!tpu.dma_semaphore, #tpu.memory_space<semaphore_mem>>) {add = true}
        %dma_wait3A_120 = arith.constant 0 : i32
        %dma_wait3A_121 = tpu.memref_slice %arg8[%add3A_93, %dma_wait3A_120] : memref<48x128xi32, #tpu.memory_space<vmem>> -> memref<1x128xi32, #tpu.memory_space<vmem>>
        %dma_wait3A_122 = tpu.memref_squeeze %dma_wait3A_121 : memref<1x128xi32, #tpu.memory_space<vmem>> -> memref<128xi32, #tpu.memory_space<vmem>>
        %dma_wait3A_123 = arith.constant 0 : i32
        %dma_wait3A_124 = arith.constant 0 : i32
        %dma_wait3A_125 = tpu.memref_slice %arg11[%dma_wait3A_123, %dma_wait3A_124] : memref<10112x128xf32, #tpu.memory_space<vmem_shared>> -> memref<10112x128xf32, #tpu.memory_space<vmem_shared>>
        tpu.wait_indirect_dma semaphore(%run_scoped3A : memref<!tpu.dma_semaphore, #tpu.memory_space<semaphore_mem>>) src(%arg10 : memref<128x128xf32, #tpu.memory_space<vmem>>) dst(%dma_wait3A_125 : memref<10112x128xf32, #tpu.memory_space<vmem_shared>>)
        tpu.yield
      }) : () -> ()
    }
    %while3A_39 = arith.constant 1 : i32
    scf.for %while3A_89 = %while3A_37 to %while3A_33 step %while3A_39  : i32 {
      %mul3A_90 = arith.constant 2 : i32
      %mul3A_91 = arith.muli %mul3A_90, %while3A_89 : i32
      %add3A_92 = arith.constant 1 : i32
      %add3A_93 = arith.addi %mul3A_91, %add3A_92 : i32
      %dma_start3A_94 = arith.constant 0 : i32
      %dma_start3A_95 = tpu.memref_slice %arg7[%add3A_93, %dma_start3A_94] : memref<48x128xi32, #tpu.memory_space<vmem>> -> memref<1x128xi32, #tpu.memory_space<vmem>>
      %dma_start3A_96 = tpu.memref_squeeze %dma_start3A_95 : memref<1x128xi32, #tpu.memory_space<vmem>> -> memref<128xi32, #tpu.memory_space<vmem>>
      %dma_start3A_97 = arith.constant 0 : i32
      %dma_start3A_98 = arith.constant 0 : i32
      %dma_start3A_99 = tpu.memref_slice %arg2[%dma_start3A_97, %dma_start3A_98] : memref<10000x128xf32, #tpu.memory_space<hbm>> -> memref<10000x128xf32, #tpu.memory_space<hbm>>
      tpu.enqueue_indirect_dma source(%dma_start3A_99 : memref<10000x128xf32, #tpu.memory_space<hbm>>) target(%arg10 : memref<128x128xf32, #tpu.memory_space<vmem>>) offsets(%dma_start3A_96 : memref<128xi32, #tpu.memory_space<vmem>>) semaphore(%arg13 : memref<!tpu.dma_semaphore, #tpu.memory_space<semaphore_mem>>)
      %dma_wait3A = arith.constant 0 : i32
      %dma_wait3A_100 = tpu.memref_slice %arg7[%mul3A_91, %dma_wait3A] : memref<48x128xi32, #tpu.memory_space<vmem>> -> memref<1x128xi32, #tpu.memory_space<vmem>>
      %dma_wait3A_101 = tpu.memref_squeeze %dma_wait3A_100 : memref<1x128xi32, #tpu.memory_space<vmem>> -> memref<128xi32, #tpu.memory_space<vmem>>
      %dma_wait3A_102 = arith.constant 0 : i32
      %dma_wait3A_103 = arith.constant 0 : i32
      %dma_wait3A_104 = tpu.memref_slice %arg2[%dma_wait3A_102, %dma_wait3A_103] : memref<10000x128xf32, #tpu.memory_space<hbm>> -> memref<10000x128xf32, #tpu.memory_space<hbm>>
      tpu.wait_indirect_dma semaphore(%arg12 : memref<!tpu.dma_semaphore, #tpu.memory_space<semaphore_mem>>) src(%dma_wait3A_104 : memref<10000x128xf32, #tpu.memory_space<hbm>>) dst(%arg9 : memref<128x128xf32, #tpu.memory_space<vmem>>)
      "tpu.region"() ({
        %run_scoped3A = tpu.sem_alloc : memref<!tpu.dma_semaphore, #tpu.memory_space<semaphore_mem>>
        %dma_start3A_114 = arith.constant 0 : i32
        %dma_start3A_115 = tpu.memref_slice %arg8[%mul3A_91, %dma_start3A_114] : memref<48x128xi32, #tpu.memory_space<vmem>> -> memref<1x128xi32, #tpu.memory_space<vmem>>
        %dma_start3A_116 = tpu.memref_squeeze %dma_start3A_115 : memref<1x128xi32, #tpu.memory_space<vmem>> -> memref<128xi32, #tpu.memory_space<vmem>>
        %dma_start3A_117 = arith.constant 0 : i32
        %dma_start3A_118 = arith.constant 0 : i32
        %dma_start3A_119 = tpu.memref_slice %arg11[%dma_start3A_117, %dma_start3A_118] : memref<10112x128xf32, #tpu.memory_space<vmem_shared>> -> memref<10112x128xf32, #tpu.memory_space<vmem_shared>>
        tpu.enqueue_indirect_dma source(%arg9 : memref<128x128xf32, #tpu.memory_space<vmem>>) target(%dma_start3A_119 : memref<10112x128xf32, #tpu.memory_space<vmem_shared>>) offsets(%dma_start3A_116 : memref<128xi32, #tpu.memory_space<vmem>>) semaphore(%run_scoped3A : memref<!tpu.dma_semaphore, #tpu.memory_space<semaphore_mem>>) {add = true}
        %dma_wait3A_120 = arith.constant 0 : i32
        %dma_wait3A_121 = tpu.memref_slice %arg8[%mul3A_91, %dma_wait3A_120] : memref<48x128xi32, #tpu.memory_space<vmem>> -> memref<1x128xi32, #tpu.memory_space<vmem>>
        %dma_wait3A_122 = tpu.memref_squeeze %dma_wait3A_121 : memref<1x128xi32, #tpu.memory_space<vmem>> -> memref<128xi32, #tpu.memory_space<vmem>>
        %dma_wait3A_123 = arith.constant 0 : i32
        %dma_wait3A_124 = arith.constant 0 : i32
        %dma_wait3A_125 = tpu.memref_slice %arg11[%dma_wait3A_123, %dma_wait3A_124] : memref<10112x128xf32, #tpu.memory_space<vmem_shared>> -> memref<10112x128xf32, #tpu.memory_space<vmem_shared>>
        tpu.wait_indirect_dma semaphore(%run_scoped3A : memref<!tpu.dma_semaphore, #tpu.memory_space<semaphore_mem>>) src(%arg9 : memref<128x128xf32, #tpu.memory_space<vmem>>) dst(%dma_wait3A_125 : memref<10112x128xf32, #tpu.memory_space<vmem_shared>>)
        tpu.yield
      }) : () -> ()
      %add3A_105 = arith.constant 2 : i32
      %add3A_106 = arith.addi %mul3A_91, %add3A_105 : i32
      %lt3A = arith.cmpi slt, %add3A_106, %select_n3A : i32
      %convert_element_type3A = arith.extui %lt3A : i1 to i32
      %cond3A = arith.constant 0 : i32
      %cond3A_107 = arith.cmpi ne, %convert_element_type3A, %cond3A : i32
      scf.if %cond3A_107 {
        %add3A_114 = arith.constant 2 : i32
        %add3A_115 = arith.addi %mul3A_91, %add3A_114 : i32
        %dma_start3A_116 = arith.constant 0 : i32
        %dma_start3A_117 = tpu.memref_slice %arg7[%add3A_115, %dma_start3A_116] : memref<48x128xi32, #tpu.memory_space<vmem>> -> memref<1x128xi32, #tpu.memory_space<vmem>>
        %dma_start3A_118 = tpu.memref_squeeze %dma_start3A_117 : memref<1x128xi32, #tpu.memory_space<vmem>> -> memref<128xi32, #tpu.memory_space<vmem>>
        %dma_start3A_119 = arith.constant 0 : i32
        %dma_start3A_120 = arith.constant 0 : i32
        %dma_start3A_121 = tpu.memref_slice %arg2[%dma_start3A_119, %dma_start3A_120] : memref<10000x128xf32, #tpu.memory_space<hbm>> -> memref<10000x128xf32, #tpu.memory_space<hbm>>
        tpu.enqueue_indirect_dma source(%dma_start3A_121 : memref<10000x128xf32, #tpu.memory_space<hbm>>) target(%arg9 : memref<128x128xf32, #tpu.memory_space<vmem>>) offsets(%dma_start3A_118 : memref<128xi32, #tpu.memory_space<vmem>>) semaphore(%arg12 : memref<!tpu.dma_semaphore, #tpu.memory_space<semaphore_mem>>)
      } else {
      }
      %dma_wait3A_108 = arith.constant 0 : i32
      %dma_wait3A_109 = tpu.memref_slice %arg7[%add3A_93, %dma_wait3A_108] : memref<48x128xi32, #tpu.memory_space<vmem>> -> memref<1x128xi32, #tpu.memory_space<vmem>>
      %dma_wait3A_110 = tpu.memref_squeeze %dma_wait3A_109 : memref<1x128xi32, #tpu.memory_space<vmem>> -> memref<128xi32, #tpu.memory_space<vmem>>
      %dma_wait3A_111 = arith.constant 0 : i32
      %dma_wait3A_112 = arith.constant 0 : i32
      %dma_wait3A_113 = tpu.memref_slice %arg2[%dma_wait3A_111, %dma_wait3A_112] : memref<10000x128xf32, #tpu.memory_space<hbm>> -> memref<10000x128xf32, #tpu.memory_space<hbm>>
      tpu.wait_indirect_dma semaphore(%arg13 : memref<!tpu.dma_semaphore, #tpu.memory_space<semaphore_mem>>) src(%dma_wait3A_113 : memref<10000x128xf32, #tpu.memory_space<hbm>>) dst(%arg10 : memref<128x128xf32, #tpu.memory_space<vmem>>)
      "tpu.region"() ({
        %run_scoped3A = tpu.sem_alloc : memref<!tpu.dma_semaphore, #tpu.memory_space<semaphore_mem>>
        %dma_start3A_114 = arith.constant 0 : i32
        %dma_start3A_115 = tpu.memref_slice %arg8[%add3A_93, %dma_start3A_114] : memref<48x128xi32, #tpu.memory_space<vmem>> -> memref<1x128xi32, #tpu.memory_space<vmem>>
        %dma_start3A_116 = tpu.memref_squeeze %dma_start3A_115 : memref<1x128xi32, #tpu.memory_space<vmem>> -> memref<128xi32, #tpu.memory_space<vmem>>
        %dma_start3A_117 = arith.constant 0 : i32
        %dma_start3A_118 = arith.constant 0 : i32
        %dma_start3A_119 = tpu.memref_slice %arg11[%dma_start3A_117, %dma_start3A_118] : memref<10112x128xf32, #tpu.memory_space<vmem_shared>> -> memref<10112x128xf32, #tpu.memory_space<vmem_shared>>
        tpu.enqueue_indirect_dma source(%arg10 : memref<128x128xf32, #tpu.memory_space<vmem>>) target(%dma_start3A_119 : memref<10112x128xf32, #tpu.memory_space<vmem_shared>>) offsets(%dma_start3A_116 : memref<128xi32, #tpu.memory_space<vmem>>) semaphore(%run_scoped3A : memref<!tpu.dma_semaphore, #tpu.memory_space<semaphore_mem>>) {add = true}
        %dma_wait3A_120 = arith.constant 0 : i32
        %dma_wait3A_121 = tpu.memref_slice %arg8[%add3A_93, %dma_wait3A_120] : memref<48x128xi32, #tpu.memory_space<vmem>> -> memref<1x128xi32, #tpu.memory_space<vmem>>
        %dma_wait3A_122 = tpu.memref_squeeze %dma_wait3A_121 : memref<1x128xi32, #tpu.memory_space<vmem>> -> memref<128xi32, #tpu.memory_space<vmem>>
        %dma_wait3A_123 = arith.constant 0 : i32
        %dma_wait3A_124 = arith.constant 0 : i32
        %dma_wait3A_125 = tpu.memref_slice %arg11[%dma_wait3A_123, %dma_wait3A_124] : memref<10112x128xf32, #tpu.memory_space<vmem_shared>> -> memref<10112x128xf32, #tpu.memory_space<vmem_shared>>
        tpu.wait_indirect_dma semaphore(%run_scoped3A : memref<!tpu.dma_semaphore, #tpu.memory_space<semaphore_mem>>) src(%arg10 : memref<128x128xf32, #tpu.memory_space<vmem>>) dst(%dma_wait3A_125 : memref<10112x128xf32, #tpu.memory_space<vmem_shared>>)
        tpu.yield
      }) : () -> ()
    }
    %mul3A_40 = arith.constant 1 : i32
    %mul3A_41 = arith.muli %mul3A_40, %select_n3A : i32
    %multiple_of3A_42 = tpu.assume_multiple %mul3A_41, 8 : i32
    "tpu.region"() ({
      %run_scoped3A = tpu.sem_alloc : memref<!tpu.dma_semaphore, #tpu.memory_space<semaphore_mem>>
      %dma_start3A_89 = arith.constant 0 : i32
      %dma_start3A_90 = arith.constant 0 : i32
      %dma_start3A_91 = tpu.memref_slice %arg3[%add3A, %dma_start3A_89, %dma_start3A_90] : memref<32x97x128xi32, #tpu.memory_space<hbm>> -> memref<1x97x128xi32, #tpu.memory_space<hbm>>
      %dma_start3A_92 = tpu.memref_squeeze %dma_start3A_91 : memref<1x97x128xi32, #tpu.memory_space<hbm>> -> memref<97x128xi32, #tpu.memory_space<hbm>>
      %dma_start3A_93 = arith.constant 0 : i32
      %dma_start3A_94 = tpu.memref_slice %dma_start3A_92[%multiple_of3A_42, %dma_start3A_93] : memref<97x128xi32, #tpu.memory_space<hbm>> -> memref<48x128xi32, #tpu.memory_space<hbm>>
      %dma_start3A_95 = arith.constant 0 : i32
      %dma_start3A_96 = arith.constant 0 : i32
      %dma_start3A_97 = tpu.memref_slice %arg3[%add3A, %dma_start3A_95, %dma_start3A_96] : memref<32x97x128xi32, #tpu.memory_space<hbm>> -> memref<1x97x128xi32, #tpu.memory_space<hbm>>
      %dma_start3A_98 = tpu.memref_squeeze %dma_start3A_97 : memref<1x97x128xi32, #tpu.memory_space<hbm>> -> memref<97x128xi32, #tpu.memory_space<hbm>>
      %dma_start3A_99 = arith.constant 0 : i32
      %dma_start3A_100 = tpu.memref_slice %dma_start3A_98[%multiple_of3A_42, %dma_start3A_99] : memref<97x128xi32, #tpu.memory_space<hbm>> -> memref<48x128xi32, #tpu.memory_space<hbm>>
      tpu.enqueue_dma source(%dma_start3A_100 : memref<48x128xi32, #tpu.memory_space<hbm>>) target(%arg7 : memref<48x128xi32, #tpu.memory_space<vmem>>) target_semaphore(%run_scoped3A : memref<!tpu.dma_semaphore, #tpu.memory_space<semaphore_mem>>)
      %dma_wait3A = arith.constant 0 : i32
      %dma_wait3A_101 = arith.constant 0 : i32
      %dma_wait3A_102 = tpu.memref_slice %arg3[%add3A, %dma_wait3A, %dma_wait3A_101] : memref<32x97x128xi32, #tpu.memory_space<hbm>> -> memref<1x97x128xi32, #tpu.memory_space<hbm>>
      %dma_wait3A_103 = tpu.memref_squeeze %dma_wait3A_102 : memref<1x97x128xi32, #tpu.memory_space<hbm>> -> memref<97x128xi32, #tpu.memory_space<hbm>>
      %dma_wait3A_104 = arith.constant 0 : i32
      %dma_wait3A_105 = tpu.memref_slice %dma_wait3A_103[%multiple_of3A_42, %dma_wait3A_104] : memref<97x128xi32, #tpu.memory_space<hbm>> -> memref<48x128xi32, #tpu.memory_space<hbm>>
      %dma_wait3A_106 = arith.constant 0 : i32
      %dma_wait3A_107 = arith.constant 0 : i32
      %dma_wait3A_108 = tpu.memref_slice %arg3[%add3A, %dma_wait3A_106, %dma_wait3A_107] : memref<32x97x128xi32, #tpu.memory_space<hbm>> -> memref<1x97x128xi32, #tpu.memory_space<hbm>>
      %dma_wait3A_109 = tpu.memref_squeeze %dma_wait3A_108 : memref<1x97x128xi32, #tpu.memory_space<hbm>> -> memref<97x128xi32, #tpu.memory_space<hbm>>
      %dma_wait3A_110 = arith.constant 0 : i32
      %dma_wait3A_111 = tpu.memref_slice %dma_wait3A_109[%multiple_of3A_42, %dma_wait3A_110] : memref<97x128xi32, #tpu.memory_space<hbm>> -> memref<48x128xi32, #tpu.memory_space<hbm>>
      tpu.wait_dma2 semaphore(%run_scoped3A : memref<!tpu.dma_semaphore, #tpu.memory_space<semaphore_mem>>) src(%dma_wait3A_111 : memref<48x128xi32, #tpu.memory_space<hbm>>) dst(%arg7 : memref<48x128xi32, #tpu.memory_space<vmem>>)
      tpu.yield
    }) : () -> ()
    "tpu.region"() ({
      %run_scoped3A = tpu.sem_alloc : memref<!tpu.dma_semaphore, #tpu.memory_space<semaphore_mem>>
      %dma_start3A_89 = arith.constant 0 : i32
      %dma_start3A_90 = arith.constant 0 : i32
      %dma_start3A_91 = tpu.memref_slice %arg4[%add3A, %dma_start3A_89, %dma_start3A_90] : memref<32x97x128xi32, #tpu.memory_space<hbm>> -> memref<1x97x128xi32, #tpu.memory_space<hbm>>
      %dma_start3A_92 = tpu.memref_squeeze %dma_start3A_91 : memref<1x97x128xi32, #tpu.memory_space<hbm>> -> memref<97x128xi32, #tpu.memory_space<hbm>>
      %dma_start3A_93 = arith.constant 0 : i32
      %dma_start3A_94 = tpu.memref_slice %dma_start3A_92[%multiple_of3A_42, %dma_start3A_93] : memref<97x128xi32, #tpu.memory_space<hbm>> -> memref<48x128xi32, #tpu.memory_space<hbm>>
      %dma_start3A_95 = arith.constant 0 : i32
      %dma_start3A_96 = arith.constant 0 : i32
      %dma_start3A_97 = tpu.memref_slice %arg4[%add3A, %dma_start3A_95, %dma_start3A_96] : memref<32x97x128xi32, #tpu.memory_space<hbm>> -> memref<1x97x128xi32, #tpu.memory_space<hbm>>
      %dma_start3A_98 = tpu.memref_squeeze %dma_start3A_97 : memref<1x97x128xi32, #tpu.memory_space<hbm>> -> memref<97x128xi32, #tpu.memory_space<hbm>>
      %dma_start3A_99 = arith.constant 0 : i32
      %dma_start3A_100 = tpu.memref_slice %dma_start3A_98[%multiple_of3A_42, %dma_start3A_99] : memref<97x128xi32, #tpu.memory_space<hbm>> -> memref<48x128xi32, #tpu.memory_space<hbm>>
      tpu.enqueue_dma source(%dma_start3A_100 : memref<48x128xi32, #tpu.memory_space<hbm>>) target(%arg8 : memref<48x128xi32, #tpu.memory_space<vmem>>) target_semaphore(%run_scoped3A : memref<!tpu.dma_semaphore, #tpu.memory_space<semaphore_mem>>)
      %dma_wait3A = arith.constant 0 : i32
      %dma_wait3A_101 = arith.constant 0 : i32
      %dma_wait3A_102 = tpu.memref_slice %arg4[%add3A, %dma_wait3A, %dma_wait3A_101] : memref<32x97x128xi32, #tpu.memory_space<hbm>> -> memref<1x97x128xi32, #tpu.memory_space<hbm>>
      %dma_wait3A_103 = tpu.memref_squeeze %dma_wait3A_102 : memref<1x97x128xi32, #tpu.memory_space<hbm>> -> memref<97x128xi32, #tpu.memory_space<hbm>>
      %dma_wait3A_104 = arith.constant 0 : i32
      %dma_wait3A_105 = tpu.memref_slice %dma_wait3A_103[%multiple_of3A_42, %dma_wait3A_104] : memref<97x128xi32, #tpu.memory_space<hbm>> -> memref<48x128xi32, #tpu.memory_space<hbm>>
      %dma_wait3A_106 = arith.constant 0 : i32
      %dma_wait3A_107 = arith.constant 0 : i32
      %dma_wait3A_108 = tpu.memref_slice %arg4[%add3A, %dma_wait3A_106, %dma_wait3A_107] : memref<32x97x128xi32, #tpu.memory_space<hbm>> -> memref<1x97x128xi32, #tpu.memory_space<hbm>>
      %dma_wait3A_109 = tpu.memref_squeeze %dma_wait3A_108 : memref<1x97x128xi32, #tpu.memory_space<hbm>> -> memref<97x128xi32, #tpu.memory_space<hbm>>
      %dma_wait3A_110 = arith.constant 0 : i32
      %dma_wait3A_111 = tpu.memref_slice %dma_wait3A_109[%multiple_of3A_42, %dma_wait3A_110] : memref<97x128xi32, #tpu.memory_space<hbm>> -> memref<48x128xi32, #tpu.memory_space<hbm>>
      tpu.wait_dma2 semaphore(%run_scoped3A : memref<!tpu.dma_semaphore, #tpu.memory_space<semaphore_mem>>) src(%dma_wait3A_111 : memref<48x128xi32, #tpu.memory_space<hbm>>) dst(%arg8 : memref<48x128xi32, #tpu.memory_space<vmem>>)
      tpu.yield
    }) : () -> ()
    %dma_start3A_43 = arith.constant 0 : i32
    %dma_start3A_44 = arith.constant 0 : i32
    %dma_start3A_45 = tpu.memref_slice %arg7[%dma_start3A_43, %dma_start3A_44] : memref<48x128xi32, #tpu.memory_space<vmem>> -> memref<1x128xi32, #tpu.memory_space<vmem>>
    %dma_start3A_46 = tpu.memref_squeeze %dma_start3A_45 : memref<1x128xi32, #tpu.memory_space<vmem>> -> memref<128xi32, #tpu.memory_space<vmem>>
    %dma_start3A_47 = arith.constant 0 : i32
    %dma_start3A_48 = arith.constant 0 : i32
    %dma_start3A_49 = tpu.memref_slice %arg2[%dma_start3A_47, %dma_start3A_48] : memref<10000x128xf32, #tpu.memory_space<hbm>> -> memref<10000x128xf32, #tpu.memory_space<hbm>>
    tpu.enqueue_indirect_dma source(%dma_start3A_49 : memref<10000x128xf32, #tpu.memory_space<hbm>>) target(%arg9 : memref<128x128xf32, #tpu.memory_space<vmem>>) offsets(%dma_start3A_46 : memref<128xi32, #tpu.memory_space<vmem>>) semaphore(%arg12 : memref<!tpu.dma_semaphore, #tpu.memory_space<semaphore_mem>>)
    %jit3A_50 = arith.constant 2 : i32
    %div3A_51 = arith.divsi %select_n3A, %jit3A_50 : i32
    %sign3A_52 = arith.constant 0 : i32
    %sign3A_53 = arith.cmpi sgt, %select_n3A, %sign3A_52 : i32
    %sign3A_54 = arith.extui %sign3A_53 : i1 to i32
    %sign3A_55 = arith.constant 0 : i32
    %sign3A_56 = arith.cmpi slt, %select_n3A, %sign3A_55 : i32
    %sign3A_57 = arith.extui %sign3A_56 : i1 to i32
    %sign3A_58 = arith.subi %sign3A_54, %sign3A_57 : i32
    %sign3A_59 = arith.constant 0 : i32
    %sign3A_60 = arith.cmpi sgt, %jit3A_50, %sign3A_59 : i32
    %sign3A_61 = arith.extui %sign3A_60 : i1 to i32
    %sign3A_62 = arith.constant 0 : i32
    %sign3A_63 = arith.cmpi slt, %jit3A_50, %sign3A_62 : i32
    %sign3A_64 = arith.extui %sign3A_63 : i1 to i32
    %sign3A_65 = arith.subi %sign3A_61, %sign3A_64 : i32
    %ne3A_66 = arith.cmpi ne, %sign3A_58, %sign3A_65 : i32
    %rem3A_67 = arith.remsi %select_n3A, %jit3A_50 : i32
    %ne3A_68 = arith.constant 0 : i32
    %ne3A_69 = arith.cmpi ne, %rem3A_67, %ne3A_68 : i32
    %and3A_70 = arith.andi %ne3A_66, %ne3A_69 : i1
    %sub3A_71 = arith.constant 1 : i32
    %sub3A_72 = arith.subi %div3A_51, %sub3A_71 : i32
    %select_n3A_73 = arith.select %and3A_70, %sub3A_72, %div3A_51 : i32
    %while3A_74 = arith.constant 0 : i32
    %while3A_75 = arith.constant 0 : i32
    %while3A_76 = arith.subi %select_n3A_73, %while3A_75 : i32
    %while3A_77 = arith.addi %while3A_75, %while3A_76 : i32
    %while3A_78 = arith.constant 1 : i32
    %while3A_79 = arith.divsi %while3A_76, %while3A_78 : i32
    %while3A_80 = arith.muli %while3A_79, %while3A_78 : i32
    %while3A_81 = arith.addi %while3A_75, %while3A_80 : i32
    %while3A_82 = arith.constant 1 : i32
    scf.for %while3A_89 = %while3A_75 to %while3A_81 step %while3A_82  : i32 {
      %mul3A_90 = arith.constant 2 : i32
      %mul3A_91 = arith.muli %mul3A_90, %while3A_89 : i32
      %add3A_92 = arith.constant 1 : i32
      %add3A_93 = arith.addi %mul3A_91, %add3A_92 : i32
      %dma_start3A_94 = arith.constant 0 : i32
      %dma_start3A_95 = tpu.memref_slice %arg7[%add3A_93, %dma_start3A_94] : memref<48x128xi32, #tpu.memory_space<vmem>> -> memref<1x128xi32, #tpu.memory_space<vmem>>
      %dma_start3A_96 = tpu.memref_squeeze %dma_start3A_95 : memref<1x128xi32, #tpu.memory_space<vmem>> -> memref<128xi32, #tpu.memory_space<vmem>>
      %dma_start3A_97 = arith.constant 0 : i32
      %dma_start3A_98 = arith.constant 0 : i32
      %dma_start3A_99 = tpu.memref_slice %arg2[%dma_start3A_97, %dma_start3A_98] : memref<10000x128xf32, #tpu.memory_space<hbm>> -> memref<10000x128xf32, #tpu.memory_space<hbm>>
      tpu.enqueue_indirect_dma source(%dma_start3A_99 : memref<10000x128xf32, #tpu.memory_space<hbm>>) target(%arg10 : memref<128x128xf32, #tpu.memory_space<vmem>>) offsets(%dma_start3A_96 : memref<128xi32, #tpu.memory_space<vmem>>) semaphore(%arg13 : memref<!tpu.dma_semaphore, #tpu.memory_space<semaphore_mem>>)
      %dma_wait3A = arith.constant 0 : i32
      %dma_wait3A_100 = tpu.memref_slice %arg7[%mul3A_91, %dma_wait3A] : memref<48x128xi32, #tpu.memory_space<vmem>> -> memref<1x128xi32, #tpu.memory_space<vmem>>
      %dma_wait3A_101 = tpu.memref_squeeze %dma_wait3A_100 : memref<1x128xi32, #tpu.memory_space<vmem>> -> memref<128xi32, #tpu.memory_space<vmem>>
      %dma_wait3A_102 = arith.constant 0 : i32
      %dma_wait3A_103 = arith.constant 0 : i32
      %dma_wait3A_104 = tpu.memref_slice %arg2[%dma_wait3A_102, %dma_wait3A_103] : memref<10000x128xf32, #tpu.memory_space<hbm>> -> memref<10000x128xf32, #tpu.memory_space<hbm>>
      tpu.wait_indirect_dma semaphore(%arg12 : memref<!tpu.dma_semaphore, #tpu.memory_space<semaphore_mem>>) src(%dma_wait3A_104 : memref<10000x128xf32, #tpu.memory_space<hbm>>) dst(%arg9 : memref<128x128xf32, #tpu.memory_space<vmem>>)
      "tpu.region"() ({
        %run_scoped3A = tpu.sem_alloc : memref<!tpu.dma_semaphore, #tpu.memory_space<semaphore_mem>>
        %dma_start3A_114 = arith.constant 0 : i32
        %dma_start3A_115 = tpu.memref_slice %arg8[%mul3A_91, %dma_start3A_114] : memref<48x128xi32, #tpu.memory_space<vmem>> -> memref<1x128xi32, #tpu.memory_space<vmem>>
        %dma_start3A_116 = tpu.memref_squeeze %dma_start3A_115 : memref<1x128xi32, #tpu.memory_space<vmem>> -> memref<128xi32, #tpu.memory_space<vmem>>
        %dma_start3A_117 = arith.constant 0 : i32
        %dma_start3A_118 = arith.constant 0 : i32
        %dma_start3A_119 = tpu.memref_slice %arg11[%dma_start3A_117, %dma_start3A_118] : memref<10112x128xf32, #tpu.memory_space<vmem_shared>> -> memref<10112x128xf32, #tpu.memory_space<vmem_shared>>
        tpu.enqueue_indirect_dma source(%arg9 : memref<128x128xf32, #tpu.memory_space<vmem>>) target(%dma_start3A_119 : memref<10112x128xf32, #tpu.memory_space<vmem_shared>>) offsets(%dma_start3A_116 : memref<128xi32, #tpu.memory_space<vmem>>) semaphore(%run_scoped3A : memref<!tpu.dma_semaphore, #tpu.memory_space<semaphore_mem>>) {add = true}
        %dma_wait3A_120 = arith.constant 0 : i32
        %dma_wait3A_121 = tpu.memref_slice %arg8[%mul3A_91, %dma_wait3A_120] : memref<48x128xi32, #tpu.memory_space<vmem>> -> memref<1x128xi32, #tpu.memory_space<vmem>>
        %dma_wait3A_122 = tpu.memref_squeeze %dma_wait3A_121 : memref<1x128xi32, #tpu.memory_space<vmem>> -> memref<128xi32, #tpu.memory_space<vmem>>
        %dma_wait3A_123 = arith.constant 0 : i32
        %dma_wait3A_124 = arith.constant 0 : i32
        %dma_wait3A_125 = tpu.memref_slice %arg11[%dma_wait3A_123, %dma_wait3A_124] : memref<10112x128xf32, #tpu.memory_space<vmem_shared>> -> memref<10112x128xf32, #tpu.memory_space<vmem_shared>>
        tpu.wait_indirect_dma semaphore(%run_scoped3A : memref<!tpu.dma_semaphore, #tpu.memory_space<semaphore_mem>>) src(%arg9 : memref<128x128xf32, #tpu.memory_space<vmem>>) dst(%dma_wait3A_125 : memref<10112x128xf32, #tpu.memory_space<vmem_shared>>)
        tpu.yield
      }) : () -> ()
      %add3A_105 = arith.constant 2 : i32
      %add3A_106 = arith.addi %mul3A_91, %add3A_105 : i32
      %lt3A = arith.cmpi slt, %add3A_106, %select_n3A : i32
      %convert_element_type3A = arith.extui %lt3A : i1 to i32
      %cond3A = arith.constant 0 : i32
      %cond3A_107 = arith.cmpi ne, %convert_element_type3A, %cond3A : i32
      scf.if %cond3A_107 {
        %add3A_114 = arith.constant 2 : i32
        %add3A_115 = arith.addi %mul3A_91, %add3A_114 : i32
        %dma_start3A_116 = arith.constant 0 : i32
        %dma_start3A_117 = tpu.memref_slice %arg7[%add3A_115, %dma_start3A_116] : memref<48x128xi32, #tpu.memory_space<vmem>> -> memref<1x128xi32, #tpu.memory_space<vmem>>
        %dma_start3A_118 = tpu.memref_squeeze %dma_start3A_117 : memref<1x128xi32, #tpu.memory_space<vmem>> -> memref<128xi32, #tpu.memory_space<vmem>>
        %dma_start3A_119 = arith.constant 0 : i32
        %dma_start3A_120 = arith.constant 0 : i32
        %dma_start3A_121 = tpu.memref_slice %arg2[%dma_start3A_119, %dma_start3A_120] : memref<10000x128xf32, #tpu.memory_space<hbm>> -> memref<10000x128xf32, #tpu.memory_space<hbm>>
        tpu.enqueue_indirect_dma source(%dma_start3A_121 : memref<10000x128xf32, #tpu.memory_space<hbm>>) target(%arg9 : memref<128x128xf32, #tpu.memory_space<vmem>>) offsets(%dma_start3A_118 : memref<128xi32, #tpu.memory_space<vmem>>) semaphore(%arg12 : memref<!tpu.dma_semaphore, #tpu.memory_space<semaphore_mem>>)
      } else {
      }
      %dma_wait3A_108 = arith.constant 0 : i32
      %dma_wait3A_109 = tpu.memref_slice %arg7[%add3A_93, %dma_wait3A_108] : memref<48x128xi32, #tpu.memory_space<vmem>> -> memref<1x128xi32, #tpu.memory_space<vmem>>
      %dma_wait3A_110 = tpu.memref_squeeze %dma_wait3A_109 : memref<1x128xi32, #tpu.memory_space<vmem>> -> memref<128xi32, #tpu.memory_space<vmem>>
      %dma_wait3A_111 = arith.constant 0 : i32
      %dma_wait3A_112 = arith.constant 0 : i32
      %dma_wait3A_113 = tpu.memref_slice %arg2[%dma_wait3A_111, %dma_wait3A_112] : memref<10000x128xf32, #tpu.memory_space<hbm>> -> memref<10000x128xf32, #tpu.memory_space<hbm>>
      tpu.wait_indirect_dma semaphore(%arg13 : memref<!tpu.dma_semaphore, #tpu.memory_space<semaphore_mem>>) src(%dma_wait3A_113 : memref<10000x128xf32, #tpu.memory_space<hbm>>) dst(%arg10 : memref<128x128xf32, #tpu.memory_space<vmem>>)
      "tpu.region"() ({
        %run_scoped3A = tpu.sem_alloc : memref<!tpu.dma_semaphore, #tpu.memory_space<semaphore_mem>>
        %dma_start3A_114 = arith.constant 0 : i32
        %dma_start3A_115 = tpu.memref_slice %arg8[%add3A_93, %dma_start3A_114] : memref<48x128xi32, #tpu.memory_space<vmem>> -> memref<1x128xi32, #tpu.memory_space<vmem>>
        %dma_start3A_116 = tpu.memref_squeeze %dma_start3A_115 : memref<1x128xi32, #tpu.memory_space<vmem>> -> memref<128xi32, #tpu.memory_space<vmem>>
        %dma_start3A_117 = arith.constant 0 : i32
        %dma_start3A_118 = arith.constant 0 : i32
        %dma_start3A_119 = tpu.memref_slice %arg11[%dma_start3A_117, %dma_start3A_118] : memref<10112x128xf32, #tpu.memory_space<vmem_shared>> -> memref<10112x128xf32, #tpu.memory_space<vmem_shared>>
        tpu.enqueue_indirect_dma source(%arg10 : memref<128x128xf32, #tpu.memory_space<vmem>>) target(%dma_start3A_119 : memref<10112x128xf32, #tpu.memory_space<vmem_shared>>) offsets(%dma_start3A_116 : memref<128xi32, #tpu.memory_space<vmem>>) semaphore(%run_scoped3A : memref<!tpu.dma_semaphore, #tpu.memory_space<semaphore_mem>>) {add = true}
        %dma_wait3A_120 = arith.constant 0 : i32
        %dma_wait3A_121 = tpu.memref_slice %arg8[%add3A_93, %dma_wait3A_120] : memref<48x128xi32, #tpu.memory_space<vmem>> -> memref<1x128xi32, #tpu.memory_space<vmem>>
        %dma_wait3A_122 = tpu.memref_squeeze %dma_wait3A_121 : memref<1x128xi32, #tpu.memory_space<vmem>> -> memref<128xi32, #tpu.memory_space<vmem>>
        %dma_wait3A_123 = arith.constant 0 : i32
        %dma_wait3A_124 = arith.constant 0 : i32
        %dma_wait3A_125 = tpu.memref_slice %arg11[%dma_wait3A_123, %dma_wait3A_124] : memref<10112x128xf32, #tpu.memory_space<vmem_shared>> -> memref<10112x128xf32, #tpu.memory_space<vmem_shared>>
        tpu.wait_indirect_dma semaphore(%run_scoped3A : memref<!tpu.dma_semaphore, #tpu.memory_space<semaphore_mem>>) src(%arg10 : memref<128x128xf32, #tpu.memory_space<vmem>>) dst(%dma_wait3A_125 : memref<10112x128xf32, #tpu.memory_space<vmem_shared>>)
        tpu.yield
      }) : () -> ()
    }
    %while3A_83 = arith.constant 1 : i32
    scf.for %while3A_89 = %while3A_81 to %while3A_77 step %while3A_83  : i32 {
      %mul3A_90 = arith.constant 2 : i32
      %mul3A_91 = arith.muli %mul3A_90, %while3A_89 : i32
      %add3A_92 = arith.constant 1 : i32
      %add3A_93 = arith.addi %mul3A_91, %add3A_92 : i32
      %dma_start3A_94 = arith.constant 0 : i32
      %dma_start3A_95 = tpu.memref_slice %arg7[%add3A_93, %dma_start3A_94] : memref<48x128xi32, #tpu.memory_space<vmem>> -> memref<1x128xi32, #tpu.memory_space<vmem>>
      %dma_start3A_96 = tpu.memref_squeeze %dma_start3A_95 : memref<1x128xi32, #tpu.memory_space<vmem>> -> memref<128xi32, #tpu.memory_space<vmem>>
      %dma_start3A_97 = arith.constant 0 : i32
      %dma_start3A_98 = arith.constant 0 : i32
      %dma_start3A_99 = tpu.memref_slice %arg2[%dma_start3A_97, %dma_start3A_98] : memref<10000x128xf32, #tpu.memory_space<hbm>> -> memref<10000x128xf32, #tpu.memory_space<hbm>>
      tpu.enqueue_indirect_dma source(%dma_start3A_99 : memref<10000x128xf32, #tpu.memory_space<hbm>>) target(%arg10 : memref<128x128xf32, #tpu.memory_space<vmem>>) offsets(%dma_start3A_96 : memref<128xi32, #tpu.memory_space<vmem>>) semaphore(%arg13 : memref<!tpu.dma_semaphore, #tpu.memory_space<semaphore_mem>>)
      %dma_wait3A = arith.constant 0 : i32
      %dma_wait3A_100 = tpu.memref_slice %arg7[%mul3A_91, %dma_wait3A] : memref<48x128xi32, #tpu.memory_space<vmem>> -> memref<1x128xi32, #tpu.memory_space<vmem>>
      %dma_wait3A_101 = tpu.memref_squeeze %dma_wait3A_100 : memref<1x128xi32, #tpu.memory_space<vmem>> -> memref<128xi32, #tpu.memory_space<vmem>>
      %dma_wait3A_102 = arith.constant 0 : i32
      %dma_wait3A_103 = arith.constant 0 : i32
      %dma_wait3A_104 = tpu.memref_slice %arg2[%dma_wait3A_102, %dma_wait3A_103] : memref<10000x128xf32, #tpu.memory_space<hbm>> -> memref<10000x128xf32, #tpu.memory_space<hbm>>
      tpu.wait_indirect_dma semaphore(%arg12 : memref<!tpu.dma_semaphore, #tpu.memory_space<semaphore_mem>>) src(%dma_wait3A_104 : memref<10000x128xf32, #tpu.memory_space<hbm>>) dst(%arg9 : memref<128x128xf32, #tpu.memory_space<vmem>>)
      "tpu.region"() ({
        %run_scoped3A = tpu.sem_alloc : memref<!tpu.dma_semaphore, #tpu.memory_space<semaphore_mem>>
        %dma_start3A_114 = arith.constant 0 : i32
        %dma_start3A_115 = tpu.memref_slice %arg8[%mul3A_91, %dma_start3A_114] : memref<48x128xi32, #tpu.memory_space<vmem>> -> memref<1x128xi32, #tpu.memory_space<vmem>>
        %dma_start3A_116 = tpu.memref_squeeze %dma_start3A_115 : memref<1x128xi32, #tpu.memory_space<vmem>> -> memref<128xi32, #tpu.memory_space<vmem>>
        %dma_start3A_117 = arith.constant 0 : i32
        %dma_start3A_118 = arith.constant 0 : i32
        %dma_start3A_119 = tpu.memref_slice %arg11[%dma_start3A_117, %dma_start3A_118] : memref<10112x128xf32, #tpu.memory_space<vmem_shared>> -> memref<10112x128xf32, #tpu.memory_space<vmem_shared>>
        tpu.enqueue_indirect_dma source(%arg9 : memref<128x128xf32, #tpu.memory_space<vmem>>) target(%dma_start3A_119 : memref<10112x128xf32, #tpu.memory_space<vmem_shared>>) offsets(%dma_start3A_116 : memref<128xi32, #tpu.memory_space<vmem>>) semaphore(%run_scoped3A : memref<!tpu.dma_semaphore, #tpu.memory_space<semaphore_mem>>) {add = true}
        %dma_wait3A_120 = arith.constant 0 : i32
        %dma_wait3A_121 = tpu.memref_slice %arg8[%mul3A_91, %dma_wait3A_120] : memref<48x128xi32, #tpu.memory_space<vmem>> -> memref<1x128xi32, #tpu.memory_space<vmem>>
        %dma_wait3A_122 = tpu.memref_squeeze %dma_wait3A_121 : memref<1x128xi32, #tpu.memory_space<vmem>> -> memref<128xi32, #tpu.memory_space<vmem>>
        %dma_wait3A_123 = arith.constant 0 : i32
        %dma_wait3A_124 = arith.constant 0 : i32
        %dma_wait3A_125 = tpu.memref_slice %arg11[%dma_wait3A_123, %dma_wait3A_124] : memref<10112x128xf32, #tpu.memory_space<vmem_shared>> -> memref<10112x128xf32, #tpu.memory_space<vmem_shared>>
        tpu.wait_indirect_dma semaphore(%run_scoped3A : memref<!tpu.dma_semaphore, #tpu.memory_space<semaphore_mem>>) src(%arg9 : memref<128x128xf32, #tpu.memory_space<vmem>>) dst(%dma_wait3A_125 : memref<10112x128xf32, #tpu.memory_space<vmem_shared>>)
        tpu.yield
      }) : () -> ()
      %add3A_105 = arith.constant 2 : i32
      %add3A_106 = arith.addi %mul3A_91, %add3A_105 : i32
      %lt3A = arith.cmpi slt, %add3A_106, %select_n3A : i32
      %convert_element_type3A = arith.extui %lt3A : i1 to i32
      %cond3A = arith.constant 0 : i32
      %cond3A_107 = arith.cmpi ne, %convert_element_type3A, %cond3A : i32
      scf.if %cond3A_107 {
        %add3A_114 = arith.constant 2 : i32
        %add3A_115 = arith.addi %mul3A_91, %add3A_114 : i32
        %dma_start3A_116 = arith.constant 0 : i32
        %dma_start3A_117 = tpu.memref_slice %arg7[%add3A_115, %dma_start3A_116] : memref<48x128xi32, #tpu.memory_space<vmem>> -> memref<1x128xi32, #tpu.memory_space<vmem>>
        %dma_start3A_118 = tpu.memref_squeeze %dma_start3A_117 : memref<1x128xi32, #tpu.memory_space<vmem>> -> memref<128xi32, #tpu.memory_space<vmem>>
        %dma_start3A_119 = arith.constant 0 : i32
        %dma_start3A_120 = arith.constant 0 : i32
        %dma_start3A_121 = tpu.memref_slice %arg2[%dma_start3A_119, %dma_start3A_120] : memref<10000x128xf32, #tpu.memory_space<hbm>> -> memref<10000x128xf32, #tpu.memory_space<hbm>>
        tpu.enqueue_indirect_dma source(%dma_start3A_121 : memref<10000x128xf32, #tpu.memory_space<hbm>>) target(%arg9 : memref<128x128xf32, #tpu.memory_space<vmem>>) offsets(%dma_start3A_118 : memref<128xi32, #tpu.memory_space<vmem>>) semaphore(%arg12 : memref<!tpu.dma_semaphore, #tpu.memory_space<semaphore_mem>>)
      } else {
      }
      %dma_wait3A_108 = arith.constant 0 : i32
      %dma_wait3A_109 = tpu.memref_slice %arg7[%add3A_93, %dma_wait3A_108] : memref<48x128xi32, #tpu.memory_space<vmem>> -> memref<1x128xi32, #tpu.memory_space<vmem>>
      %dma_wait3A_110 = tpu.memref_squeeze %dma_wait3A_109 : memref<1x128xi32, #tpu.memory_space<vmem>> -> memref<128xi32, #tpu.memory_space<vmem>>
      %dma_wait3A_111 = arith.constant 0 : i32
      %dma_wait3A_112 = arith.constant 0 : i32
      %dma_wait3A_113 = tpu.memref_slice %arg2[%dma_wait3A_111, %dma_wait3A_112] : memref<10000x128xf32, #tpu.memory_space<hbm>> -> memref<10000x128xf32, #tpu.memory_space<hbm>>
      tpu.wait_indirect_dma semaphore(%arg13 : memref<!tpu.dma_semaphore, #tpu.memory_space<semaphore_mem>>) src(%dma_wait3A_113 : memref<10000x128xf32, #tpu.memory_space<hbm>>) dst(%arg10 : memref<128x128xf32, #tpu.memory_space<vmem>>)
      "tpu.region"() ({
        %run_scoped3A = tpu.sem_alloc : memref<!tpu.dma_semaphore, #tpu.memory_space<semaphore_mem>>
        %dma_start3A_114 = arith.constant 0 : i32
        %dma_start3A_115 = tpu.memref_slice %arg8[%add3A_93, %dma_start3A_114] : memref<48x128xi32, #tpu.memory_space<vmem>> -> memref<1x128xi32, #tpu.memory_space<vmem>>
        %dma_start3A_116 = tpu.memref_squeeze %dma_start3A_115 : memref<1x128xi32, #tpu.memory_space<vmem>> -> memref<128xi32, #tpu.memory_space<vmem>>
        %dma_start3A_117 = arith.constant 0 : i32
        %dma_start3A_118 = arith.constant 0 : i32
        %dma_start3A_119 = tpu.memref_slice %arg11[%dma_start3A_117, %dma_start3A_118] : memref<10112x128xf32, #tpu.memory_space<vmem_shared>> -> memref<10112x128xf32, #tpu.memory_space<vmem_shared>>
        tpu.enqueue_indirect_dma source(%arg10 : memref<128x128xf32, #tpu.memory_space<vmem>>) target(%dma_start3A_119 : memref<10112x128xf32, #tpu.memory_space<vmem_shared>>) offsets(%dma_start3A_116 : memref<128xi32, #tpu.memory_space<vmem>>) semaphore(%run_scoped3A : memref<!tpu.dma_semaphore, #tpu.memory_space<semaphore_mem>>) {add = true}
        %dma_wait3A_120 = arith.constant 0 : i32
        %dma_wait3A_121 = tpu.memref_slice %arg8[%add3A_93, %dma_wait3A_120] : memref<48x128xi32, #tpu.memory_space<vmem>> -> memref<1x128xi32, #tpu.memory_space<vmem>>
        %dma_wait3A_122 = tpu.memref_squeeze %dma_wait3A_121 : memref<1x128xi32, #tpu.memory_space<vmem>> -> memref<128xi32, #tpu.memory_space<vmem>>
        %dma_wait3A_123 = arith.constant 0 : i32
        %dma_wait3A_124 = arith.constant 0 : i32
        %dma_wait3A_125 = tpu.memref_slice %arg11[%dma_wait3A_123, %dma_wait3A_124] : memref<10112x128xf32, #tpu.memory_space<vmem_shared>> -> memref<10112x128xf32, #tpu.memory_space<vmem_shared>>
        tpu.wait_indirect_dma semaphore(%run_scoped3A : memref<!tpu.dma_semaphore, #tpu.memory_space<semaphore_mem>>) src(%arg10 : memref<128x128xf32, #tpu.memory_space<vmem>>) dst(%dma_wait3A_125 : memref<10112x128xf32, #tpu.memory_space<vmem_shared>>)
        tpu.yield
      }) : () -> ()
    }
    %barrier3A_84 = arith.constant 0 : index
    tpu.barrier barrier_id(%barrier3A_84)
    %mul3A_85 = arith.constant 632 : i32
    %mul3A_86 = arith.muli %arg1, %mul3A_85 : i32
    %mul3A_87 = arith.constant 632 : i32
    %mul3A_88 = arith.muli %arg1, %mul3A_87 : i32
    "tpu.region"() ({
      %run_scoped3A = tpu.sem_alloc : memref<!tpu.dma_semaphore, #tpu.memory_space<semaphore_mem>>
      %dma_start3A_89 = arith.constant 0 : i32
      %dma_start3A_90 = arith.constant 0 : i32
      %dma_start3A_91 = tpu.memref_slice %arg6[%arg0, %dma_start3A_89, %dma_start3A_90] : memref<2x10112x128xf32, #tpu.memory_space<hbm>> -> memref<1x10112x128xf32, #tpu.memory_space<hbm>>
      %dma_start3A_92 = tpu.memref_squeeze %dma_start3A_91 : memref<1x10112x128xf32, #tpu.memory_space<hbm>> -> memref<10112x128xf32, #tpu.memory_space<hbm>>
      %dma_start3A_93 = arith.constant 0 : i32
      %dma_start3A_94 = tpu.memref_slice %dma_start3A_92[%mul3A_88, %dma_start3A_93] : memref<10112x128xf32, #tpu.memory_space<hbm>> -> memref<632x128xf32, #tpu.memory_space<hbm>>
      %dma_start3A_95 = arith.constant 0 : i32
      %dma_start3A_96 = tpu.memref_slice %arg11[%mul3A_86, %dma_start3A_95] : memref<10112x128xf32, #tpu.memory_space<vmem_shared>> -> memref<632x128xf32, #tpu.memory_space<vmem_shared>>
      tpu.enqueue_dma source(%dma_start3A_96 : memref<632x128xf32, #tpu.memory_space<vmem_shared>>) target(%dma_start3A_94 : memref<632x128xf32, #tpu.memory_space<hbm>>) target_semaphore(%run_scoped3A : memref<!tpu.dma_semaphore, #tpu.memory_space<semaphore_mem>>)
      %dma_wait3A = arith.constant 0 : i32
      %dma_wait3A_97 = arith.constant 0 : i32
      %dma_wait3A_98 = tpu.memref_slice %arg6[%arg0, %dma_wait3A, %dma_wait3A_97] : memref<2x10112x128xf32, #tpu.memory_space<hbm>> -> memref<1x10112x128xf32, #tpu.memory_space<hbm>>
      %dma_wait3A_99 = tpu.memref_squeeze %dma_wait3A_98 : memref<1x10112x128xf32, #tpu.memory_space<hbm>> -> memref<10112x128xf32, #tpu.memory_space<hbm>>
      %dma_wait3A_100 = arith.constant 0 : i32
      %dma_wait3A_101 = tpu.memref_slice %dma_wait3A_99[%mul3A_88, %dma_wait3A_100] : memref<10112x128xf32, #tpu.memory_space<hbm>> -> memref<632x128xf32, #tpu.memory_space<hbm>>
      %dma_wait3A_102 = arith.constant 0 : i32
      %dma_wait3A_103 = tpu.memref_slice %arg11[%mul3A_86, %dma_wait3A_102] : memref<10112x128xf32, #tpu.memory_space<vmem_shared>> -> memref<632x128xf32, #tpu.memory_space<vmem_shared>>
      tpu.wait_dma2 semaphore(%run_scoped3A : memref<!tpu.dma_semaphore, #tpu.memory_space<semaphore_mem>>) src(%dma_wait3A_103 : memref<632x128xf32, #tpu.memory_space<vmem_shared>>) dst(%dma_wait3A_101 : memref<632x128xf32, #tpu.memory_space<hbm>>)
      tpu.yield
    }) : () -> ()
    return
  }
}

#map = affine_map<(d0, d1) -> (0, 0)>
#map1 = affine_map<(d0, d1) -> (0, 0, 0)>
module attributes {stable_mosaic.version = 14 : i64} {
  func.func @edge_agg(%arg0: i32, %arg1: i32, %arg2: memref<10000x128xf32, #tpu.memory_space<hbm>>, %arg3: memref<32x97x128xi32, #tpu.memory_space<hbm>>, %arg4: memref<32x97x128xi32, #tpu.memory_space<hbm>>, %arg5: memref<632x128xf32, #tpu.memory_space<hbm>>, %arg6: memref<2x10112x128xf32, #tpu.memory_space<hbm>>, %arg7: memref<48x128xi32, #tpu.memory_space<vmem>>, %arg8: memref<48x128xi32, #tpu.memory_space<vmem>>, %arg9: memref<128x128xf32, #tpu.memory_space<vmem>>, %arg10: memref<128x128xf32, #tpu.memory_space<vmem>>, %arg11: memref<10112x128xf32, #tpu.memory_space<vmem_shared>>, %arg12: memref<!tpu.dma_semaphore, #tpu.memory_space<semaphore_mem>>, %arg13: memref<!tpu.dma_semaphore, #tpu.memory_space<semaphore_mem>>) attributes {dimension_semantics = [#tpu.dimension_semantics<core_parallel>, #tpu.dimension_semantics<subcore_parallel>], iteration_bounds = array<i64: 2, 16>, scalar_prefetch = 0 : i64, scratch_operands = 7 : i64, tpu.core_type = #tpu.core_type<sc_vector_subcore>, window_params = [{transform_indices = #map}, {transform_indices = #map1}, {transform_indices = #map1}, {transform_indices = #map}, {transform_indices = #map1}]} {
    %mul3A = arith.constant 2 : i32
    %mul3A_0 = arith.muli %arg1, %mul3A : i32
    %add3A = arith.addi %mul3A_0, %arg0 : i32
    %mul3A_1 = arith.constant 632 : i32
    %mul3A_2 = arith.muli %arg1, %mul3A_1 : i32
    "tpu.region"() ({
      %run_scoped3A = tpu.sem_alloc : memref<!tpu.dma_semaphore, #tpu.memory_space<semaphore_mem>>
      %dma_start3A_89 = arith.constant 0 : i32
      %dma_start3A_90 = tpu.memref_slice %arg11[%mul3A_2, %dma_start3A_89] : memref<10112x128xf32, #tpu.memory_space<vmem_shared>> -> memref<632x128xf32, #tpu.memory_space<vmem_shared>>
      tpu.enqueue_dma source(%arg5 : memref<632x128xf32, #tpu.memory_space<hbm>>) target(%dma_start3A_90 : memref<632x128xf32, #tpu.memory_space<vmem_shared>>) target_semaphore(%run_scoped3A : memref<!tpu.dma_semaphore, #tpu.memory_space<semaphore_mem>>)
      %dma_wait3A = arith.constant 0 : i32
      %dma_wait3A_91 = tpu.memref_slice %arg11[%mul3A_2, %dma_wait3A] : memref<10112x128xf32, #tpu.memory_space<vmem_shared>> -> memref<632x128xf32, #tpu.memory_space<vmem_shared>>
      tpu.wait_dma2 semaphore(%run_scoped3A : memref<!tpu.dma_semaphore, #tpu.memory_space<semaphore_mem>>) src(%arg5 : memref<632x128xf32, #tpu.memory_space<hbm>>) dst(%dma_wait3A_91 : memref<632x128xf32, #tpu.memory_space<vmem_shared>>)
      tpu.yield
    }) : () -> ()
    %barrier3A = arith.constant 0 : index
    tpu.barrier barrier_id(%barrier3A)
    %eq3A = arith.constant 0 : i32
    %eq3A_3 = arith.cmpi eq, %arg0, %eq3A : i32
    %jit3A = arith.constant 48 : i32
    %jit3A_4 = arith.constant 32 : i32
    %select_n3A = arith.select %eq3A_3, %jit3A, %jit3A_4 : i32
    %mul3A_5 = arith.constant 0 : i32
    %mul3A_6 = arith.muli %mul3A_5, %select_n3A : i32
    %multiple_of3A = tpu.assume_multiple %mul3A_6, 8 : i32
    "tpu.region"() ({
      %run_scoped3A = tpu.sem_alloc : memref<!tpu.dma_semaphore, #tpu.memory_space<semaphore_mem>>
      %dma_start3A_89 = arith.constant 0 : i32
      %dma_start3A_90 = arith.constant 0 : i32
      %dma_start3A_91 = tpu.memref_slice %arg3[%add3A, %dma_start3A_89, %dma_start3A_90] : memref<32x97x128xi32, #tpu.memory_space<hbm>> -> memref<1x97x128xi32, #tpu.memory_space<hbm>>
      %dma_start3A_92 = tpu.memref_squeeze %dma_start3A_91 : memref<1x97x128xi32, #tpu.memory_space<hbm>> -> memref<97x128xi32, #tpu.memory_space<hbm>>
      %dma_start3A_93 = arith.constant 0 : i32
      %dma_start3A_94 = tpu.memref_slice %dma_start3A_92[%multiple_of3A, %dma_start3A_93] : memref<97x128xi32, #tpu.memory_space<hbm>> -> memref<48x128xi32, #tpu.memory_space<hbm>>
      %dma_start3A_95 = arith.constant 0 : i32
      %dma_start3A_96 = arith.constant 0 : i32
      %dma_start3A_97 = tpu.memref_slice %arg3[%add3A, %dma_start3A_95, %dma_start3A_96] : memref<32x97x128xi32, #tpu.memory_space<hbm>> -> memref<1x97x128xi32, #tpu.memory_space<hbm>>
      %dma_start3A_98 = tpu.memref_squeeze %dma_start3A_97 : memref<1x97x128xi32, #tpu.memory_space<hbm>> -> memref<97x128xi32, #tpu.memory_space<hbm>>
      %dma_start3A_99 = arith.constant 0 : i32
      %dma_start3A_100 = tpu.memref_slice %dma_start3A_98[%multiple_of3A, %dma_start3A_99] : memref<97x128xi32, #tpu.memory_space<hbm>> -> memref<48x128xi32, #tpu.memory_space<hbm>>
      tpu.enqueue_dma source(%dma_start3A_100 : memref<48x128xi32, #tpu.memory_space<hbm>>) target(%arg7 : memref<48x128xi32, #tpu.memory_space<vmem>>) target_semaphore(%run_scoped3A : memref<!tpu.dma_semaphore, #tpu.memory_space<semaphore_mem>>)
      %dma_wait3A = arith.constant 0 : i32
      %dma_wait3A_101 = arith.constant 0 : i32
      %dma_wait3A_102 = tpu.memref_slice %arg3[%add3A, %dma_wait3A, %dma_wait3A_101] : memref<32x97x128xi32, #tpu.memory_space<hbm>> -> memref<1x97x128xi32, #tpu.memory_space<hbm>>
      %dma_wait3A_103 = tpu.memref_squeeze %dma_wait3A_102 : memref<1x97x128xi32, #tpu.memory_space<hbm>> -> memref<97x128xi32, #tpu.memory_space<hbm>>
      %dma_wait3A_104 = arith.constant 0 : i32
      %dma_wait3A_105 = tpu.memref_slice %dma_wait3A_103[%multiple_of3A, %dma_wait3A_104] : memref<97x128xi32, #tpu.memory_space<hbm>> -> memref<48x128xi32, #tpu.memory_space<hbm>>
      %dma_wait3A_106 = arith.constant 0 : i32
      %dma_wait3A_107 = arith.constant 0 : i32
      %dma_wait3A_108 = tpu.memref_slice %arg3[%add3A, %dma_wait3A_106, %dma_wait3A_107] : memref<32x97x128xi32, #tpu.memory_space<hbm>> -> memref<1x97x128xi32, #tpu.memory_space<hbm>>
      %dma_wait3A_109 = tpu.memref_squeeze %dma_wait3A_108 : memref<1x97x128xi32, #tpu.memory_space<hbm>> -> memref<97x128xi32, #tpu.memory_space<hbm>>
      %dma_wait3A_110 = arith.constant 0 : i32
      %dma_wait3A_111 = tpu.memref_slice %dma_wait3A_109[%multiple_of3A, %dma_wait3A_110] : memref<97x128xi32, #tpu.memory_space<hbm>> -> memref<48x128xi32, #tpu.memory_space<hbm>>
      tpu.wait_dma2 semaphore(%run_scoped3A : memref<!tpu.dma_semaphore, #tpu.memory_space<semaphore_mem>>) src(%dma_wait3A_111 : memref<48x128xi32, #tpu.memory_space<hbm>>) dst(%arg7 : memref<48x128xi32, #tpu.memory_space<vmem>>)
      tpu.yield
    }) : () -> ()
    "tpu.region"() ({
      %run_scoped3A = tpu.sem_alloc : memref<!tpu.dma_semaphore, #tpu.memory_space<semaphore_mem>>
      %dma_start3A_89 = arith.constant 0 : i32
      %dma_start3A_90 = arith.constant 0 : i32
      %dma_start3A_91 = tpu.memref_slice %arg4[%add3A, %dma_start3A_89, %dma_start3A_90] : memref<32x97x128xi32, #tpu.memory_space<hbm>> -> memref<1x97x128xi32, #tpu.memory_space<hbm>>
      %dma_start3A_92 = tpu.memref_squeeze %dma_start3A_91 : memref<1x97x128xi32, #tpu.memory_space<hbm>> -> memref<97x128xi32, #tpu.memory_space<hbm>>
      %dma_start3A_93 = arith.constant 0 : i32
      %dma_start3A_94 = tpu.memref_slice %dma_start3A_92[%multiple_of3A, %dma_start3A_93] : memref<97x128xi32, #tpu.memory_space<hbm>> -> memref<48x128xi32, #tpu.memory_space<hbm>>
      %dma_start3A_95 = arith.constant 0 : i32
      %dma_start3A_96 = arith.constant 0 : i32
      %dma_start3A_97 = tpu.memref_slice %arg4[%add3A, %dma_start3A_95, %dma_start3A_96] : memref<32x97x128xi32, #tpu.memory_space<hbm>> -> memref<1x97x128xi32, #tpu.memory_space<hbm>>
      %dma_start3A_98 = tpu.memref_squeeze %dma_start3A_97 : memref<1x97x128xi32, #tpu.memory_space<hbm>> -> memref<97x128xi32, #tpu.memory_space<hbm>>
      %dma_start3A_99 = arith.constant 0 : i32
      %dma_start3A_100 = tpu.memref_slice %dma_start3A_98[%multiple_of3A, %dma_start3A_99] : memref<97x128xi32, #tpu.memory_space<hbm>> -> memref<48x128xi32, #tpu.memory_space<hbm>>
      tpu.enqueue_dma source(%dma_start3A_100 : memref<48x128xi32, #tpu.memory_space<hbm>>) target(%arg8 : memref<48x128xi32, #tpu.memory_space<vmem>>) target_semaphore(%run_scoped3A : memref<!tpu.dma_semaphore, #tpu.memory_space<semaphore_mem>>)
      %dma_wait3A = arith.constant 0 : i32
      %dma_wait3A_101 = arith.constant 0 : i32
      %dma_wait3A_102 = tpu.memref_slice %arg4[%add3A, %dma_wait3A, %dma_wait3A_101] : memref<32x97x128xi32, #tpu.memory_space<hbm>> -> memref<1x97x128xi32, #tpu.memory_space<hbm>>
      %dma_wait3A_103 = tpu.memref_squeeze %dma_wait3A_102 : memref<1x97x128xi32, #tpu.memory_space<hbm>> -> memref<97x128xi32, #tpu.memory_space<hbm>>
      %dma_wait3A_104 = arith.constant 0 : i32
      %dma_wait3A_105 = tpu.memref_slice %dma_wait3A_103[%multiple_of3A, %dma_wait3A_104] : memref<97x128xi32, #tpu.memory_space<hbm>> -> memref<48x128xi32, #tpu.memory_space<hbm>>
      %dma_wait3A_106 = arith.constant 0 : i32
      %dma_wait3A_107 = arith.constant 0 : i32
      %dma_wait3A_108 = tpu.memref_slice %arg4[%add3A, %dma_wait3A_106, %dma_wait3A_107] : memref<32x97x128xi32, #tpu.memory_space<hbm>> -> memref<1x97x128xi32, #tpu.memory_space<hbm>>
      %dma_wait3A_109 = tpu.memref_squeeze %dma_wait3A_108 : memref<1x97x128xi32, #tpu.memory_space<hbm>> -> memref<97x128xi32, #tpu.memory_space<hbm>>
      %dma_wait3A_110 = arith.constant 0 : i32
      %dma_wait3A_111 = tpu.memref_slice %dma_wait3A_109[%multiple_of3A, %dma_wait3A_110] : memref<97x128xi32, #tpu.memory_space<hbm>> -> memref<48x128xi32, #tpu.memory_space<hbm>>
      tpu.wait_dma2 semaphore(%run_scoped3A : memref<!tpu.dma_semaphore, #tpu.memory_space<semaphore_mem>>) src(%dma_wait3A_111 : memref<48x128xi32, #tpu.memory_space<hbm>>) dst(%arg8 : memref<48x128xi32, #tpu.memory_space<vmem>>)
      tpu.yield
    }) : () -> ()
    %dma_start3A = arith.constant 0 : i32
    %dma_start3A_7 = arith.constant 0 : i32
    %dma_start3A_8 = tpu.memref_slice %arg7[%dma_start3A, %dma_start3A_7] : memref<48x128xi32, #tpu.memory_space<vmem>> -> memref<1x128xi32, #tpu.memory_space<vmem>>
    %dma_start3A_9 = tpu.memref_squeeze %dma_start3A_8 : memref<1x128xi32, #tpu.memory_space<vmem>> -> memref<128xi32, #tpu.memory_space<vmem>>
    %dma_start3A_10 = arith.constant 0 : i32
    %dma_start3A_11 = arith.constant 0 : i32
    %dma_start3A_12 = tpu.memref_slice %arg2[%dma_start3A_10, %dma_start3A_11] : memref<10000x128xf32, #tpu.memory_space<hbm>> -> memref<10000x128xf32, #tpu.memory_space<hbm>>
    tpu.enqueue_indirect_dma source(%dma_start3A_12 : memref<10000x128xf32, #tpu.memory_space<hbm>>) target(%arg9 : memref<128x128xf32, #tpu.memory_space<vmem>>) offsets(%dma_start3A_9 : memref<128xi32, #tpu.memory_space<vmem>>) semaphore(%arg12 : memref<!tpu.dma_semaphore, #tpu.memory_space<semaphore_mem>>)
    %jit3A_13 = arith.constant 2 : i32
    %div3A = arith.divsi %select_n3A, %jit3A_13 : i32
    %sign3A = arith.constant 0 : i32
    %sign3A_14 = arith.cmpi sgt, %select_n3A, %sign3A : i32
    %sign3A_15 = arith.extui %sign3A_14 : i1 to i32
    %sign3A_16 = arith.constant 0 : i32
    %sign3A_17 = arith.cmpi slt, %select_n3A, %sign3A_16 : i32
    %sign3A_18 = arith.extui %sign3A_17 : i1 to i32
    %sign3A_19 = arith.subi %sign3A_15, %sign3A_18 : i32
    %sign3A_20 = arith.constant 0 : i32
    %sign3A_21 = arith.cmpi sgt, %jit3A_13, %sign3A_20 : i32
    %sign3A_22 = arith.extui %sign3A_21 : i1 to i32
    %sign3A_23 = arith.constant 0 : i32
    %sign3A_24 = arith.cmpi slt, %jit3A_13, %sign3A_23 : i32
    %sign3A_25 = arith.extui %sign3A_24 : i1 to i32
    %sign3A_26 = arith.subi %sign3A_22, %sign3A_25 : i32
    %ne3A = arith.cmpi ne, %sign3A_19, %sign3A_26 : i32
    %rem3A = arith.remsi %select_n3A, %jit3A_13 : i32
    %ne3A_27 = arith.constant 0 : i32
    %ne3A_28 = arith.cmpi ne, %rem3A, %ne3A_27 : i32
    %and3A = arith.andi %ne3A, %ne3A_28 : i1
    %sub3A = arith.constant 1 : i32
    %sub3A_29 = arith.subi %div3A, %sub3A : i32
    %select_n3A_30 = arith.select %and3A, %sub3A_29, %div3A : i32
    %while3A = arith.constant 0 : i32
    %while3A_31 = arith.constant 0 : i32
    %while3A_32 = arith.subi %select_n3A_30, %while3A_31 : i32
    %while3A_33 = arith.addi %while3A_31, %while3A_32 : i32
    %while3A_34 = arith.constant 1 : i32
    %while3A_35 = arith.divsi %while3A_32, %while3A_34 : i32
    %while3A_36 = arith.muli %while3A_35, %while3A_34 : i32
    %while3A_37 = arith.addi %while3A_31, %while3A_36 : i32
    %while3A_38 = arith.constant 1 : i32
    scf.for %while3A_89 = %while3A_31 to %while3A_37 step %while3A_38  : i32 {
      %mul3A_90 = arith.constant 2 : i32
      %mul3A_91 = arith.muli %mul3A_90, %while3A_89 : i32
      %add3A_92 = arith.constant 1 : i32
      %add3A_93 = arith.addi %mul3A_91, %add3A_92 : i32
      %dma_start3A_94 = arith.constant 0 : i32
      %dma_start3A_95 = tpu.memref_slice %arg7[%add3A_93, %dma_start3A_94] : memref<48x128xi32, #tpu.memory_space<vmem>> -> memref<1x128xi32, #tpu.memory_space<vmem>>
      %dma_start3A_96 = tpu.memref_squeeze %dma_start3A_95 : memref<1x128xi32, #tpu.memory_space<vmem>> -> memref<128xi32, #tpu.memory_space<vmem>>
      %dma_start3A_97 = arith.constant 0 : i32
      %dma_start3A_98 = arith.constant 0 : i32
      %dma_start3A_99 = tpu.memref_slice %arg2[%dma_start3A_97, %dma_start3A_98] : memref<10000x128xf32, #tpu.memory_space<hbm>> -> memref<10000x128xf32, #tpu.memory_space<hbm>>
      tpu.enqueue_indirect_dma source(%dma_start3A_99 : memref<10000x128xf32, #tpu.memory_space<hbm>>) target(%arg10 : memref<128x128xf32, #tpu.memory_space<vmem>>) offsets(%dma_start3A_96 : memref<128xi32, #tpu.memory_space<vmem>>) semaphore(%arg13 : memref<!tpu.dma_semaphore, #tpu.memory_space<semaphore_mem>>)
      %dma_wait3A = arith.constant 0 : i32
      %dma_wait3A_100 = tpu.memref_slice %arg7[%mul3A_91, %dma_wait3A] : memref<48x128xi32, #tpu.memory_space<vmem>> -> memref<1x128xi32, #tpu.memory_space<vmem>>
      %dma_wait3A_101 = tpu.memref_squeeze %dma_wait3A_100 : memref<1x128xi32, #tpu.memory_space<vmem>> -> memref<128xi32, #tpu.memory_space<vmem>>
      %dma_wait3A_102 = arith.constant 0 : i32
      %dma_wait3A_103 = arith.constant 0 : i32
      %dma_wait3A_104 = tpu.memref_slice %arg2[%dma_wait3A_102, %dma_wait3A_103] : memref<10000x128xf32, #tpu.memory_space<hbm>> -> memref<10000x128xf32, #tpu.memory_space<hbm>>
      tpu.wait_indirect_dma semaphore(%arg12 : memref<!tpu.dma_semaphore, #tpu.memory_space<semaphore_mem>>) src(%dma_wait3A_104 : memref<10000x128xf32, #tpu.memory_space<hbm>>) dst(%arg9 : memref<128x128xf32, #tpu.memory_space<vmem>>)
      "tpu.region"() ({
        %run_scoped3A = tpu.sem_alloc : memref<!tpu.dma_semaphore, #tpu.memory_space<semaphore_mem>>
        %dma_start3A_114 = arith.constant 0 : i32
        %dma_start3A_115 = tpu.memref_slice %arg8[%mul3A_91, %dma_start3A_114] : memref<48x128xi32, #tpu.memory_space<vmem>> -> memref<1x128xi32, #tpu.memory_space<vmem>>
        %dma_start3A_116 = tpu.memref_squeeze %dma_start3A_115 : memref<1x128xi32, #tpu.memory_space<vmem>> -> memref<128xi32, #tpu.memory_space<vmem>>
        %dma_start3A_117 = arith.constant 0 : i32
        %dma_start3A_118 = arith.constant 0 : i32
        %dma_start3A_119 = tpu.memref_slice %arg11[%dma_start3A_117, %dma_start3A_118] : memref<10112x128xf32, #tpu.memory_space<vmem_shared>> -> memref<10112x128xf32, #tpu.memory_space<vmem_shared>>
        tpu.enqueue_indirect_dma source(%arg9 : memref<128x128xf32, #tpu.memory_space<vmem>>) target(%dma_start3A_119 : memref<10112x128xf32, #tpu.memory_space<vmem_shared>>) offsets(%dma_start3A_116 : memref<128xi32, #tpu.memory_space<vmem>>) semaphore(%run_scoped3A : memref<!tpu.dma_semaphore, #tpu.memory_space<semaphore_mem>>) {add = true}
        %dma_wait3A_120 = arith.constant 0 : i32
        %dma_wait3A_121 = tpu.memref_slice %arg8[%mul3A_91, %dma_wait3A_120] : memref<48x128xi32, #tpu.memory_space<vmem>> -> memref<1x128xi32, #tpu.memory_space<vmem>>
        %dma_wait3A_122 = tpu.memref_squeeze %dma_wait3A_121 : memref<1x128xi32, #tpu.memory_space<vmem>> -> memref<128xi32, #tpu.memory_space<vmem>>
        %dma_wait3A_123 = arith.constant 0 : i32
        %dma_wait3A_124 = arith.constant 0 : i32
        %dma_wait3A_125 = tpu.memref_slice %arg11[%dma_wait3A_123, %dma_wait3A_124] : memref<10112x128xf32, #tpu.memory_space<vmem_shared>> -> memref<10112x128xf32, #tpu.memory_space<vmem_shared>>
        tpu.wait_indirect_dma semaphore(%run_scoped3A : memref<!tpu.dma_semaphore, #tpu.memory_space<semaphore_mem>>) src(%arg9 : memref<128x128xf32, #tpu.memory_space<vmem>>) dst(%dma_wait3A_125 : memref<10112x128xf32, #tpu.memory_space<vmem_shared>>)
        tpu.yield
      }) : () -> ()
      %add3A_105 = arith.constant 2 : i32
      %add3A_106 = arith.addi %mul3A_91, %add3A_105 : i32
      %lt3A = arith.cmpi slt, %add3A_106, %select_n3A : i32
      %convert_element_type3A = arith.extui %lt3A : i1 to i32
      %cond3A = arith.constant 0 : i32
      %cond3A_107 = arith.cmpi ne, %convert_element_type3A, %cond3A : i32
      scf.if %cond3A_107 {
        %add3A_114 = arith.constant 2 : i32
        %add3A_115 = arith.addi %mul3A_91, %add3A_114 : i32
        %dma_start3A_116 = arith.constant 0 : i32
        %dma_start3A_117 = tpu.memref_slice %arg7[%add3A_115, %dma_start3A_116] : memref<48x128xi32, #tpu.memory_space<vmem>> -> memref<1x128xi32, #tpu.memory_space<vmem>>
        %dma_start3A_118 = tpu.memref_squeeze %dma_start3A_117 : memref<1x128xi32, #tpu.memory_space<vmem>> -> memref<128xi32, #tpu.memory_space<vmem>>
        %dma_start3A_119 = arith.constant 0 : i32
        %dma_start3A_120 = arith.constant 0 : i32
        %dma_start3A_121 = tpu.memref_slice %arg2[%dma_start3A_119, %dma_start3A_120] : memref<10000x128xf32, #tpu.memory_space<hbm>> -> memref<10000x128xf32, #tpu.memory_space<hbm>>
        tpu.enqueue_indirect_dma source(%dma_start3A_121 : memref<10000x128xf32, #tpu.memory_space<hbm>>) target(%arg9 : memref<128x128xf32, #tpu.memory_space<vmem>>) offsets(%dma_start3A_118 : memref<128xi32, #tpu.memory_space<vmem>>) semaphore(%arg12 : memref<!tpu.dma_semaphore, #tpu.memory_space<semaphore_mem>>)
      } else {
      }
      %dma_wait3A_108 = arith.constant 0 : i32
      %dma_wait3A_109 = tpu.memref_slice %arg7[%add3A_93, %dma_wait3A_108] : memref<48x128xi32, #tpu.memory_space<vmem>> -> memref<1x128xi32, #tpu.memory_space<vmem>>
      %dma_wait3A_110 = tpu.memref_squeeze %dma_wait3A_109 : memref<1x128xi32, #tpu.memory_space<vmem>> -> memref<128xi32, #tpu.memory_space<vmem>>
      %dma_wait3A_111 = arith.constant 0 : i32
      %dma_wait3A_112 = arith.constant 0 : i32
      %dma_wait3A_113 = tpu.memref_slice %arg2[%dma_wait3A_111, %dma_wait3A_112] : memref<10000x128xf32, #tpu.memory_space<hbm>> -> memref<10000x128xf32, #tpu.memory_space<hbm>>
      tpu.wait_indirect_dma semaphore(%arg13 : memref<!tpu.dma_semaphore, #tpu.memory_space<semaphore_mem>>) src(%dma_wait3A_113 : memref<10000x128xf32, #tpu.memory_space<hbm>>) dst(%arg10 : memref<128x128xf32, #tpu.memory_space<vmem>>)
      "tpu.region"() ({
        %run_scoped3A = tpu.sem_alloc : memref<!tpu.dma_semaphore, #tpu.memory_space<semaphore_mem>>
        %dma_start3A_114 = arith.constant 0 : i32
        %dma_start3A_115 = tpu.memref_slice %arg8[%add3A_93, %dma_start3A_114] : memref<48x128xi32, #tpu.memory_space<vmem>> -> memref<1x128xi32, #tpu.memory_space<vmem>>
        %dma_start3A_116 = tpu.memref_squeeze %dma_start3A_115 : memref<1x128xi32, #tpu.memory_space<vmem>> -> memref<128xi32, #tpu.memory_space<vmem>>
        %dma_start3A_117 = arith.constant 0 : i32
        %dma_start3A_118 = arith.constant 0 : i32
        %dma_start3A_119 = tpu.memref_slice %arg11[%dma_start3A_117, %dma_start3A_118] : memref<10112x128xf32, #tpu.memory_space<vmem_shared>> -> memref<10112x128xf32, #tpu.memory_space<vmem_shared>>
        tpu.enqueue_indirect_dma source(%arg10 : memref<128x128xf32, #tpu.memory_space<vmem>>) target(%dma_start3A_119 : memref<10112x128xf32, #tpu.memory_space<vmem_shared>>) offsets(%dma_start3A_116 : memref<128xi32, #tpu.memory_space<vmem>>) semaphore(%run_scoped3A : memref<!tpu.dma_semaphore, #tpu.memory_space<semaphore_mem>>) {add = true}
        %dma_wait3A_120 = arith.constant 0 : i32
        %dma_wait3A_121 = tpu.memref_slice %arg8[%add3A_93, %dma_wait3A_120] : memref<48x128xi32, #tpu.memory_space<vmem>> -> memref<1x128xi32, #tpu.memory_space<vmem>>
        %dma_wait3A_122 = tpu.memref_squeeze %dma_wait3A_121 : memref<1x128xi32, #tpu.memory_space<vmem>> -> memref<128xi32, #tpu.memory_space<vmem>>
        %dma_wait3A_123 = arith.constant 0 : i32
        %dma_wait3A_124 = arith.constant 0 : i32
        %dma_wait3A_125 = tpu.memref_slice %arg11[%dma_wait3A_123, %dma_wait3A_124] : memref<10112x128xf32, #tpu.memory_space<vmem_shared>> -> memref<10112x128xf32, #tpu.memory_space<vmem_shared>>
        tpu.wait_indirect_dma semaphore(%run_scoped3A : memref<!tpu.dma_semaphore, #tpu.memory_space<semaphore_mem>>) src(%arg10 : memref<128x128xf32, #tpu.memory_space<vmem>>) dst(%dma_wait3A_125 : memref<10112x128xf32, #tpu.memory_space<vmem_shared>>)
        tpu.yield
      }) : () -> ()
    }
    %while3A_39 = arith.constant 1 : i32
    scf.for %while3A_89 = %while3A_37 to %while3A_33 step %while3A_39  : i32 {
      %mul3A_90 = arith.constant 2 : i32
      %mul3A_91 = arith.muli %mul3A_90, %while3A_89 : i32
      %add3A_92 = arith.constant 1 : i32
      %add3A_93 = arith.addi %mul3A_91, %add3A_92 : i32
      %dma_start3A_94 = arith.constant 0 : i32
      %dma_start3A_95 = tpu.memref_slice %arg7[%add3A_93, %dma_start3A_94] : memref<48x128xi32, #tpu.memory_space<vmem>> -> memref<1x128xi32, #tpu.memory_space<vmem>>
      %dma_start3A_96 = tpu.memref_squeeze %dma_start3A_95 : memref<1x128xi32, #tpu.memory_space<vmem>> -> memref<128xi32, #tpu.memory_space<vmem>>
      %dma_start3A_97 = arith.constant 0 : i32
      %dma_start3A_98 = arith.constant 0 : i32
      %dma_start3A_99 = tpu.memref_slice %arg2[%dma_start3A_97, %dma_start3A_98] : memref<10000x128xf32, #tpu.memory_space<hbm>> -> memref<10000x128xf32, #tpu.memory_space<hbm>>
      tpu.enqueue_indirect_dma source(%dma_start3A_99 : memref<10000x128xf32, #tpu.memory_space<hbm>>) target(%arg10 : memref<128x128xf32, #tpu.memory_space<vmem>>) offsets(%dma_start3A_96 : memref<128xi32, #tpu.memory_space<vmem>>) semaphore(%arg13 : memref<!tpu.dma_semaphore, #tpu.memory_space<semaphore_mem>>)
      %dma_wait3A = arith.constant 0 : i32
      %dma_wait3A_100 = tpu.memref_slice %arg7[%mul3A_91, %dma_wait3A] : memref<48x128xi32, #tpu.memory_space<vmem>> -> memref<1x128xi32, #tpu.memory_space<vmem>>
      %dma_wait3A_101 = tpu.memref_squeeze %dma_wait3A_100 : memref<1x128xi32, #tpu.memory_space<vmem>> -> memref<128xi32, #tpu.memory_space<vmem>>
      %dma_wait3A_102 = arith.constant 0 : i32
      %dma_wait3A_103 = arith.constant 0 : i32
      %dma_wait3A_104 = tpu.memref_slice %arg2[%dma_wait3A_102, %dma_wait3A_103] : memref<10000x128xf32, #tpu.memory_space<hbm>> -> memref<10000x128xf32, #tpu.memory_space<hbm>>
      tpu.wait_indirect_dma semaphore(%arg12 : memref<!tpu.dma_semaphore, #tpu.memory_space<semaphore_mem>>) src(%dma_wait3A_104 : memref<10000x128xf32, #tpu.memory_space<hbm>>) dst(%arg9 : memref<128x128xf32, #tpu.memory_space<vmem>>)
      "tpu.region"() ({
        %run_scoped3A = tpu.sem_alloc : memref<!tpu.dma_semaphore, #tpu.memory_space<semaphore_mem>>
        %dma_start3A_114 = arith.constant 0 : i32
        %dma_start3A_115 = tpu.memref_slice %arg8[%mul3A_91, %dma_start3A_114] : memref<48x128xi32, #tpu.memory_space<vmem>> -> memref<1x128xi32, #tpu.memory_space<vmem>>
        %dma_start3A_116 = tpu.memref_squeeze %dma_start3A_115 : memref<1x128xi32, #tpu.memory_space<vmem>> -> memref<128xi32, #tpu.memory_space<vmem>>
        %dma_start3A_117 = arith.constant 0 : i32
        %dma_start3A_118 = arith.constant 0 : i32
        %dma_start3A_119 = tpu.memref_slice %arg11[%dma_start3A_117, %dma_start3A_118] : memref<10112x128xf32, #tpu.memory_space<vmem_shared>> -> memref<10112x128xf32, #tpu.memory_space<vmem_shared>>
        tpu.enqueue_indirect_dma source(%arg9 : memref<128x128xf32, #tpu.memory_space<vmem>>) target(%dma_start3A_119 : memref<10112x128xf32, #tpu.memory_space<vmem_shared>>) offsets(%dma_start3A_116 : memref<128xi32, #tpu.memory_space<vmem>>) semaphore(%run_scoped3A : memref<!tpu.dma_semaphore, #tpu.memory_space<semaphore_mem>>) {add = true}
        %dma_wait3A_120 = arith.constant 0 : i32
        %dma_wait3A_121 = tpu.memref_slice %arg8[%mul3A_91, %dma_wait3A_120] : memref<48x128xi32, #tpu.memory_space<vmem>> -> memref<1x128xi32, #tpu.memory_space<vmem>>
        %dma_wait3A_122 = tpu.memref_squeeze %dma_wait3A_121 : memref<1x128xi32, #tpu.memory_space<vmem>> -> memref<128xi32, #tpu.memory_space<vmem>>
        %dma_wait3A_123 = arith.constant 0 : i32
        %dma_wait3A_124 = arith.constant 0 : i32
        %dma_wait3A_125 = tpu.memref_slice %arg11[%dma_wait3A_123, %dma_wait3A_124] : memref<10112x128xf32, #tpu.memory_space<vmem_shared>> -> memref<10112x128xf32, #tpu.memory_space<vmem_shared>>
        tpu.wait_indirect_dma semaphore(%run_scoped3A : memref<!tpu.dma_semaphore, #tpu.memory_space<semaphore_mem>>) src(%arg9 : memref<128x128xf32, #tpu.memory_space<vmem>>) dst(%dma_wait3A_125 : memref<10112x128xf32, #tpu.memory_space<vmem_shared>>)
        tpu.yield
      }) : () -> ()
      %add3A_105 = arith.constant 2 : i32
      %add3A_106 = arith.addi %mul3A_91, %add3A_105 : i32
      %lt3A = arith.cmpi slt, %add3A_106, %select_n3A : i32
      %convert_element_type3A = arith.extui %lt3A : i1 to i32
      %cond3A = arith.constant 0 : i32
      %cond3A_107 = arith.cmpi ne, %convert_element_type3A, %cond3A : i32
      scf.if %cond3A_107 {
        %add3A_114 = arith.constant 2 : i32
        %add3A_115 = arith.addi %mul3A_91, %add3A_114 : i32
        %dma_start3A_116 = arith.constant 0 : i32
        %dma_start3A_117 = tpu.memref_slice %arg7[%add3A_115, %dma_start3A_116] : memref<48x128xi32, #tpu.memory_space<vmem>> -> memref<1x128xi32, #tpu.memory_space<vmem>>
        %dma_start3A_118 = tpu.memref_squeeze %dma_start3A_117 : memref<1x128xi32, #tpu.memory_space<vmem>> -> memref<128xi32, #tpu.memory_space<vmem>>
        %dma_start3A_119 = arith.constant 0 : i32
        %dma_start3A_120 = arith.constant 0 : i32
        %dma_start3A_121 = tpu.memref_slice %arg2[%dma_start3A_119, %dma_start3A_120] : memref<10000x128xf32, #tpu.memory_space<hbm>> -> memref<10000x128xf32, #tpu.memory_space<hbm>>
        tpu.enqueue_indirect_dma source(%dma_start3A_121 : memref<10000x128xf32, #tpu.memory_space<hbm>>) target(%arg9 : memref<128x128xf32, #tpu.memory_space<vmem>>) offsets(%dma_start3A_118 : memref<128xi32, #tpu.memory_space<vmem>>) semaphore(%arg12 : memref<!tpu.dma_semaphore, #tpu.memory_space<semaphore_mem>>)
      } else {
      }
      %dma_wait3A_108 = arith.constant 0 : i32
      %dma_wait3A_109 = tpu.memref_slice %arg7[%add3A_93, %dma_wait3A_108] : memref<48x128xi32, #tpu.memory_space<vmem>> -> memref<1x128xi32, #tpu.memory_space<vmem>>
      %dma_wait3A_110 = tpu.memref_squeeze %dma_wait3A_109 : memref<1x128xi32, #tpu.memory_space<vmem>> -> memref<128xi32, #tpu.memory_space<vmem>>
      %dma_wait3A_111 = arith.constant 0 : i32
      %dma_wait3A_112 = arith.constant 0 : i32
      %dma_wait3A_113 = tpu.memref_slice %arg2[%dma_wait3A_111, %dma_wait3A_112] : memref<10000x128xf32, #tpu.memory_space<hbm>> -> memref<10000x128xf32, #tpu.memory_space<hbm>>
      tpu.wait_indirect_dma semaphore(%arg13 : memref<!tpu.dma_semaphore, #tpu.memory_space<semaphore_mem>>) src(%dma_wait3A_113 : memref<10000x128xf32, #tpu.memory_space<hbm>>) dst(%arg10 : memref<128x128xf32, #tpu.memory_space<vmem>>)
      "tpu.region"() ({
        %run_scoped3A = tpu.sem_alloc : memref<!tpu.dma_semaphore, #tpu.memory_space<semaphore_mem>>
        %dma_start3A_114 = arith.constant 0 : i32
        %dma_start3A_115 = tpu.memref_slice %arg8[%add3A_93, %dma_start3A_114] : memref<48x128xi32, #tpu.memory_space<vmem>> -> memref<1x128xi32, #tpu.memory_space<vmem>>
        %dma_start3A_116 = tpu.memref_squeeze %dma_start3A_115 : memref<1x128xi32, #tpu.memory_space<vmem>> -> memref<128xi32, #tpu.memory_space<vmem>>
        %dma_start3A_117 = arith.constant 0 : i32
        %dma_start3A_118 = arith.constant 0 : i32
        %dma_start3A_119 = tpu.memref_slice %arg11[%dma_start3A_117, %dma_start3A_118] : memref<10112x128xf32, #tpu.memory_space<vmem_shared>> -> memref<10112x128xf32, #tpu.memory_space<vmem_shared>>
        tpu.enqueue_indirect_dma source(%arg10 : memref<128x128xf32, #tpu.memory_space<vmem>>) target(%dma_start3A_119 : memref<10112x128xf32, #tpu.memory_space<vmem_shared>>) offsets(%dma_start3A_116 : memref<128xi32, #tpu.memory_space<vmem>>) semaphore(%run_scoped3A : memref<!tpu.dma_semaphore, #tpu.memory_space<semaphore_mem>>) {add = true}
        %dma_wait3A_120 = arith.constant 0 : i32
        %dma_wait3A_121 = tpu.memref_slice %arg8[%add3A_93, %dma_wait3A_120] : memref<48x128xi32, #tpu.memory_space<vmem>> -> memref<1x128xi32, #tpu.memory_space<vmem>>
        %dma_wait3A_122 = tpu.memref_squeeze %dma_wait3A_121 : memref<1x128xi32, #tpu.memory_space<vmem>> -> memref<128xi32, #tpu.memory_space<vmem>>
        %dma_wait3A_123 = arith.constant 0 : i32
        %dma_wait3A_124 = arith.constant 0 : i32
        %dma_wait3A_125 = tpu.memref_slice %arg11[%dma_wait3A_123, %dma_wait3A_124] : memref<10112x128xf32, #tpu.memory_space<vmem_shared>> -> memref<10112x128xf32, #tpu.memory_space<vmem_shared>>
        tpu.wait_indirect_dma semaphore(%run_scoped3A : memref<!tpu.dma_semaphore, #tpu.memory_space<semaphore_mem>>) src(%arg10 : memref<128x128xf32, #tpu.memory_space<vmem>>) dst(%dma_wait3A_125 : memref<10112x128xf32, #tpu.memory_space<vmem_shared>>)
        tpu.yield
      }) : () -> ()
    }
    %mul3A_40 = arith.constant 1 : i32
    %mul3A_41 = arith.muli %mul3A_40, %select_n3A : i32
    %multiple_of3A_42 = tpu.assume_multiple %mul3A_41, 8 : i32
    "tpu.region"() ({
      %run_scoped3A = tpu.sem_alloc : memref<!tpu.dma_semaphore, #tpu.memory_space<semaphore_mem>>
      %dma_start3A_89 = arith.constant 0 : i32
      %dma_start3A_90 = arith.constant 0 : i32
      %dma_start3A_91 = tpu.memref_slice %arg3[%add3A, %dma_start3A_89, %dma_start3A_90] : memref<32x97x128xi32, #tpu.memory_space<hbm>> -> memref<1x97x128xi32, #tpu.memory_space<hbm>>
      %dma_start3A_92 = tpu.memref_squeeze %dma_start3A_91 : memref<1x97x128xi32, #tpu.memory_space<hbm>> -> memref<97x128xi32, #tpu.memory_space<hbm>>
      %dma_start3A_93 = arith.constant 0 : i32
      %dma_start3A_94 = tpu.memref_slice %dma_start3A_92[%multiple_of3A_42, %dma_start3A_93] : memref<97x128xi32, #tpu.memory_space<hbm>> -> memref<48x128xi32, #tpu.memory_space<hbm>>
      %dma_start3A_95 = arith.constant 0 : i32
      %dma_start3A_96 = arith.constant 0 : i32
      %dma_start3A_97 = tpu.memref_slice %arg3[%add3A, %dma_start3A_95, %dma_start3A_96] : memref<32x97x128xi32, #tpu.memory_space<hbm>> -> memref<1x97x128xi32, #tpu.memory_space<hbm>>
      %dma_start3A_98 = tpu.memref_squeeze %dma_start3A_97 : memref<1x97x128xi32, #tpu.memory_space<hbm>> -> memref<97x128xi32, #tpu.memory_space<hbm>>
      %dma_start3A_99 = arith.constant 0 : i32
      %dma_start3A_100 = tpu.memref_slice %dma_start3A_98[%multiple_of3A_42, %dma_start3A_99] : memref<97x128xi32, #tpu.memory_space<hbm>> -> memref<48x128xi32, #tpu.memory_space<hbm>>
      tpu.enqueue_dma source(%dma_start3A_100 : memref<48x128xi32, #tpu.memory_space<hbm>>) target(%arg7 : memref<48x128xi32, #tpu.memory_space<vmem>>) target_semaphore(%run_scoped3A : memref<!tpu.dma_semaphore, #tpu.memory_space<semaphore_mem>>)
      %dma_wait3A = arith.constant 0 : i32
      %dma_wait3A_101 = arith.constant 0 : i32
      %dma_wait3A_102 = tpu.memref_slice %arg3[%add3A, %dma_wait3A, %dma_wait3A_101] : memref<32x97x128xi32, #tpu.memory_space<hbm>> -> memref<1x97x128xi32, #tpu.memory_space<hbm>>
      %dma_wait3A_103 = tpu.memref_squeeze %dma_wait3A_102 : memref<1x97x128xi32, #tpu.memory_space<hbm>> -> memref<97x128xi32, #tpu.memory_space<hbm>>
      %dma_wait3A_104 = arith.constant 0 : i32
      %dma_wait3A_105 = tpu.memref_slice %dma_wait3A_103[%multiple_of3A_42, %dma_wait3A_104] : memref<97x128xi32, #tpu.memory_space<hbm>> -> memref<48x128xi32, #tpu.memory_space<hbm>>
      %dma_wait3A_106 = arith.constant 0 : i32
      %dma_wait3A_107 = arith.constant 0 : i32
      %dma_wait3A_108 = tpu.memref_slice %arg3[%add3A, %dma_wait3A_106, %dma_wait3A_107] : memref<32x97x128xi32, #tpu.memory_space<hbm>> -> memref<1x97x128xi32, #tpu.memory_space<hbm>>
      %dma_wait3A_109 = tpu.memref_squeeze %dma_wait3A_108 : memref<1x97x128xi32, #tpu.memory_space<hbm>> -> memref<97x128xi32, #tpu.memory_space<hbm>>
      %dma_wait3A_110 = arith.constant 0 : i32
      %dma_wait3A_111 = tpu.memref_slice %dma_wait3A_109[%multiple_of3A_42, %dma_wait3A_110] : memref<97x128xi32, #tpu.memory_space<hbm>> -> memref<48x128xi32, #tpu.memory_space<hbm>>
      tpu.wait_dma2 semaphore(%run_scoped3A : memref<!tpu.dma_semaphore, #tpu.memory_space<semaphore_mem>>) src(%dma_wait3A_111 : memref<48x128xi32, #tpu.memory_space<hbm>>) dst(%arg7 : memref<48x128xi32, #tpu.memory_space<vmem>>)
      tpu.yield
    }) : () -> ()
    "tpu.region"() ({
      %run_scoped3A = tpu.sem_alloc : memref<!tpu.dma_semaphore, #tpu.memory_space<semaphore_mem>>
      %dma_start3A_89 = arith.constant 0 : i32
      %dma_start3A_90 = arith.constant 0 : i32
      %dma_start3A_91 = tpu.memref_slice %arg4[%add3A, %dma_start3A_89, %dma_start3A_90] : memref<32x97x128xi32, #tpu.memory_space<hbm>> -> memref<1x97x128xi32, #tpu.memory_space<hbm>>
      %dma_start3A_92 = tpu.memref_squeeze %dma_start3A_91 : memref<1x97x128xi32, #tpu.memory_space<hbm>> -> memref<97x128xi32, #tpu.memory_space<hbm>>
      %dma_start3A_93 = arith.constant 0 : i32
      %dma_start3A_94 = tpu.memref_slice %dma_start3A_92[%multiple_of3A_42, %dma_start3A_93] : memref<97x128xi32, #tpu.memory_space<hbm>> -> memref<48x128xi32, #tpu.memory_space<hbm>>
      %dma_start3A_95 = arith.constant 0 : i32
      %dma_start3A_96 = arith.constant 0 : i32
      %dma_start3A_97 = tpu.memref_slice %arg4[%add3A, %dma_start3A_95, %dma_start3A_96] : memref<32x97x128xi32, #tpu.memory_space<hbm>> -> memref<1x97x128xi32, #tpu.memory_space<hbm>>
      %dma_start3A_98 = tpu.memref_squeeze %dma_start3A_97 : memref<1x97x128xi32, #tpu.memory_space<hbm>> -> memref<97x128xi32, #tpu.memory_space<hbm>>
      %dma_start3A_99 = arith.constant 0 : i32
      %dma_start3A_100 = tpu.memref_slice %dma_start3A_98[%multiple_of3A_42, %dma_start3A_99] : memref<97x128xi32, #tpu.memory_space<hbm>> -> memref<48x128xi32, #tpu.memory_space<hbm>>
      tpu.enqueue_dma source(%dma_start3A_100 : memref<48x128xi32, #tpu.memory_space<hbm>>) target(%arg8 : memref<48x128xi32, #tpu.memory_space<vmem>>) target_semaphore(%run_scoped3A : memref<!tpu.dma_semaphore, #tpu.memory_space<semaphore_mem>>)
      %dma_wait3A = arith.constant 0 : i32
      %dma_wait3A_101 = arith.constant 0 : i32
      %dma_wait3A_102 = tpu.memref_slice %arg4[%add3A, %dma_wait3A, %dma_wait3A_101] : memref<32x97x128xi32, #tpu.memory_space<hbm>> -> memref<1x97x128xi32, #tpu.memory_space<hbm>>
      %dma_wait3A_103 = tpu.memref_squeeze %dma_wait3A_102 : memref<1x97x128xi32, #tpu.memory_space<hbm>> -> memref<97x128xi32, #tpu.memory_space<hbm>>
      %dma_wait3A_104 = arith.constant 0 : i32
      %dma_wait3A_105 = tpu.memref_slice %dma_wait3A_103[%multiple_of3A_42, %dma_wait3A_104] : memref<97x128xi32, #tpu.memory_space<hbm>> -> memref<48x128xi32, #tpu.memory_space<hbm>>
      %dma_wait3A_106 = arith.constant 0 : i32
      %dma_wait3A_107 = arith.constant 0 : i32
      %dma_wait3A_108 = tpu.memref_slice %arg4[%add3A, %dma_wait3A_106, %dma_wait3A_107] : memref<32x97x128xi32, #tpu.memory_space<hbm>> -> memref<1x97x128xi32, #tpu.memory_space<hbm>>
      %dma_wait3A_109 = tpu.memref_squeeze %dma_wait3A_108 : memref<1x97x128xi32, #tpu.memory_space<hbm>> -> memref<97x128xi32, #tpu.memory_space<hbm>>
      %dma_wait3A_110 = arith.constant 0 : i32
      %dma_wait3A_111 = tpu.memref_slice %dma_wait3A_109[%multiple_of3A_42, %dma_wait3A_110] : memref<97x128xi32, #tpu.memory_space<hbm>> -> memref<48x128xi32, #tpu.memory_space<hbm>>
      tpu.wait_dma2 semaphore(%run_scoped3A : memref<!tpu.dma_semaphore, #tpu.memory_space<semaphore_mem>>) src(%dma_wait3A_111 : memref<48x128xi32, #tpu.memory_space<hbm>>) dst(%arg8 : memref<48x128xi32, #tpu.memory_space<vmem>>)
      tpu.yield
    }) : () -> ()
    %dma_start3A_43 = arith.constant 0 : i32
    %dma_start3A_44 = arith.constant 0 : i32
    %dma_start3A_45 = tpu.memref_slice %arg7[%dma_start3A_43, %dma_start3A_44] : memref<48x128xi32, #tpu.memory_space<vmem>> -> memref<1x128xi32, #tpu.memory_space<vmem>>
    %dma_start3A_46 = tpu.memref_squeeze %dma_start3A_45 : memref<1x128xi32, #tpu.memory_space<vmem>> -> memref<128xi32, #tpu.memory_space<vmem>>
    %dma_start3A_47 = arith.constant 0 : i32
    %dma_start3A_48 = arith.constant 0 : i32
    %dma_start3A_49 = tpu.memref_slice %arg2[%dma_start3A_47, %dma_start3A_48] : memref<10000x128xf32, #tpu.memory_space<hbm>> -> memref<10000x128xf32, #tpu.memory_space<hbm>>
    tpu.enqueue_indirect_dma source(%dma_start3A_49 : memref<10000x128xf32, #tpu.memory_space<hbm>>) target(%arg9 : memref<128x128xf32, #tpu.memory_space<vmem>>) offsets(%dma_start3A_46 : memref<128xi32, #tpu.memory_space<vmem>>) semaphore(%arg12 : memref<!tpu.dma_semaphore, #tpu.memory_space<semaphore_mem>>)
    %jit3A_50 = arith.constant 2 : i32
    %div3A_51 = arith.divsi %select_n3A, %jit3A_50 : i32
    %sign3A_52 = arith.constant 0 : i32
    %sign3A_53 = arith.cmpi sgt, %select_n3A, %sign3A_52 : i32
    %sign3A_54 = arith.extui %sign3A_53 : i1 to i32
    %sign3A_55 = arith.constant 0 : i32
    %sign3A_56 = arith.cmpi slt, %select_n3A, %sign3A_55 : i32
    %sign3A_57 = arith.extui %sign3A_56 : i1 to i32
    %sign3A_58 = arith.subi %sign3A_54, %sign3A_57 : i32
    %sign3A_59 = arith.constant 0 : i32
    %sign3A_60 = arith.cmpi sgt, %jit3A_50, %sign3A_59 : i32
    %sign3A_61 = arith.extui %sign3A_60 : i1 to i32
    %sign3A_62 = arith.constant 0 : i32
    %sign3A_63 = arith.cmpi slt, %jit3A_50, %sign3A_62 : i32
    %sign3A_64 = arith.extui %sign3A_63 : i1 to i32
    %sign3A_65 = arith.subi %sign3A_61, %sign3A_64 : i32
    %ne3A_66 = arith.cmpi ne, %sign3A_58, %sign3A_65 : i32
    %rem3A_67 = arith.remsi %select_n3A, %jit3A_50 : i32
    %ne3A_68 = arith.constant 0 : i32
    %ne3A_69 = arith.cmpi ne, %rem3A_67, %ne3A_68 : i32
    %and3A_70 = arith.andi %ne3A_66, %ne3A_69 : i1
    %sub3A_71 = arith.constant 1 : i32
    %sub3A_72 = arith.subi %div3A_51, %sub3A_71 : i32
    %select_n3A_73 = arith.select %and3A_70, %sub3A_72, %div3A_51 : i32
    %while3A_74 = arith.constant 0 : i32
    %while3A_75 = arith.constant 0 : i32
    %while3A_76 = arith.subi %select_n3A_73, %while3A_75 : i32
    %while3A_77 = arith.addi %while3A_75, %while3A_76 : i32
    %while3A_78 = arith.constant 1 : i32
    %while3A_79 = arith.divsi %while3A_76, %while3A_78 : i32
    %while3A_80 = arith.muli %while3A_79, %while3A_78 : i32
    %while3A_81 = arith.addi %while3A_75, %while3A_80 : i32
    %while3A_82 = arith.constant 1 : i32
    scf.for %while3A_89 = %while3A_75 to %while3A_81 step %while3A_82  : i32 {
      %mul3A_90 = arith.constant 2 : i32
      %mul3A_91 = arith.muli %mul3A_90, %while3A_89 : i32
      %add3A_92 = arith.constant 1 : i32
      %add3A_93 = arith.addi %mul3A_91, %add3A_92 : i32
      %dma_start3A_94 = arith.constant 0 : i32
      %dma_start3A_95 = tpu.memref_slice %arg7[%add3A_93, %dma_start3A_94] : memref<48x128xi32, #tpu.memory_space<vmem>> -> memref<1x128xi32, #tpu.memory_space<vmem>>
      %dma_start3A_96 = tpu.memref_squeeze %dma_start3A_95 : memref<1x128xi32, #tpu.memory_space<vmem>> -> memref<128xi32, #tpu.memory_space<vmem>>
      %dma_start3A_97 = arith.constant 0 : i32
      %dma_start3A_98 = arith.constant 0 : i32
      %dma_start3A_99 = tpu.memref_slice %arg2[%dma_start3A_97, %dma_start3A_98] : memref<10000x128xf32, #tpu.memory_space<hbm>> -> memref<10000x128xf32, #tpu.memory_space<hbm>>
      tpu.enqueue_indirect_dma source(%dma_start3A_99 : memref<10000x128xf32, #tpu.memory_space<hbm>>) target(%arg10 : memref<128x128xf32, #tpu.memory_space<vmem>>) offsets(%dma_start3A_96 : memref<128xi32, #tpu.memory_space<vmem>>) semaphore(%arg13 : memref<!tpu.dma_semaphore, #tpu.memory_space<semaphore_mem>>)
      %dma_wait3A = arith.constant 0 : i32
      %dma_wait3A_100 = tpu.memref_slice %arg7[%mul3A_91, %dma_wait3A] : memref<48x128xi32, #tpu.memory_space<vmem>> -> memref<1x128xi32, #tpu.memory_space<vmem>>
      %dma_wait3A_101 = tpu.memref_squeeze %dma_wait3A_100 : memref<1x128xi32, #tpu.memory_space<vmem>> -> memref<128xi32, #tpu.memory_space<vmem>>
      %dma_wait3A_102 = arith.constant 0 : i32
      %dma_wait3A_103 = arith.constant 0 : i32
      %dma_wait3A_104 = tpu.memref_slice %arg2[%dma_wait3A_102, %dma_wait3A_103] : memref<10000x128xf32, #tpu.memory_space<hbm>> -> memref<10000x128xf32, #tpu.memory_space<hbm>>
      tpu.wait_indirect_dma semaphore(%arg12 : memref<!tpu.dma_semaphore, #tpu.memory_space<semaphore_mem>>) src(%dma_wait3A_104 : memref<10000x128xf32, #tpu.memory_space<hbm>>) dst(%arg9 : memref<128x128xf32, #tpu.memory_space<vmem>>)
      "tpu.region"() ({
        %run_scoped3A = tpu.sem_alloc : memref<!tpu.dma_semaphore, #tpu.memory_space<semaphore_mem>>
        %dma_start3A_114 = arith.constant 0 : i32
        %dma_start3A_115 = tpu.memref_slice %arg8[%mul3A_91, %dma_start3A_114] : memref<48x128xi32, #tpu.memory_space<vmem>> -> memref<1x128xi32, #tpu.memory_space<vmem>>
        %dma_start3A_116 = tpu.memref_squeeze %dma_start3A_115 : memref<1x128xi32, #tpu.memory_space<vmem>> -> memref<128xi32, #tpu.memory_space<vmem>>
        %dma_start3A_117 = arith.constant 0 : i32
        %dma_start3A_118 = arith.constant 0 : i32
        %dma_start3A_119 = tpu.memref_slice %arg11[%dma_start3A_117, %dma_start3A_118] : memref<10112x128xf32, #tpu.memory_space<vmem_shared>> -> memref<10112x128xf32, #tpu.memory_space<vmem_shared>>
        tpu.enqueue_indirect_dma source(%arg9 : memref<128x128xf32, #tpu.memory_space<vmem>>) target(%dma_start3A_119 : memref<10112x128xf32, #tpu.memory_space<vmem_shared>>) offsets(%dma_start3A_116 : memref<128xi32, #tpu.memory_space<vmem>>) semaphore(%run_scoped3A : memref<!tpu.dma_semaphore, #tpu.memory_space<semaphore_mem>>) {add = true}
        %dma_wait3A_120 = arith.constant 0 : i32
        %dma_wait3A_121 = tpu.memref_slice %arg8[%mul3A_91, %dma_wait3A_120] : memref<48x128xi32, #tpu.memory_space<vmem>> -> memref<1x128xi32, #tpu.memory_space<vmem>>
        %dma_wait3A_122 = tpu.memref_squeeze %dma_wait3A_121 : memref<1x128xi32, #tpu.memory_space<vmem>> -> memref<128xi32, #tpu.memory_space<vmem>>
        %dma_wait3A_123 = arith.constant 0 : i32
        %dma_wait3A_124 = arith.constant 0 : i32
        %dma_wait3A_125 = tpu.memref_slice %arg11[%dma_wait3A_123, %dma_wait3A_124] : memref<10112x128xf32, #tpu.memory_space<vmem_shared>> -> memref<10112x128xf32, #tpu.memory_space<vmem_shared>>
        tpu.wait_indirect_dma semaphore(%run_scoped3A : memref<!tpu.dma_semaphore, #tpu.memory_space<semaphore_mem>>) src(%arg9 : memref<128x128xf32, #tpu.memory_space<vmem>>) dst(%dma_wait3A_125 : memref<10112x128xf32, #tpu.memory_space<vmem_shared>>)
        tpu.yield
      }) : () -> ()
      %add3A_105 = arith.constant 2 : i32
      %add3A_106 = arith.addi %mul3A_91, %add3A_105 : i32
      %lt3A = arith.cmpi slt, %add3A_106, %select_n3A : i32
      %convert_element_type3A = arith.extui %lt3A : i1 to i32
      %cond3A = arith.constant 0 : i32
      %cond3A_107 = arith.cmpi ne, %convert_element_type3A, %cond3A : i32
      scf.if %cond3A_107 {
        %add3A_114 = arith.constant 2 : i32
        %add3A_115 = arith.addi %mul3A_91, %add3A_114 : i32
        %dma_start3A_116 = arith.constant 0 : i32
        %dma_start3A_117 = tpu.memref_slice %arg7[%add3A_115, %dma_start3A_116] : memref<48x128xi32, #tpu.memory_space<vmem>> -> memref<1x128xi32, #tpu.memory_space<vmem>>
        %dma_start3A_118 = tpu.memref_squeeze %dma_start3A_117 : memref<1x128xi32, #tpu.memory_space<vmem>> -> memref<128xi32, #tpu.memory_space<vmem>>
        %dma_start3A_119 = arith.constant 0 : i32
        %dma_start3A_120 = arith.constant 0 : i32
        %dma_start3A_121 = tpu.memref_slice %arg2[%dma_start3A_119, %dma_start3A_120] : memref<10000x128xf32, #tpu.memory_space<hbm>> -> memref<10000x128xf32, #tpu.memory_space<hbm>>
        tpu.enqueue_indirect_dma source(%dma_start3A_121 : memref<10000x128xf32, #tpu.memory_space<hbm>>) target(%arg9 : memref<128x128xf32, #tpu.memory_space<vmem>>) offsets(%dma_start3A_118 : memref<128xi32, #tpu.memory_space<vmem>>) semaphore(%arg12 : memref<!tpu.dma_semaphore, #tpu.memory_space<semaphore_mem>>)
      } else {
      }
      %dma_wait3A_108 = arith.constant 0 : i32
      %dma_wait3A_109 = tpu.memref_slice %arg7[%add3A_93, %dma_wait3A_108] : memref<48x128xi32, #tpu.memory_space<vmem>> -> memref<1x128xi32, #tpu.memory_space<vmem>>
      %dma_wait3A_110 = tpu.memref_squeeze %dma_wait3A_109 : memref<1x128xi32, #tpu.memory_space<vmem>> -> memref<128xi32, #tpu.memory_space<vmem>>
      %dma_wait3A_111 = arith.constant 0 : i32
      %dma_wait3A_112 = arith.constant 0 : i32
      %dma_wait3A_113 = tpu.memref_slice %arg2[%dma_wait3A_111, %dma_wait3A_112] : memref<10000x128xf32, #tpu.memory_space<hbm>> -> memref<10000x128xf32, #tpu.memory_space<hbm>>
      tpu.wait_indirect_dma semaphore(%arg13 : memref<!tpu.dma_semaphore, #tpu.memory_space<semaphore_mem>>) src(%dma_wait3A_113 : memref<10000x128xf32, #tpu.memory_space<hbm>>) dst(%arg10 : memref<128x128xf32, #tpu.memory_space<vmem>>)
      "tpu.region"() ({
        %run_scoped3A = tpu.sem_alloc : memref<!tpu.dma_semaphore, #tpu.memory_space<semaphore_mem>>
        %dma_start3A_114 = arith.constant 0 : i32
        %dma_start3A_115 = tpu.memref_slice %arg8[%add3A_93, %dma_start3A_114] : memref<48x128xi32, #tpu.memory_space<vmem>> -> memref<1x128xi32, #tpu.memory_space<vmem>>
        %dma_start3A_116 = tpu.memref_squeeze %dma_start3A_115 : memref<1x128xi32, #tpu.memory_space<vmem>> -> memref<128xi32, #tpu.memory_space<vmem>>
        %dma_start3A_117 = arith.constant 0 : i32
        %dma_start3A_118 = arith.constant 0 : i32
        %dma_start3A_119 = tpu.memref_slice %arg11[%dma_start3A_117, %dma_start3A_118] : memref<10112x128xf32, #tpu.memory_space<vmem_shared>> -> memref<10112x128xf32, #tpu.memory_space<vmem_shared>>
        tpu.enqueue_indirect_dma source(%arg10 : memref<128x128xf32, #tpu.memory_space<vmem>>) target(%dma_start3A_119 : memref<10112x128xf32, #tpu.memory_space<vmem_shared>>) offsets(%dma_start3A_116 : memref<128xi32, #tpu.memory_space<vmem>>) semaphore(%run_scoped3A : memref<!tpu.dma_semaphore, #tpu.memory_space<semaphore_mem>>) {add = true}
        %dma_wait3A_120 = arith.constant 0 : i32
        %dma_wait3A_121 = tpu.memref_slice %arg8[%add3A_93, %dma_wait3A_120] : memref<48x128xi32, #tpu.memory_space<vmem>> -> memref<1x128xi32, #tpu.memory_space<vmem>>
        %dma_wait3A_122 = tpu.memref_squeeze %dma_wait3A_121 : memref<1x128xi32, #tpu.memory_space<vmem>> -> memref<128xi32, #tpu.memory_space<vmem>>
        %dma_wait3A_123 = arith.constant 0 : i32
        %dma_wait3A_124 = arith.constant 0 : i32
        %dma_wait3A_125 = tpu.memref_slice %arg11[%dma_wait3A_123, %dma_wait3A_124] : memref<10112x128xf32, #tpu.memory_space<vmem_shared>> -> memref<10112x128xf32, #tpu.memory_space<vmem_shared>>
        tpu.wait_indirect_dma semaphore(%run_scoped3A : memref<!tpu.dma_semaphore, #tpu.memory_space<semaphore_mem>>) src(%arg10 : memref<128x128xf32, #tpu.memory_space<vmem>>) dst(%dma_wait3A_125 : memref<10112x128xf32, #tpu.memory_space<vmem_shared>>)
        tpu.yield
      }) : () -> ()
    }
    %while3A_83 = arith.constant 1 : i32
    scf.for %while3A_89 = %while3A_81 to %while3A_77 step %while3A_83  : i32 {
      %mul3A_90 = arith.constant 2 : i32
      %mul3A_91 = arith.muli %mul3A_90, %while3A_89 : i32
      %add3A_92 = arith.constant 1 : i32
      %add3A_93 = arith.addi %mul3A_91, %add3A_92 : i32
      %dma_start3A_94 = arith.constant 0 : i32
      %dma_start3A_95 = tpu.memref_slice %arg7[%add3A_93, %dma_start3A_94] : memref<48x128xi32, #tpu.memory_space<vmem>> -> memref<1x128xi32, #tpu.memory_space<vmem>>
      %dma_start3A_96 = tpu.memref_squeeze %dma_start3A_95 : memref<1x128xi32, #tpu.memory_space<vmem>> -> memref<128xi32, #tpu.memory_space<vmem>>
      %dma_start3A_97 = arith.constant 0 : i32
      %dma_start3A_98 = arith.constant 0 : i32
      %dma_start3A_99 = tpu.memref_slice %arg2[%dma_start3A_97, %dma_start3A_98] : memref<10000x128xf32, #tpu.memory_space<hbm>> -> memref<10000x128xf32, #tpu.memory_space<hbm>>
      tpu.enqueue_indirect_dma source(%dma_start3A_99 : memref<10000x128xf32, #tpu.memory_space<hbm>>) target(%arg10 : memref<128x128xf32, #tpu.memory_space<vmem>>) offsets(%dma_start3A_96 : memref<128xi32, #tpu.memory_space<vmem>>) semaphore(%arg13 : memref<!tpu.dma_semaphore, #tpu.memory_space<semaphore_mem>>)
      %dma_wait3A = arith.constant 0 : i32
      %dma_wait3A_100 = tpu.memref_slice %arg7[%mul3A_91, %dma_wait3A] : memref<48x128xi32, #tpu.memory_space<vmem>> -> memref<1x128xi32, #tpu.memory_space<vmem>>
      %dma_wait3A_101 = tpu.memref_squeeze %dma_wait3A_100 : memref<1x128xi32, #tpu.memory_space<vmem>> -> memref<128xi32, #tpu.memory_space<vmem>>
      %dma_wait3A_102 = arith.constant 0 : i32
      %dma_wait3A_103 = arith.constant 0 : i32
      %dma_wait3A_104 = tpu.memref_slice %arg2[%dma_wait3A_102, %dma_wait3A_103] : memref<10000x128xf32, #tpu.memory_space<hbm>> -> memref<10000x128xf32, #tpu.memory_space<hbm>>
      tpu.wait_indirect_dma semaphore(%arg12 : memref<!tpu.dma_semaphore, #tpu.memory_space<semaphore_mem>>) src(%dma_wait3A_104 : memref<10000x128xf32, #tpu.memory_space<hbm>>) dst(%arg9 : memref<128x128xf32, #tpu.memory_space<vmem>>)
      "tpu.region"() ({
        %run_scoped3A = tpu.sem_alloc : memref<!tpu.dma_semaphore, #tpu.memory_space<semaphore_mem>>
        %dma_start3A_114 = arith.constant 0 : i32
        %dma_start3A_115 = tpu.memref_slice %arg8[%mul3A_91, %dma_start3A_114] : memref<48x128xi32, #tpu.memory_space<vmem>> -> memref<1x128xi32, #tpu.memory_space<vmem>>
        %dma_start3A_116 = tpu.memref_squeeze %dma_start3A_115 : memref<1x128xi32, #tpu.memory_space<vmem>> -> memref<128xi32, #tpu.memory_space<vmem>>
        %dma_start3A_117 = arith.constant 0 : i32
        %dma_start3A_118 = arith.constant 0 : i32
        %dma_start3A_119 = tpu.memref_slice %arg11[%dma_start3A_117, %dma_start3A_118] : memref<10112x128xf32, #tpu.memory_space<vmem_shared>> -> memref<10112x128xf32, #tpu.memory_space<vmem_shared>>
        tpu.enqueue_indirect_dma source(%arg9 : memref<128x128xf32, #tpu.memory_space<vmem>>) target(%dma_start3A_119 : memref<10112x128xf32, #tpu.memory_space<vmem_shared>>) offsets(%dma_start3A_116 : memref<128xi32, #tpu.memory_space<vmem>>) semaphore(%run_scoped3A : memref<!tpu.dma_semaphore, #tpu.memory_space<semaphore_mem>>) {add = true}
        %dma_wait3A_120 = arith.constant 0 : i32
        %dma_wait3A_121 = tpu.memref_slice %arg8[%mul3A_91, %dma_wait3A_120] : memref<48x128xi32, #tpu.memory_space<vmem>> -> memref<1x128xi32, #tpu.memory_space<vmem>>
        %dma_wait3A_122 = tpu.memref_squeeze %dma_wait3A_121 : memref<1x128xi32, #tpu.memory_space<vmem>> -> memref<128xi32, #tpu.memory_space<vmem>>
        %dma_wait3A_123 = arith.constant 0 : i32
        %dma_wait3A_124 = arith.constant 0 : i32
        %dma_wait3A_125 = tpu.memref_slice %arg11[%dma_wait3A_123, %dma_wait3A_124] : memref<10112x128xf32, #tpu.memory_space<vmem_shared>> -> memref<10112x128xf32, #tpu.memory_space<vmem_shared>>
        tpu.wait_indirect_dma semaphore(%run_scoped3A : memref<!tpu.dma_semaphore, #tpu.memory_space<semaphore_mem>>) src(%arg9 : memref<128x128xf32, #tpu.memory_space<vmem>>) dst(%dma_wait3A_125 : memref<10112x128xf32, #tpu.memory_space<vmem_shared>>)
        tpu.yield
      }) : () -> ()
      %add3A_105 = arith.constant 2 : i32
      %add3A_106 = arith.addi %mul3A_91, %add3A_105 : i32
      %lt3A = arith.cmpi slt, %add3A_106, %select_n3A : i32
      %convert_element_type3A = arith.extui %lt3A : i1 to i32
      %cond3A = arith.constant 0 : i32
      %cond3A_107 = arith.cmpi ne, %convert_element_type3A, %cond3A : i32
      scf.if %cond3A_107 {
        %add3A_114 = arith.constant 2 : i32
        %add3A_115 = arith.addi %mul3A_91, %add3A_114 : i32
        %dma_start3A_116 = arith.constant 0 : i32
        %dma_start3A_117 = tpu.memref_slice %arg7[%add3A_115, %dma_start3A_116] : memref<48x128xi32, #tpu.memory_space<vmem>> -> memref<1x128xi32, #tpu.memory_space<vmem>>
        %dma_start3A_118 = tpu.memref_squeeze %dma_start3A_117 : memref<1x128xi32, #tpu.memory_space<vmem>> -> memref<128xi32, #tpu.memory_space<vmem>>
        %dma_start3A_119 = arith.constant 0 : i32
        %dma_start3A_120 = arith.constant 0 : i32
        %dma_start3A_121 = tpu.memref_slice %arg2[%dma_start3A_119, %dma_start3A_120] : memref<10000x128xf32, #tpu.memory_space<hbm>> -> memref<10000x128xf32, #tpu.memory_space<hbm>>
        tpu.enqueue_indirect_dma source(%dma_start3A_121 : memref<10000x128xf32, #tpu.memory_space<hbm>>) target(%arg9 : memref<128x128xf32, #tpu.memory_space<vmem>>) offsets(%dma_start3A_118 : memref<128xi32, #tpu.memory_space<vmem>>) semaphore(%arg12 : memref<!tpu.dma_semaphore, #tpu.memory_space<semaphore_mem>>)
      } else {
      }
      %dma_wait3A_108 = arith.constant 0 : i32
      %dma_wait3A_109 = tpu.memref_slice %arg7[%add3A_93, %dma_wait3A_108] : memref<48x128xi32, #tpu.memory_space<vmem>> -> memref<1x128xi32, #tpu.memory_space<vmem>>
      %dma_wait3A_110 = tpu.memref_squeeze %dma_wait3A_109 : memref<1x128xi32, #tpu.memory_space<vmem>> -> memref<128xi32, #tpu.memory_space<vmem>>
      %dma_wait3A_111 = arith.constant 0 : i32
      %dma_wait3A_112 = arith.constant 0 : i32
      %dma_wait3A_113 = tpu.memref_slice %arg2[%dma_wait3A_111, %dma_wait3A_112] : memref<10000x128xf32, #tpu.memory_space<hbm>> -> memref<10000x128xf32, #tpu.memory_space<hbm>>
      tpu.wait_indirect_dma semaphore(%arg13 : memref<!tpu.dma_semaphore, #tpu.memory_space<semaphore_mem>>) src(%dma_wait3A_113 : memref<10000x128xf32, #tpu.memory_space<hbm>>) dst(%arg10 : memref<128x128xf32, #tpu.memory_space<vmem>>)
      "tpu.region"() ({
        %run_scoped3A = tpu.sem_alloc : memref<!tpu.dma_semaphore, #tpu.memory_space<semaphore_mem>>
        %dma_start3A_114 = arith.constant 0 : i32
        %dma_start3A_115 = tpu.memref_slice %arg8[%add3A_93, %dma_start3A_114] : memref<48x128xi32, #tpu.memory_space<vmem>> -> memref<1x128xi32, #tpu.memory_space<vmem>>
        %dma_start3A_116 = tpu.memref_squeeze %dma_start3A_115 : memref<1x128xi32, #tpu.memory_space<vmem>> -> memref<128xi32, #tpu.memory_space<vmem>>
        %dma_start3A_117 = arith.constant 0 : i32
        %dma_start3A_118 = arith.constant 0 : i32
        %dma_start3A_119 = tpu.memref_slice %arg11[%dma_start3A_117, %dma_start3A_118] : memref<10112x128xf32, #tpu.memory_space<vmem_shared>> -> memref<10112x128xf32, #tpu.memory_space<vmem_shared>>
        tpu.enqueue_indirect_dma source(%arg10 : memref<128x128xf32, #tpu.memory_space<vmem>>) target(%dma_start3A_119 : memref<10112x128xf32, #tpu.memory_space<vmem_shared>>) offsets(%dma_start3A_116 : memref<128xi32, #tpu.memory_space<vmem>>) semaphore(%run_scoped3A : memref<!tpu.dma_semaphore, #tpu.memory_space<semaphore_mem>>) {add = true}
        %dma_wait3A_120 = arith.constant 0 : i32
        %dma_wait3A_121 = tpu.memref_slice %arg8[%add3A_93, %dma_wait3A_120] : memref<48x128xi32, #tpu.memory_space<vmem>> -> memref<1x128xi32, #tpu.memory_space<vmem>>
        %dma_wait3A_122 = tpu.memref_squeeze %dma_wait3A_121 : memref<1x128xi32, #tpu.memory_space<vmem>> -> memref<128xi32, #tpu.memory_space<vmem>>
        %dma_wait3A_123 = arith.constant 0 : i32
        %dma_wait3A_124 = arith.constant 0 : i32
        %dma_wait3A_125 = tpu.memref_slice %arg11[%dma_wait3A_123, %dma_wait3A_124] : memref<10112x128xf32, #tpu.memory_space<vmem_shared>> -> memref<10112x128xf32, #tpu.memory_space<vmem_shared>>
        tpu.wait_indirect_dma semaphore(%run_scoped3A : memref<!tpu.dma_semaphore, #tpu.memory_space<semaphore_mem>>) src(%arg10 : memref<128x128xf32, #tpu.memory_space<vmem>>) dst(%dma_wait3A_125 : memref<10112x128xf32, #tpu.memory_space<vmem_shared>>)
        tpu.yield
      }) : () -> ()
    }
    %barrier3A_84 = arith.constant 0 : index
    tpu.barrier barrier_id(%barrier3A_84)
    %mul3A_85 = arith.constant 632 : i32
    %mul3A_86 = arith.muli %arg1, %mul3A_85 : i32
    %mul3A_87 = arith.constant 632 : i32
    %mul3A_88 = arith.muli %arg1, %mul3A_87 : i32
    "tpu.region"() ({
      %run_scoped3A = tpu.sem_alloc : memref<!tpu.dma_semaphore, #tpu.memory_space<semaphore_mem>>
      %dma_start3A_89 = arith.constant 0 : i32
      %dma_start3A_90 = arith.constant 0 : i32
      %dma_start3A_91 = tpu.memref_slice %arg6[%arg0, %dma_start3A_89, %dma_start3A_90] : memref<2x10112x128xf32, #tpu.memory_space<hbm>> -> memref<1x10112x128xf32, #tpu.memory_space<hbm>>
      %dma_start3A_92 = tpu.memref_squeeze %dma_start3A_91 : memref<1x10112x128xf32, #tpu.memory_space<hbm>> -> memref<10112x128xf32, #tpu.memory_space<hbm>>
      %dma_start3A_93 = arith.constant 0 : i32
      %dma_start3A_94 = tpu.memref_slice %dma_start3A_92[%mul3A_88, %dma_start3A_93] : memref<10112x128xf32, #tpu.memory_space<hbm>> -> memref<632x128xf32, #tpu.memory_space<hbm>>
      %dma_start3A_95 = arith.constant 0 : i32
      %dma_start3A_96 = tpu.memref_slice %arg11[%mul3A_86, %dma_start3A_95] : memref<10112x128xf32, #tpu.memory_space<vmem_shared>> -> memref<632x128xf32, #tpu.memory_space<vmem_shared>>
      tpu.enqueue_dma source(%dma_start3A_96 : memref<632x128xf32, #tpu.memory_space<vmem_shared>>) target(%dma_start3A_94 : memref<632x128xf32, #tpu.memory_space<hbm>>) target_semaphore(%run_scoped3A : memref<!tpu.dma_semaphore, #tpu.memory_space<semaphore_mem>>)
      %dma_wait3A = arith.constant 0 : i32
      %dma_wait3A_97 = arith.constant 0 : i32
      %dma_wait3A_98 = tpu.memref_slice %arg6[%arg0, %dma_wait3A, %dma_wait3A_97] : memref<2x10112x128xf32, #tpu.memory_space<hbm>> -> memref<1x10112x128xf32, #tpu.memory_space<hbm>>
      %dma_wait3A_99 = tpu.memref_squeeze %dma_wait3A_98 : memref<1x10112x128xf32, #tpu.memory_space<hbm>> -> memref<10112x128xf32, #tpu.memory_space<hbm>>
      %dma_wait3A_100 = arith.constant 0 : i32
      %dma_wait3A_101 = tpu.memref_slice %dma_wait3A_99[%mul3A_88, %dma_wait3A_100] : memref<10112x128xf32, #tpu.memory_space<hbm>> -> memref<632x128xf32, #tpu.memory_space<hbm>>
      %dma_wait3A_102 = arith.constant 0 : i32
      %dma_wait3A_103 = tpu.memref_slice %arg11[%mul3A_86, %dma_wait3A_102] : memref<10112x128xf32, #tpu.memory_space<vmem_shared>> -> memref<632x128xf32, #tpu.memory_space<vmem_shared>>
      tpu.wait_dma2 semaphore(%run_scoped3A : memref<!tpu.dma_semaphore, #tpu.memory_space<semaphore_mem>>) src(%dma_wait3A_103 : memref<632x128xf32, #tpu.memory_space<vmem_shared>>) dst(%dma_wait3A_101 : memref<632x128xf32, #tpu.memory_space<hbm>>)
      tpu.yield
    }) : () -> ()
    return
  }
}

module attributes {stable_mosaic.version = 14 : i64} {
  func.func @_mm_body(%arg0: i32, %arg1: memref<2000x128xf32, #tpu.memory_space<vmem>>, %arg2: memref<128x128xf32, #tpu.memory_space<vmem>>, %arg3: memref<2000x128xf32, #tpu.memory_space<vmem>>) attributes {dimension_semantics = [#tpu.dimension_semantics<arbitrary>], iteration_bounds = array<i64: 5>, scalar_prefetch = 0 : i64, scratch_operands = 0 : i64, tpu.core_type = #tpu.core_type<tc>, window_params = [{transform_indices = @transform_0, window_bounds = array<i64: 2000, 128>}, {pipeline_mode = #tpu.pipeline_mode<synchronous>, transform_indices = @transform_1, window_bounds = array<i64: 128, 128>}, {transform_indices = @transform_2, window_bounds = array<i64: 2000, 128>}]} {
    %get3A = arith.constant 0 : index
    %get3A_0 = arith.constant 0 : index
    %get3A_1 = vector.load %arg1[%get3A, %get3A_0] : memref<2000x128xf32, #tpu.memory_space<vmem>>, vector<2000x128xf32>
    %get3A_2 = arith.constant 0 : index
    %get3A_3 = arith.constant 0 : index
    %get3A_4 = vector.load %arg2[%get3A_2, %get3A_3] : memref<128x128xf32, #tpu.memory_space<vmem>>, vector<128x128xf32>
    %dot_general3A = arith.constant dense<0.000000e+00> : vector<2000x128xf32>
    %dot_general3A_5 = tpu.matmul %get3A_1, %get3A_4, %dot_general3A {dimension_numbers = #tpu.dot_dimension_numbers<[1], [0], [0], [1], [0, 0, 1, 1], [], []>, transpose_lhs_hint = false} : vector<2000x128xf32>, vector<128x128xf32>, vector<2000x128xf32> -> vector<2000x128xf32>
    %swap3A = arith.constant 0 : index
    %swap3A_6 = arith.constant 0 : index
    %swap3A_7 = vector.load %arg3[%swap3A, %swap3A_6] : memref<2000x128xf32, #tpu.memory_space<vmem>>, vector<2000x128xf32>
    tpu.vector_store %arg3[%swap3A, %swap3A_6], %dot_general3A_5 {strides = array<i32>} : memref<2000x128xf32, #tpu.memory_space<vmem>>, vector<2000x128xf32>,
    return
  }
  func.func @transform_0(%arg0: i32) -> (i32, i32) {
    %c0_i32 = arith.constant 0 : i32
    %c0_i32_0 = arith.constant 0 : i32
    return %arg0, %c0_i32 : i32, i32
  }
  func.func @transform_1(%arg0: i32) -> (i32, i32) {
    %c0_i32 = arith.constant 0 : i32
    %c0_i32_0 = arith.constant 0 : i32
    %c0_i32_1 = arith.constant 0 : i32
    return %c0_i32, %c0_i32_0 : i32, i32
  }
  func.func @transform_2(%arg0: i32) -> (i32, i32) {
    %c0_i32 = arith.constant 0 : i32
    %c0_i32_0 = arith.constant 0 : i32
    return %arg0, %c0_i32 : i32, i32
  }
}

module attributes {stable_mosaic.version = 14 : i64} {
  func.func @_gru_body(%arg0: i32, %arg1: memref<2x2000x128xf32, #tpu.memory_space<vmem>>, %arg2: memref<2000x128xf32, #tpu.memory_space<vmem>>, %arg3: memref<128x384xf32, #tpu.memory_space<vmem>>, %arg4: memref<128x384xf32, #tpu.memory_space<vmem>>, %arg5: memref<1x384xf32, #tpu.memory_space<vmem>>, %arg6: memref<1x384xf32, #tpu.memory_space<vmem>>, %arg7: memref<2000x128xf32, #tpu.memory_space<vmem>>) attributes {dimension_semantics = [#tpu.dimension_semantics<arbitrary>], iteration_bounds = array<i64: 5>, scalar_prefetch = 0 : i64, scratch_operands = 0 : i64, tpu.core_type = #tpu.core_type<tc>, window_params = [{transform_indices = @transform_0, window_bounds = array<i64: 2, 2000, 128>}, {transform_indices = @transform_1, window_bounds = array<i64: 2000, 128>}, {pipeline_mode = #tpu.pipeline_mode<synchronous>, transform_indices = @transform_2, window_bounds = array<i64: 128, 384>}, {pipeline_mode = #tpu.pipeline_mode<synchronous>, transform_indices = @transform_3, window_bounds = array<i64: 128, 384>}, {pipeline_mode = #tpu.pipeline_mode<synchronous>, transform_indices = @transform_4, window_bounds = array<i64: 1, 384>}, {pipeline_mode = #tpu.pipeline_mode<synchronous>, transform_indices = @transform_5, window_bounds = array<i64: 1, 384>}, {transform_indices = @transform_6, window_bounds = array<i64: 2000, 128>}]} {
    %get3A = arith.constant 0 : index
    %get3A_0 = arith.constant 0 : index
    %get3A_1 = arith.constant 0 : index
    %get3A_2 = vector.load %arg1[%get3A, %get3A_0, %get3A_1] : memref<2x2000x128xf32, #tpu.memory_space<vmem>>, vector<1x2000x128xf32>
    %get3A_3 = vector.shape_cast %get3A_2 : vector<1x2000x128xf32> to vector<2000x128xf32>
    %get3A_4 = arith.constant 1 : index
    %get3A_5 = arith.constant 0 : index
    %get3A_6 = arith.constant 0 : index
    %get3A_7 = vector.load %arg1[%get3A_4, %get3A_5, %get3A_6] : memref<2x2000x128xf32, #tpu.memory_space<vmem>>, vector<1x2000x128xf32>
    %get3A_8 = vector.shape_cast %get3A_7 : vector<1x2000x128xf32> to vector<2000x128xf32>
    %add3A = arith.addf %get3A_3, %get3A_8 : vector<2000x128xf32>
    %get3A_9 = arith.constant 0 : index
    %get3A_10 = arith.constant 0 : index
    %get3A_11 = vector.load %arg2[%get3A_9, %get3A_10] : memref<2000x128xf32, #tpu.memory_space<vmem>>, vector<2000x128xf32>
    %get3A_12 = arith.constant 0 : index
    %get3A_13 = arith.constant 0 : index
    %get3A_14 = vector.load %arg3[%get3A_12, %get3A_13] : memref<128x384xf32, #tpu.memory_space<vmem>>, vector<128x384xf32>
    %dot_general3A = arith.constant dense<0.000000e+00> : vector<2000x384xf32>
    %dot_general3A_15 = tpu.matmul %add3A, %get3A_14, %dot_general3A {dimension_numbers = #tpu.dot_dimension_numbers<[1], [0], [0], [1], [0, 0, 1, 1], [], []>, transpose_lhs_hint = false} : vector<2000x128xf32>, vector<128x384xf32>, vector<2000x384xf32> -> vector<2000x384xf32>
    %get3A_16 = arith.constant 0 : index
    %get3A_17 = arith.constant 0 : index
    %get3A_18 = vector.load %arg5[%get3A_16, %get3A_17] : memref<1x384xf32, #tpu.memory_space<vmem>>, vector<1x384xf32>
    %add3A_19 = vector.broadcast %get3A_18 : vector<1x384xf32> to vector<2000x384xf32>
    %add3A_20 = arith.addf %dot_general3A_15, %add3A_19 : vector<2000x384xf32>
    %get3A_21 = arith.constant 0 : index
    %get3A_22 = arith.constant 0 : index
    %get3A_23 = vector.load %arg4[%get3A_21, %get3A_22] : memref<128x384xf32, #tpu.memory_space<vmem>>, vector<128x384xf32>
    %dot_general3A_24 = arith.constant dense<0.000000e+00> : vector<2000x384xf32>
    %dot_general3A_25 = tpu.matmul %get3A_11, %get3A_23, %dot_general3A_24 {dimension_numbers = #tpu.dot_dimension_numbers<[1], [0], [0], [1], [0, 0, 1, 1], [], []>, transpose_lhs_hint = false} : vector<2000x128xf32>, vector<128x384xf32>, vector<2000x384xf32> -> vector<2000x384xf32>
    %get3A_26 = arith.constant 0 : index
    %get3A_27 = arith.constant 0 : index
    %get3A_28 = vector.load %arg6[%get3A_26, %get3A_27] : memref<1x384xf32, #tpu.memory_space<vmem>>, vector<1x384xf32>
    %add3A_29 = vector.broadcast %get3A_28 : vector<1x384xf32> to vector<2000x384xf32>
    %add3A_30 = arith.addf %dot_general3A_25, %add3A_29 : vector<2000x384xf32>
    %slice3A = vector.extract_strided_slice %add3A_20 {offsets = [0, 0], sizes = [2000, 128], strides = [1, 1]} : vector<2000x384xf32> to vector<2000x128xf32>
    %slice3A_31 = vector.extract_strided_slice %add3A_30 {offsets = [0, 0], sizes = [2000, 128], strides = [1, 1]} : vector<2000x384xf32> to vector<2000x128xf32>
    %add3A_32 = arith.addf %slice3A, %slice3A_31 : vector<2000x128xf32>
    %logistic3A = arith.negf %add3A_32 : vector<2000x128xf32>
    %logistic3A_33 = math.exp %logistic3A : vector<2000x128xf32>
    %logistic3A_34 = arith.constant 1.000000e+00 : f32
    %logistic3A_35 = vector.broadcast %logistic3A_34 : f32 to vector<2000x128xf32>
    %logistic3A_36 = arith.addf %logistic3A_35, %logistic3A_33 : vector<2000x128xf32>
    %logistic3A_37 = arith.divf %logistic3A_35, %logistic3A_36 : vector<2000x128xf32>
    %slice3A_38 = vector.extract_strided_slice %add3A_20 {offsets = [0, 128], sizes = [2000, 128], strides = [1, 1]} : vector<2000x384xf32> to vector<2000x128xf32>
    %slice3A_39 = vector.extract_strided_slice %add3A_30 {offsets = [0, 128], sizes = [2000, 128], strides = [1, 1]} : vector<2000x384xf32> to vector<2000x128xf32>
    %add3A_40 = arith.addf %slice3A_38, %slice3A_39 : vector<2000x128xf32>
    %logistic3A_41 = arith.negf %add3A_40 : vector<2000x128xf32>
    %logistic3A_42 = math.exp %logistic3A_41 : vector<2000x128xf32>
    %logistic3A_43 = arith.constant 1.000000e+00 : f32
    %logistic3A_44 = vector.broadcast %logistic3A_43 : f32 to vector<2000x128xf32>
    %logistic3A_45 = arith.addf %logistic3A_44, %logistic3A_42 : vector<2000x128xf32>
    %logistic3A_46 = arith.divf %logistic3A_44, %logistic3A_45 : vector<2000x128xf32>
    %slice3A_47 = vector.extract_strided_slice %add3A_20 {offsets = [0, 256], sizes = [2000, 128], strides = [1, 1]} : vector<2000x384xf32> to vector<2000x128xf32>
    %slice3A_48 = vector.extract_strided_slice %add3A_30 {offsets = [0, 256], sizes = [2000, 128], strides = [1, 1]} : vector<2000x384xf32> to vector<2000x128xf32>
    %mul3A = arith.mulf %logistic3A_37, %slice3A_48 : vector<2000x128xf32>
    %add3A_49 = arith.addf %slice3A_47, %mul3A : vector<2000x128xf32>
    %tanh3A = math.tanh %add3A_49 : vector<2000x128xf32>
    %sub3A = arith.constant 1.000000e+00 : f32
    %sub3A_50 = vector.broadcast %sub3A : f32 to vector<2000x128xf32>
    %sub3A_51 = arith.subf %sub3A_50, %logistic3A_46 : vector<2000x128xf32>
    %mul3A_52 = arith.mulf %sub3A_51, %tanh3A : vector<2000x128xf32>
    %mul3A_53 = arith.mulf %logistic3A_46, %get3A_11 : vector<2000x128xf32>
    %add3A_54 = arith.addf %mul3A_52, %mul3A_53 : vector<2000x128xf32>
    %swap3A = arith.constant 0 : index
    %swap3A_55 = arith.constant 0 : index
    %swap3A_56 = vector.load %arg7[%swap3A, %swap3A_55] : memref<2000x128xf32, #tpu.memory_space<vmem>>, vector<2000x128xf32>
    tpu.vector_store %arg7[%swap3A, %swap3A_55], %add3A_54 {strides = array<i32>} : memref<2000x128xf32, #tpu.memory_space<vmem>>, vector<2000x128xf32>,
    return
  }
  func.func @transform_0(%arg0: i32) -> (i32, i32, i32) {
    %c0_i32 = arith.constant 0 : i32
    %c0_i32_0 = arith.constant 0 : i32
    %c0_i32_1 = arith.constant 0 : i32
    return %c0_i32, %arg0, %c0_i32_0 : i32, i32, i32
  }
  func.func @transform_1(%arg0: i32) -> (i32, i32) {
    %c0_i32 = arith.constant 0 : i32
    %c0_i32_0 = arith.constant 0 : i32
    return %arg0, %c0_i32 : i32, i32
  }
  func.func @transform_2(%arg0: i32) -> (i32, i32) {
    %c0_i32 = arith.constant 0 : i32
    %c0_i32_0 = arith.constant 0 : i32
    %c0_i32_1 = arith.constant 0 : i32
    return %c0_i32, %c0_i32_0 : i32, i32
  }
  func.func @transform_3(%arg0: i32) -> (i32, i32) {
    %c0_i32 = arith.constant 0 : i32
    %c0_i32_0 = arith.constant 0 : i32
    %c0_i32_1 = arith.constant 0 : i32
    return %c0_i32, %c0_i32_0 : i32, i32
  }
  func.func @transform_4(%arg0: i32) -> (i32, i32) {
    %c0_i32 = arith.constant 0 : i32
    %c0_i32_0 = arith.constant 0 : i32
    %c0_i32_1 = arith.constant 0 : i32
    return %c0_i32, %c0_i32_0 : i32, i32
  }
  func.func @transform_5(%arg0: i32) -> (i32, i32) {
    %c0_i32 = arith.constant 0 : i32
    %c0_i32_0 = arith.constant 0 : i32
    %c0_i32_1 = arith.constant 0 : i32
    return %c0_i32, %c0_i32_0 : i32, i32
  }
  func.func @transform_6(%arg0: i32) -> (i32, i32) {
    %c0_i32 = arith.constant 0 : i32
    %c0_i32_0 = arith.constant 0 : i32
    return %arg0, %c0_i32 : i32, i32
  }
}

module attributes {stable_mosaic.version = 14 : i64} {
  func.func @_gru_mm_body(%arg0: i32, %arg1: memref<2x2000x128xf32, #tpu.memory_space<vmem>>, %arg2: memref<2000x128xf32, #tpu.memory_space<vmem>>, %arg3: memref<128x384xf32, #tpu.memory_space<vmem>>, %arg4: memref<128x384xf32, #tpu.memory_space<vmem>>, %arg5: memref<1x384xf32, #tpu.memory_space<vmem>>, %arg6: memref<1x384xf32, #tpu.memory_space<vmem>>, %arg7: memref<128x128xf32, #tpu.memory_space<vmem>>, %arg8: memref<2000x128xf32, #tpu.memory_space<vmem>>, %arg9: memref<2000x128xf32, #tpu.memory_space<vmem>>) attributes {dimension_semantics = [#tpu.dimension_semantics<arbitrary>], iteration_bounds = array<i64: 5>, scalar_prefetch = 0 : i64, scratch_operands = 0 : i64, tpu.core_type = #tpu.core_type<tc>, window_params = [{transform_indices = @transform_0, window_bounds = array<i64: 2, 2000, 128>}, {transform_indices = @transform_1, window_bounds = array<i64: 2000, 128>}, {pipeline_mode = #tpu.pipeline_mode<synchronous>, transform_indices = @transform_2, window_bounds = array<i64: 128, 384>}, {pipeline_mode = #tpu.pipeline_mode<synchronous>, transform_indices = @transform_3, window_bounds = array<i64: 128, 384>}, {pipeline_mode = #tpu.pipeline_mode<synchronous>, transform_indices = @transform_4, window_bounds = array<i64: 1, 384>}, {pipeline_mode = #tpu.pipeline_mode<synchronous>, transform_indices = @transform_5, window_bounds = array<i64: 1, 384>}, {pipeline_mode = #tpu.pipeline_mode<synchronous>, transform_indices = @transform_6, window_bounds = array<i64: 128, 128>}, {transform_indices = @transform_7, window_bounds = array<i64: 2000, 128>}, {transform_indices = @transform_8, window_bounds = array<i64: 2000, 128>}]} {
    %get3A = arith.constant 0 : index
    %get3A_0 = arith.constant 0 : index
    %get3A_1 = arith.constant 0 : index
    %get3A_2 = vector.load %arg1[%get3A, %get3A_0, %get3A_1] : memref<2x2000x128xf32, #tpu.memory_space<vmem>>, vector<1x2000x128xf32>
    %get3A_3 = vector.shape_cast %get3A_2 : vector<1x2000x128xf32> to vector<2000x128xf32>
    %get3A_4 = arith.constant 1 : index
    %get3A_5 = arith.constant 0 : index
    %get3A_6 = arith.constant 0 : index
    %get3A_7 = vector.load %arg1[%get3A_4, %get3A_5, %get3A_6] : memref<2x2000x128xf32, #tpu.memory_space<vmem>>, vector<1x2000x128xf32>
    %get3A_8 = vector.shape_cast %get3A_7 : vector<1x2000x128xf32> to vector<2000x128xf32>
    %add3A = arith.addf %get3A_3, %get3A_8 : vector<2000x128xf32>
    %get3A_9 = arith.constant 0 : index
    %get3A_10 = arith.constant 0 : index
    %get3A_11 = vector.load %arg2[%get3A_9, %get3A_10] : memref<2000x128xf32, #tpu.memory_space<vmem>>, vector<2000x128xf32>
    %get3A_12 = arith.constant 0 : index
    %get3A_13 = arith.constant 0 : index
    %get3A_14 = vector.load %arg3[%get3A_12, %get3A_13] : memref<128x384xf32, #tpu.memory_space<vmem>>, vector<128x384xf32>
    %dot_general3A = arith.constant dense<0.000000e+00> : vector<2000x384xf32>
    %dot_general3A_15 = tpu.matmul %add3A, %get3A_14, %dot_general3A {dimension_numbers = #tpu.dot_dimension_numbers<[1], [0], [0], [1], [0, 0, 1, 1], [], []>, transpose_lhs_hint = false} : vector<2000x128xf32>, vector<128x384xf32>, vector<2000x384xf32> -> vector<2000x384xf32>
    %get3A_16 = arith.constant 0 : index
    %get3A_17 = arith.constant 0 : index
    %get3A_18 = vector.load %arg5[%get3A_16, %get3A_17] : memref<1x384xf32, #tpu.memory_space<vmem>>, vector<1x384xf32>
    %add3A_19 = vector.broadcast %get3A_18 : vector<1x384xf32> to vector<2000x384xf32>
    %add3A_20 = arith.addf %dot_general3A_15, %add3A_19 : vector<2000x384xf32>
    %get3A_21 = arith.constant 0 : index
    %get3A_22 = arith.constant 0 : index
    %get3A_23 = vector.load %arg4[%get3A_21, %get3A_22] : memref<128x384xf32, #tpu.memory_space<vmem>>, vector<128x384xf32>
    %dot_general3A_24 = arith.constant dense<0.000000e+00> : vector<2000x384xf32>
    %dot_general3A_25 = tpu.matmul %get3A_11, %get3A_23, %dot_general3A_24 {dimension_numbers = #tpu.dot_dimension_numbers<[1], [0], [0], [1], [0, 0, 1, 1], [], []>, transpose_lhs_hint = false} : vector<2000x128xf32>, vector<128x384xf32>, vector<2000x384xf32> -> vector<2000x384xf32>
    %get3A_26 = arith.constant 0 : index
    %get3A_27 = arith.constant 0 : index
    %get3A_28 = vector.load %arg6[%get3A_26, %get3A_27] : memref<1x384xf32, #tpu.memory_space<vmem>>, vector<1x384xf32>
    %add3A_29 = vector.broadcast %get3A_28 : vector<1x384xf32> to vector<2000x384xf32>
    %add3A_30 = arith.addf %dot_general3A_25, %add3A_29 : vector<2000x384xf32>
    %slice3A = vector.extract_strided_slice %add3A_20 {offsets = [0, 0], sizes = [2000, 128], strides = [1, 1]} : vector<2000x384xf32> to vector<2000x128xf32>
    %slice3A_31 = vector.extract_strided_slice %add3A_30 {offsets = [0, 0], sizes = [2000, 128], strides = [1, 1]} : vector<2000x384xf32> to vector<2000x128xf32>
    %add3A_32 = arith.addf %slice3A, %slice3A_31 : vector<2000x128xf32>
    %logistic3A = arith.negf %add3A_32 : vector<2000x128xf32>
    %logistic3A_33 = math.exp %logistic3A : vector<2000x128xf32>
    %logistic3A_34 = arith.constant 1.000000e+00 : f32
    %logistic3A_35 = vector.broadcast %logistic3A_34 : f32 to vector<2000x128xf32>
    %logistic3A_36 = arith.addf %logistic3A_35, %logistic3A_33 : vector<2000x128xf32>
    %logistic3A_37 = arith.divf %logistic3A_35, %logistic3A_36 : vector<2000x128xf32>
    %slice3A_38 = vector.extract_strided_slice %add3A_20 {offsets = [0, 128], sizes = [2000, 128], strides = [1, 1]} : vector<2000x384xf32> to vector<2000x128xf32>
    %slice3A_39 = vector.extract_strided_slice %add3A_30 {offsets = [0, 128], sizes = [2000, 128], strides = [1, 1]} : vector<2000x384xf32> to vector<2000x128xf32>
    %add3A_40 = arith.addf %slice3A_38, %slice3A_39 : vector<2000x128xf32>
    %logistic3A_41 = arith.negf %add3A_40 : vector<2000x128xf32>
    %logistic3A_42 = math.exp %logistic3A_41 : vector<2000x128xf32>
    %logistic3A_43 = arith.constant 1.000000e+00 : f32
    %logistic3A_44 = vector.broadcast %logistic3A_43 : f32 to vector<2000x128xf32>
    %logistic3A_45 = arith.addf %logistic3A_44, %logistic3A_42 : vector<2000x128xf32>
    %logistic3A_46 = arith.divf %logistic3A_44, %logistic3A_45 : vector<2000x128xf32>
    %slice3A_47 = vector.extract_strided_slice %add3A_20 {offsets = [0, 256], sizes = [2000, 128], strides = [1, 1]} : vector<2000x384xf32> to vector<2000x128xf32>
    %slice3A_48 = vector.extract_strided_slice %add3A_30 {offsets = [0, 256], sizes = [2000, 128], strides = [1, 1]} : vector<2000x384xf32> to vector<2000x128xf32>
    %mul3A = arith.mulf %logistic3A_37, %slice3A_48 : vector<2000x128xf32>
    %add3A_49 = arith.addf %slice3A_47, %mul3A : vector<2000x128xf32>
    %tanh3A = math.tanh %add3A_49 : vector<2000x128xf32>
    %sub3A = arith.constant 1.000000e+00 : f32
    %sub3A_50 = vector.broadcast %sub3A : f32 to vector<2000x128xf32>
    %sub3A_51 = arith.subf %sub3A_50, %logistic3A_46 : vector<2000x128xf32>
    %mul3A_52 = arith.mulf %sub3A_51, %tanh3A : vector<2000x128xf32>
    %mul3A_53 = arith.mulf %logistic3A_46, %get3A_11 : vector<2000x128xf32>
    %add3A_54 = arith.addf %mul3A_52, %mul3A_53 : vector<2000x128xf32>
    %swap3A = arith.constant 0 : index
    %swap3A_55 = arith.constant 0 : index
    %swap3A_56 = vector.load %arg8[%swap3A, %swap3A_55] : memref<2000x128xf32, #tpu.memory_space<vmem>>, vector<2000x128xf32>
    tpu.vector_store %arg8[%swap3A, %swap3A_55], %add3A_54 {strides = array<i32>} : memref<2000x128xf32, #tpu.memory_space<vmem>>, vector<2000x128xf32>,
    %get3A_57 = arith.constant 0 : index
    %get3A_58 = arith.constant 0 : index
    %get3A_59 = vector.load %arg7[%get3A_57, %get3A_58] : memref<128x128xf32, #tpu.memory_space<vmem>>, vector<128x128xf32>
    %dot_general3A_60 = arith.constant dense<0.000000e+00> : vector<2000x128xf32>
    %dot_general3A_61 = tpu.matmul %add3A_54, %get3A_59, %dot_general3A_60 {dimension_numbers = #tpu.dot_dimension_numbers<[1], [0], [0], [1], [0, 0, 1, 1], [], []>, transpose_lhs_hint = false} : vector<2000x128xf32>, vector<128x128xf32>, vector<2000x128xf32> -> vector<2000x128xf32>
    %swap3A_62 = arith.constant 0 : index
    %swap3A_63 = arith.constant 0 : index
    %swap3A_64 = vector.load %arg9[%swap3A_62, %swap3A_63] : memref<2000x128xf32, #tpu.memory_space<vmem>>, vector<2000x128xf32>
    tpu.vector_store %arg9[%swap3A_62, %swap3A_63], %dot_general3A_61 {strides = array<i32>} : memref<2000x128xf32, #tpu.memory_space<vmem>>, vector<2000x128xf32>,
    return
  }
  func.func @transform_0(%arg0: i32) -> (i32, i32, i32) {
    %c0_i32 = arith.constant 0 : i32
    %c0_i32_0 = arith.constant 0 : i32
    %c0_i32_1 = arith.constant 0 : i32
    return %c0_i32, %arg0, %c0_i32_0 : i32, i32, i32
  }
  func.func @transform_1(%arg0: i32) -> (i32, i32) {
    %c0_i32 = arith.constant 0 : i32
    %c0_i32_0 = arith.constant 0 : i32
    return %arg0, %c0_i32 : i32, i32
  }
  func.func @transform_2(%arg0: i32) -> (i32, i32) {
    %c0_i32 = arith.constant 0 : i32
    %c0_i32_0 = arith.constant 0 : i32
    %c0_i32_1 = arith.constant 0 : i32
    return %c0_i32, %c0_i32_0 : i32, i32
  }
  func.func @transform_3(%arg0: i32) -> (i32, i32) {
    %c0_i32 = arith.constant 0 : i32
    %c0_i32_0 = arith.constant 0 : i32
    %c0_i32_1 = arith.constant 0 : i32
    return %c0_i32, %c0_i32_0 : i32, i32
  }
  func.func @transform_4(%arg0: i32) -> (i32, i32) {
    %c0_i32 = arith.constant 0 : i32
    %c0_i32_0 = arith.constant 0 : i32
    %c0_i32_1 = arith.constant 0 : i32
    return %c0_i32, %c0_i32_0 : i32, i32
  }
  func.func @transform_5(%arg0: i32) -> (i32, i32) {
    %c0_i32 = arith.constant 0 : i32
    %c0_i32_0 = arith.constant 0 : i32
    %c0_i32_1 = arith.constant 0 : i32
    return %c0_i32, %c0_i32_0 : i32, i32
  }
  func.func @transform_6(%arg0: i32) -> (i32, i32) {
    %c0_i32 = arith.constant 0 : i32
    %c0_i32_0 = arith.constant 0 : i32
    %c0_i32_1 = arith.constant 0 : i32
    return %c0_i32, %c0_i32_0 : i32, i32
  }
  func.func @transform_7(%arg0: i32) -> (i32, i32) {
    %c0_i32 = arith.constant 0 : i32
    %c0_i32_0 = arith.constant 0 : i32
    return %arg0, %c0_i32 : i32, i32
  }
  func.func @transform_8(%arg0: i32) -> (i32, i32) {
    %c0_i32 = arith.constant 0 : i32
    %c0_i32_0 = arith.constant 0 : i32
    return %arg0, %c0_i32 : i32, i32
  }
}

</mosaic_0001>

<sc_bundles>
// kernel: kernel.10.cloned.1.call-start
scs
__scs_entry_jumppad:
0x0: {  	(pc) =	sbr.rel $0x88, $3  }
0x1: {  	(tag) =	ssettag $0x0;
	lr =	simm.s32 $0x1  }
0x2: {  	[smem:$0x3F99] =	sst lr;
	_ =	strace $0xD0000000  }
0x3: {  	_ = 	snop  }
0x4: {  	_ = 	snop  }
0x5: {  	_ = 	snop  }
0x6: {  	_ = 	snop  }
0x7: {  	_ = 	snop  }
__scs_overlays_trampoline_lowered:
0x8: {  	[smem:$0x3FA8] =	sst s0  }
0x9: {  	[smem:$0x3FA9] =	sst s1  }
0xa: {  	[smem:$0x3FAA] =	sst s2  }
0xb: {  	[smem:$0x3FAB] =	sst s3  }
0xc: {  	[smem:$0x3FAC] =	sst s4  }
0xd: {  	[smem:$0x3FAD] =	sst s5  }
0xe: {  	[smem:$0x3FAE] =	sst s6  }
0xf: {  	[smem:$0x3FAF] =	sst s7  }
0x10: {  	[smem:$0x3FB0] =	sst s8  }
0x11: {  	[smem:$0x3FB1] =	sst s9;
	s0 =	simm.s32 @!p0 $0x0  }
0x12: {  	s1 =	sld [smem:$0x3F97];
	s0 =	simm.s32 @p0 $0x1  }
0x13: {  	[smem:$0x3FB2] =	sst s0;
	s0 =	simm.s32 @!p1 $0x0  }
0x14: {  	s2 =	sld [smem:$0x3F96];
	s0 =	simm.s32 @p1 $0x1  }
0x15: {  	[smem:$0x3FB3] =	sst s0;
	s0 =	simm.s32 @!p2 $0x0  }
0x16: {  	s3 =	sld [smem:$0x3FDB];
	s0 =	simm.s32 @p2 $0x1  }
0x17: {  	s4 =	simm.s32 $0x1BF5;
	[smem:$0x3FB5] =	sst s0  }
0x18: {  	s0 =	sld [smem:$0x3F98];
	_ =	swait.ge [sflag:s4], $0x0  }
0x19: {  	s7 =	sld [smem:$0x3F99]  }
0x1a: {  	s8 =	sadd.s32 $0xFFFFE003, lr  }
0x1b: {  	s9 =	sadd.s32 $0xFFFFFEF7, lr;
	s5 =	simm.s32 $0xFFFFFFFF;
	p2 =	slt.u32 s8, $0xFFFFF086  }
0x1c: {  	p1 =	slt.u32 s9, $0xF7A;
	s5 =	simm.s32 @!p2 $0x0  }
0x1d: {  	s5 =	simm.s32 @p1 $0x1;
	p0 =	seq.s32 s7, s2  }
0x1e: {  	s7 =	smul.u32 @!p0 $0xF7A, s2;
	p2 =	seq.s32 @!p0 s5, $0x0  }
0x1f: {  	s9 =	smul.u32 $0xF7A, s1;
	s8 =	simm.s32 @!p0 $0x1BF5;
	p2 =	por !p2, p0  }
0x20: {  	[sflag:s8] =	ssyncset.s32 @!p0 $0xFFFFF086;
	s6 =	sadd.s32 @!p0 s3, s7;
	s7 =	simm.s32 @!p0 $0x108  }
0x21: {  	s3 =	sadd.s32 s3, s9;
	s6 =	sadd.s32 @!p0 $0x88, s6;
	s7 =	simm.s32 @p2 $0x1082  }
0x22: {  	[simem:s7], [sflag:s8] =	dma.local @!p0 [hbm:s6], $0xF7A  }
0x23: {  	s9 =	sor.u32 $0xD0000000, s2;
	s6 =	simm.s32 $0x108;
	_ =	swait.ge @!p0 [sflag:s8], $0x0  }
0x24: {  	s3 =	sadd.s32 $0x88, s3;
	s6 =	simm.s32 @!p1 $0x1082;
	[sflag:s4] =	ssyncset.s32 $0xFFFFF086  }
0x25: {  	[simem:s6], [sflag:s4] =	dma.local [hbm:s3], $0xF7A  }
0x26: {  	[smem:$0x3F99] =	sst s1;
	(tag) =	ssettag s2;
	_ =	strace s9  }
0x27: {  	s1 =	sld [smem:$0x3FA9]  }
0x28: {  	s2 =	sld [smem:$0x3FAA]  }
0x29: {  	s4 =	sld [smem:$0x3FAC]  }
0x2a: {  	p0 =	seq.s32 s5, $0x0;
	s5 =	sld [smem:$0x3FAD]  }
0x2b: {  	s6 =	sld [smem:$0x3FAE]  }
0x2c: {  	s7 =	sld [smem:$0x3FAF]  }
0x2d: {  	s3 =	simm.s32 $0x108;
	s8 =	sld [smem:$0x3FB0]  }
0x2e: {  	s3 =	simm.s32 @!p0 $0x1082;
	s9 =	sld [smem:$0x3FB1]  }
0x2f: {  	lr =	sadd.s32 s0, s3;
	s0 =	sld [smem:$0x3FA8]  }
0x30: {  	s3 =	sld [smem:$0x3FAB]  }
0x31: {  	[smem:$0x3FB4] =	sst s10  }
0x32: {  	s10 =	sld [smem:$0x3FB2];
	_ =	sdelay $0x3  }
0x33: {  	p0 =	seq.s32 s10, $0x1;
	s10 =	sld [smem:$0x3FB4];
	_ =	sdelay $0x3  }
0x34: {  	[smem:$0x3FB4] =	sst s10  }
0x35: {  	s10 =	sld [smem:$0x3FB3];
	_ =	sdelay $0x3  }
0x36: {  	p1 =	seq.s32 s10, $0x1;
	s10 =	sld [smem:$0x3FB4];
	_ =	sdelay $0x3  }
0x37: {  	[smem:$0x3FB4] =	sst s10  }
0x38: {  	s10 =	sld [smem:$0x3FB5]  }
0x39: {  	_ = 	snop;
	(pc) =	sbr.ind lr, $3  }
0x3a: {  	_ = 	snop  }
0x3b: {  	_ = 	snop  }
0x3c: {  	p2 =	seq.s32 s10, $0x1;
	s10 =	sld [smem:$0x3FB4]  }
0x3d: {  	_ =	shalt  }
0x3e: {  	_ =	shalt  }
0x3f: {  	_ =	shalt  }
0x40: {  	_ =	shalt  }
0x41: {  	_ =	shalt  }
0x42: {  	_ =	shalt  }
0x43: {  	_ =	shalt  }
0x44: {  	_ =	shalt  }
0x45: {  	_ =	shalt  }
0x46: {  	_ =	shalt  }
0x47: {  	_ =	shalt  }
0x48: {  	_ =	shalt  }
0x49: {  	_ =	shalt  }
0x4a: {  	_ =	shalt  }
0x4b: {  	_ =	shalt  }
0x4c: {  	_ =	shalt  }
0x4d: {  	_ =	shalt  }
0x4e: {  	_ =	shalt  }
0x4f: {  	_ =	shalt  }
0x50: {  	_ =	shalt  }
0x51: {  	_ =	shalt  }
0x52: {  	_ =	shalt  }
0x53: {  	_ =	shalt  }
0x54: {  	_ =	shalt  }
0x55: {  	_ =	shalt  }
0x56: {  	_ =	shalt  }
0x57: {  	_ =	shalt  }
0x58: {  	_ =	shalt  }
0x59: {  	_ =	shalt  }
0x5a: {  	_ =	shalt  }
0x5b: {  	_ =	shalt  }
0x5c: {  	_ =	shalt  }
0x5d: {  	_ =	shalt  }
0x5e: {  	_ =	shalt  }
0x5f: {  	_ =	shalt  }
0x60: {  	_ =	shalt  }
0x61: {  	_ =	shalt  }
0x62: {  	_ =	shalt  }
0x63: {  	_ =	shalt  }
0x64: {  	_ =	shalt  }
0x65: {  	_ =	shalt  }
0x66: {  	_ =	shalt  }
0x67: {  	_ =	shalt  }
0x68: {  	_ =	shalt  }
0x69: {  	_ =	shalt  }
0x6a: {  	_ =	shalt  }
0x6b: {  	_ =	shalt  }
0x6c: {  	_ =	shalt  }
0x6d: {  	_ =	shalt  }
0x6e: {  	_ =	shalt  }
0x6f: {  	_ =	shalt  }
0x70: {  	_ =	shalt  }
0x71: {  	_ =	shalt  }
0x72: {  	_ =	shalt  }
0x73: {  	_ =	shalt  }
0x74: {  	_ =	shalt  }
0x75: {  	_ =	shalt  }
0x76: {  	_ =	shalt  }
0x77: {  	_ =	shalt  }
0x78: {  	_ =	shalt  }
0x79: {  	_ =	shalt  }
0x7a: {  	_ =	shalt  }
0x7b: {  	_ =	shalt  }
0x7c: {  	_ =	shalt  }
0x7d: {  	_ =	shalt  }
0x7e: {  	_ =	shalt  }
0x7f: {  	_ =	shalt  }
0x80: {  	_ =	shalt  }
0x81: {  	_ =	shalt  }
0x82: {  	_ =	shalt  }
0x83: {  	_ =	shalt  }
0x84: {  	_ =	shalt  }
0x85: {  	_ =	shalt  }
0x86: {  	_ =	shalt  }
0x87: {  	_ =	shalt  }
.Lfunc_end0:
.L_simem_size_0:
called_computation_lowered:
.L_overlay_start_0:
0x88: {  	s2 =	sld [smem:$0x3FD9]  }
0x89: {  	s3 =	sld [smem:$0x3FFE];
	_ =	sdelay $0x1  }
0x8a: {  	s1 =	srdreg.scid  }
0x8b: {  	s0 =	sand.u32 $0x1, s1  }
0x8c: {  	s17 =	sshll.u32 s0, $0xA;
	s2 =	sadd.s32 s3, s2  }
0x8d: {  	s2 =	sadd.s32 s2, s17  }
0x8e: {  	[smem:$0x3FC0] =	sst s2  }
0x8f: {  	_ = 	snop  }
0x90: {  	s2 =	sld [smem:$0x3FD0];
	(tm) =	ssettm $0x1  }
0x91: {  	s18 =	sld [smem:$0x3FFB];
	_ =	sdelay $0x3  }
0x92: {  	_ =	strace s18  }
0x93: {  	s3 =	sld [smem:$0x3FFC];
	_ =	sdelay $0x3  }
0x94: {  	_ =	strace s3  }
0x95: {  	s3 =	sld [smem:$0x3FFD];
	_ =	sdelay $0x3  }
0x96: {  	_ =	strace s3  }
0x97: {  	_ =	strace $0x8FFFFFFF  }
0x98: {  	s19 =	sld [smem:$0x3FDB];
	_ =	sdelay $0x1  }
0x99: {  	s4 =	simm.s32 $_scs_section_size  }
0x9a: {  	s5 =	simm.s32 $_size__tile_overlayer_lowered;
	s6 =	simm.s32 $_tile_overlayer_lowered  }
0x9b: {  	s22 =	simm.s32 $0x1BFF;
	s21 =	sshll.u32 s6, $0x1;
	s3 =	sadd.s32 s4, s19  }
0x9c: {  	s7 =	simm.s32 $0x0;
	s20 =	sshll.u32 s5, $0x1;
	s5 =	sadd.s32 s21, s3  }
0x9d: {  	[timem:s7], [sflag:s22] =	dma.local [hbm:s5], s20  }
0x9e: {  	_ =	swait.ge [sflag:s22], s20  }
0x9f: {  	s4 =	ssub.s32 $0x0, s20;
	[sflag:s22] =	ssyncset.done $0x0  }
0xa0: {  	[sflag:s22] =	ssyncadd.s32 s4;
	_ =	sdelay $0x1  }
0xa1: {  	s23 =	simm.s32 $0x1B8B  }
0xa2: {  	_ =	swait.ge [sflag:s23], $0x1  }
0xa3: {  	[sflag:s23] =	ssyncset.done $0x0  }
0xa4: {  	s25 =	simm.s32 $0x1B8E;
	s24 =	sld [smem:$0x3FFE];
	[sflag:s23] =	ssyncadd.s32 $0xFFFFFFFF  }
0xa5: {  	s26 =	simm.s32 $execute0_lowered;
	[smem:$0x3FD2] =	sst s25  }
0xa6: {  	s5 =	sshll.u32 s26, $0x1;
	_ =	strace $0x80000046;
	[dreg:$0x1] =	wrdreg $0xFFFFFFFF  }
0xa7: {  	s28 =	simm.s32 $_size_execute0_lowered;
	s3 =	sadd.s32 s3, s5;
	[dreg:$0x0] =	wrdreg $0x0  }
0xa8: {  	s5 =	sshll.u32 s28, $0x1;
	[dreg:$0x2] =	wrdreg s3  }
0xa9: {  	[dreg:$0x3] =	wrdreg s5  }
0xaa: {  	[dreg:$0x4] =	wrdreg $0xC0  }
0xab: {  	_ =	task [dreg:s7], $0x5FFFF  }
0xac: {  	[dreg:$0x1] =	wrdreg $0xFFFFFFFF  }
0xad: {  	[dreg:$0x0] =	wrdreg $0x60  }
0xae: {  	[dreg:$0x2] =	wrdreg s24  }
0xaf: {  	[dreg:$0x3] =	wrdreg s2  }
0xb0: {  	[dreg:$0x4] =	wrdreg $0xB0000  }
0xb1: {  	[dreg:$0x5] =	wrdreg $0x9  }
0xb2: {  	_ =	task.clear_ibuf [dreg:s7], $0x6FFFF;
	_ =	strace $0x90000046  }
0xb3: {  	s29 =	simm.s32 $0x9;
	_ =	strace $0x80000048  }
0xb4: {  	_ =	swait.ge [sflag:s29], $0x1  }
0xb5: {  	[sflag:s29] =	ssyncadd.s32 $0xFFFFFFFF  }
0xb6: {  	_ =	strace $0x90000048  }
0xb7: {  	_ =	sfence  }
0xb8: {  	s30 =	sld [smem:$0x0];
	_ =	sdelay $0x2  }
0xb9: {  	s31 =	sshll.u32 s1, $0xD;
	s1 =	sshrl.u32 s1, $0x2  }
0xba: {  	s3 =	sand.u32 $0x4000, s31;
	s1 =	sadd.s32 s1, s30  }
0xbb: {  	s0 =	sor.u32 s3, s0;
	s1 =	sshll.u32 s1, $0x11  }
0xbc: {  	s0 =	sor.u32 s1, s0  }
0xbd: {  	s0 =	sadd.s32 $0x8F2B, s0  }
0xbe: {  	[sflag:s0] =	ssyncadd.remote.s32 $0x1  }
0xbf: {  	_ =	sfence.sel $0xFFFF  }
0xc0: {  	[dreg:$0x0] =	wrdreg $0xFFFFFFFF;
	(pc) =	sbr.abs _section_cstart, $3  }
0xc1: {  	[dreg:$0x1] =	wrdreg $0xFFFFFFFF  }
0xc2: {  	_ =	task.clear_ibuf [dreg:s7], $0x2FFFF;
	_ =	strace $0x9FFFFFFF  }
0xc3: {  	(tm) =	ssettm $0x7FFFFFFF  }
tec
execute0_lowered:
.L_overlay_start_1:
0x0: {  	(tag) =	ssettag $0x1  }
0x1: {  	s0 =	rddreg [dreg:$0x0];
	s1 =	srdreg.scid  }
0x2: {  	s12 =	stileid.u32;
	s3 =	rddreg [dreg:$0x2];
	s4 =	simm.s32 $0x0  }
0x3: {  	s15 =	simm.s32 $0x3;
	s18 =	simm.s32 $0x80;
	s19 =	simm.s32 $0x3000  }
0x4: {  	s21 =	simm.s32 $0x7000;
	s22 =	simm.s32 $0x1;
	s23 =	simm.s32 $0x2  }
0x5: {  	s1 =	sand.u32 $0x1, s1;
	s2 =	sshll.u32 s12, $0x1;
	s8 =	smul.u32 $0x4F000, s12  }
0x6: {  	[smem:$0x7FF] =	sst s4;
	s5 =	sadd.s32 $0x1D800, s0;
	s17 =	smul.u32 $0x2780, s12  }
0x7: {  	s26 =	sshll.u32 s12, $0x6;
	s2 =	sor.u32 s1, s2;
	s6 =	smul.u32 $0x27800, s1  }
0x8: {  	_ =	strace $0x80000047;
	s7 =	ssub.s32 $0x2, s1;
	p0 =	seq.s32 s1, $0x0  }
0x9: {  	s2 =	smul.u32 $0x680, s2;
	s9 =	sshrl.u32 s7, $0x1;
	s25 =	sshrl.u32 s8, $0x2  }
0xa: {  	s11 =	ssub.s32 s7, s9;
	s28 =	sadd.s32 s25, s3;
	s7 =	sor.u32 $0x1C03, s26  }
0xb: {  	s25 =	simm.s32 $0x0;
	s2 =	sadd.s32 s2, s0;
	s0 =	sadd.s32 s6, s0  }
0xc: {  	s6 =	simm.s32 $0x30;
	s31 =	smax.u32 s11, $0x1;
	s13 =	sshrl.u32 s28, $0x3  }
0xd: {  	[dreg:$0x4] =	wrdreg s7;
	s6 =	simm.s32 @!p0 $0x20;
	s8 =	sadd.s32 $0x10800, s2  }
0xe: {  	s0 =	sadd.s32 $0x44A00, s0;
	[dreg:$0x6] =	wrdreg s31;
	s30 =	sshll.u32 s6, $0x4  }
0xf: {  	s29 =	sshrl.u32 s6, $0x1;
	s0 =	sadd.s32 s17, s0;
	[dreg:$0x5] =	wrdreg s30  }
0x10: {  	s24 =	sadd.s32 $0x3800, s2;
	s12 =	sadd.s32 $0xFFFFFFFF, s29;
	[dreg:$0x7] =	wrdreg s0  }
.LBB2_1:
0x11: {  	s0 =	rddreg [dreg:$0x1]  }
0x12: {  	[spmem:s13], [sflag:s7] =	dma.local [hbm:s0], $0x2780  }
0x13: {  	_ =	swait.ge [sflag:s15], $0x2780  }
0x14: {  	[sflag:s15] =	ssyncset.done $0x0  }
0x15: {  	[sflag:s15] =	ssyncadd.s32 $0xFFFFD880  }
0x16: {  	[bflag:$0x0] =	sbarrier.arrive $0xFFFF  }
0x17: {  	[tilespmem:s4], [sflag:$0x3] =	stream.linear.gather [hbm4b:s8+s4], $0x1800, $0x38;
	[tilespmem:$0x1EC00] =	vst v63  }
0x18: {  	_ =	swait.ge [sflag:s15], $0x1800  }
0x19: {  	[sflag:s15] =	ssyncset.done $0x0  }
0x1a: {  	s31 =	simm.s32 $0x1800;
	p1 =	sne.s32 s12, $0x1;
	[sflag:s15] =	ssyncadd.s32 $0xFFFFE800  }
0x1b: {  	[tilespmem:s31], [sflag:$0x3] =	stream.linear.gather [hbm4b:s24+s4], $0x1800, $0x38;
	[tilespmem:$0x1EC00] =	vst v63  }
.Ltmp0:
0x1c: {  	_ = 	snop;
	(pc) =	sbr.rel @!p1 .LBB2_2-.Ltmp0, $4  }
0x1d: {  	_ =	swait.ge [sflag:s15], $0x1800  }
0x1e: {  	s30 =	simm.s32 $0x100;
	[sflag:s15] =	ssyncset.done $0x0  }
0x1f: {  	s26 =	simm.s32 $0x1880;
	p0 =	por $0x0, $0x0;
	[sflag:s15] =	ssyncadd.s32 $0xFFFFE800  }
0x20: {  	[tilespmem:s19], [sflag:$0x1] =	stream.indirect.gather [hbm4b:s5+s18], $0x80, s4, s18, $0xb8;
	[tilespmem:$0x1EC00] =	vst v63  }
0x21: {  	s0 =	simm.s32 $0x80  }
0x22: {  	[tilespmem:s21], [sflag:$0x2] =	stream.indirect.gather [hbm4b:s5+s18], $0x80, s0, s18, $0xb8;
	[tilespmem:$0x1EC00] =	vst v63  }
0x23: {  	_ =	swait.ge [sflag:s22], $0x4000  }
0x24: {  	[sflag:s22] =	ssyncset.done $0x0  }
0x25: {  	s31 =	simm.s32 $0x1800;
	[sflag:s22] =	ssyncadd.s32 $0xFFFFC000  }
0x26: {  	[spmem:s3] =	stream.indirect.scatter.add.f32 [tilespmem:s19], [sflag:$0x3], $0x80, s31, s18, $0xb8;
	[tilespmem:$0x1EC00] =	vst v63  }
0x27: {  	_ =	swait.ge [sflag:s15], $0x4000  }
0x28: {  	p0 =	sle.u32 s6, $0x2;
	[sflag:s15] =	ssyncset.done $0x0  }
0x29: {  	s0 =	simm.s32 @!p0 $0x80;
	s1 =	simm.s32 @!p0 $0x3000;
	[sflag:s15] =	ssyncadd.s32 $0xFFFFC000  }
0x2a: {  	[tilespmem:s1], [sflag:$0x1] =	stream.indirect.gather @!p0 [hbm4b:s5+s0], $0x80, s30, s0, $0xb8;
	[tilespmem:$0x1EC00] =	vst v63  }
0x2b: {  	p1 =	sne.s32 s12, $0x2;
	_ =	swait.ge [sflag:s23], $0x4000  }
.Ltmp1:
0x2c: {  	[sflag:s23] =	ssyncset.done $0x0;
	(pc) =	sbr.rel @!p1 .LBB2_6-.Ltmp1, $4  }
0x2d: {  	s2 =	simm.s32 $0x2;
	s0 =	simm.s32 $0x2;
	[sflag:s23] =	ssyncadd.s32 $0xFFFFC000  }
0x2e: {  	[spmem:s3] =	stream.indirect.scatter.add.f32 [tilespmem:s21], [sflag:$0x3], $0x80, s26, s18, $0xb8;
	[tilespmem:$0x1EC00] =	vst v63  }
0x2f: {  	s30 =	simm.s32 $0x200;
	s1 =	simm.s32 $0x4;
	_ =	swait.ge [sflag:s15], $0x4000  }
0x30: {  	p0 =	por $0x1, $0x1;
	s26 =	simm.s32 $0x1980;
	[sflag:s15] =	ssyncset.done $0x0  }
.LBB2_4:
0x31: {  	s0 =	sadd.s32 $0x1, s0;
	s11 =	sadd.s32 $0xFFFFFF80, s30;
	[sflag:s15] =	ssyncadd.s32 $0xFFFFC000  }
0x32: {  	[tilespmem:s21], [sflag:$0x2] =	stream.indirect.gather [hbm4b:s5+s18], $0x80, s11, s18, $0xb8;
	[tilespmem:$0x1EC00] =	vst v63  }
0x33: {  	p1 =	sne.s32 s12, s0;
	_ =	swait.ge [sflag:s22], $0x4000  }
0x34: {  	[sflag:s22] =	ssyncset.done $0x0  }
0x35: {  	s11 =	sadd.s32 $0xFFFFFF80, s26;
	[sflag:s22] =	ssyncadd.s32 $0xFFFFC000  }
0x36: {  	[spmem:s3] =	stream.indirect.scatter.add.f32 [tilespmem:s19], [sflag:$0x3], $0x80, s11, s18, $0xb8;
	[tilespmem:$0x1EC00] =	vst v63  }
0x37: {  	_ =	swait.ge [sflag:s15], $0x4000  }
0x38: {  	p2 =	sge.u32 s1, s6;
	[sflag:s15] =	ssyncset.done $0x0  }
0x39: {  	s14 =	simm.s32 @!p2 $0x3000;
	s11 =	simm.s32 @!p2 $0x80;
	[sflag:s15] =	ssyncadd.s32 $0xFFFFC000  }
0x3a: {  	[tilespmem:s14], [sflag:$0x1] =	stream.indirect.gather @!p2 [hbm4b:s5+s11], $0x80, s30, s11, $0xb8;
	[tilespmem:$0x1EC00] =	vst v63  }
0x3b: {  	_ =	swait.ge [sflag:s23], $0x4000  }
.Ltmp2:
0x3c: {  	s16 =	sadd.s32 $0x1, s2;
	[sflag:s23] =	ssyncset.done $0x0;
	(pc) =	sbr.rel @p1 .LBB2_4-.Ltmp2, $4  }
0x3d: {  	s20 =	sadd.s32 $0x100, s30;
	s1 =	sadd.s32 $0x2, s1;
	[sflag:s23] =	ssyncadd.s32 $0xFFFFC000  }
0x3e: {  	[spmem:s3] =	stream.indirect.scatter.add.f32 [tilespmem:s21], [sflag:$0x3], $0x80, s26, s18, $0xb8;
	[tilespmem:$0x1EC00] =	vst v63  }
0x3f: {  	s2 =	smov.u32 s16;
	s14 =	sadd.s32 $0x100, s26;
	_ =	swait.ge [sflag:s15], $0x4000  }
0x40: {  	s30 =	smov.u32 s20;
	s26 =	smov.u32 s14;
	[sflag:s15] =	ssyncset.done $0x0  }
0x41: {  	s30 =	smov.u32 s20;
	s26 =	smov.u32 s14  }
.LBB2_6:
0x42: {  	s0 =	sadd.s32 $0xFFFFFF80, s30;
	[sflag:s15] =	ssyncadd.s32 @p0 $0xFFFFC000  }
0x43: {  	[tilespmem:s21], [sflag:$0x2] =	stream.indirect.gather [hbm4b:s5+s18], $0x80, s0, s18, $0xb8;
	[tilespmem:$0x1EC00] =	vst v63  }
0x44: {  	_ =	swait.ge [sflag:s22], $0x4000  }
0x45: {  	[sflag:s22] =	ssyncset.done $0x0  }
0x46: {  	s9 =	sadd.s32 $0xFFFFFF80, s26;
	[sflag:s22] =	ssyncadd.s32 $0xFFFFC000  }
0x47: {  	[spmem:s3] =	stream.indirect.scatter.add.f32 [tilespmem:s19], [sflag:$0x3], $0x80, s9, s18, $0xb8;
	[tilespmem:$0x1EC00] =	vst v63  }
0x48: {  	_ =	swait.ge [sflag:s15], $0x4000  }
0x49: {  	p0 =	sge.u32 s1, s6;
	[sflag:s15] =	ssyncset.done $0x0  }
0x4a: {  	s0 =	simm.s32 @!p0 $0x80;
	s2 =	simm.s32 @!p0 $0x3000;
	[sflag:s15] =	ssyncadd.s32 $0xFFFFC000  }
0x4b: {  	[tilespmem:s2], [sflag:$0x1] =	stream.indirect.gather @!p0 [hbm4b:s5+s0], $0x80, s30, s0, $0xb8;
	[tilespmem:$0x1EC00] =	vst v63  }
0x4c: {  	_ =	swait.ge [sflag:s23], $0x4000  }
0x4d: {  	[sflag:s23] =	ssyncset.done $0x0  }
0x4e: {  	[sflag:s23] =	ssyncadd.s32 $0xFFFFC000  }
0x4f: {  	[spmem:s3] =	stream.indirect.scatter.add.f32 [tilespmem:s21], [sflag:$0x3], $0x80, s26, s18, $0xb8;
	[tilespmem:$0x1EC00] =	vst v63  }
0x50: {  	_ =	swait.ge [sflag:s15], $0x4000  }
0x51: {  	[sflag:s15] =	ssyncset.done $0x0  }
0x52: {  	s28 =	sadd.s32 $0x80, s20;
	[sflag:s15] =	ssyncadd.s32 $0xFFFFC000  }
0x53: {  	[tilespmem:s21], [sflag:$0x2] =	stream.indirect.gather [hbm4b:s5+s18], $0x80, s28, s18, $0xb8;
	[tilespmem:$0x1EC00] =	vst v63  }
0x54: {  	_ =	swait.ge [sflag:s22], $0x4000  }
0x55: {  	[sflag:s22] =	ssyncset.done $0x0  }
0x56: {  	s29 =	sadd.s32 $0x80, s14;
	[sflag:s22] =	ssyncadd.s32 $0xFFFFC000  }
0x57: {  	[spmem:s3] =	stream.indirect.scatter.add.f32 [tilespmem:s19], [sflag:$0x3], $0x80, s29, s18, $0xb8;
	[tilespmem:$0x1EC00] =	vst v63  }
0x58: {  	s10 =	sadd.s32 $0x2, s1;
	s11 =	simm.s32 $0x2;
	_ =	swait.ge [sflag:s15], $0x4000  }
0x59: {  	s30 =	sadd.s32 $0x100, s30;
	p0 =	sge.u32 s10, s6;
	[sflag:s15] =	ssyncset.done $0x0  }
0x5a: {  	s31 =	simm.s32 @!p0 $0x80;
	s1 =	simm.s32 @!p0 $0x3000;
	[sflag:s15] =	ssyncadd.s32 $0xFFFFC000  }
0x5b: {  	[tilespmem:s1], [sflag:$0x1] =	stream.indirect.gather @!p0 [hbm4b:s5+s31], $0x80, s30, s31, $0xb8;
	[tilespmem:$0x1EC00] =	vst v63  }
0x5c: {  	_ =	swait.ge [sflag:s11], $0x4000  }
0x5d: {  	[sflag:s11] =	ssyncset.done $0x0  }
0x5e: {  	s2 =	simm.s32 $0x80;
	s26 =	sadd.s32 $0x100, s26;
	[sflag:s11] =	ssyncadd.s32 $0xFFFFC000  }
0x5f: {  	[spmem:s3] =	stream.indirect.scatter.add.f32 [tilespmem:s21], [sflag:$0x3], $0x80, s26, s2, $0xb8;
	[tilespmem:$0x1EC00] =	vst v63  }
0x60: {  	_ =	swait.ge [sflag:s15], $0x4000  }
0x61: {  	[sflag:s15] =	ssyncset.done $0x0;
	s7 =	rddreg [dreg:$0x5]  }
0x62: {  	[sflag:s15] =	ssyncadd.s32 $0xFFFFC000;
	s17 =	sadd.s32 s7, s8  }
0x63: {  	[tilespmem:s4], [sflag:$0x3] =	stream.linear.gather [hbm4b:s17+s4], $0x1800, $0x38;
	[tilespmem:$0x1EC00] =	vst v63  }
0x64: {  	_ =	swait.ge [sflag:s15], $0x1800  }
0x65: {  	[sflag:s15] =	ssyncset.done $0x0  }
0x66: {  	s0 =	simm.s32 $0x1800;
	s11 =	sadd.s32 s7, s24;
	[sflag:s15] =	ssyncadd.s32 $0xFFFFE800  }
0x67: {  	[tilespmem:s0], [sflag:$0x3] =	stream.linear.gather [hbm4b:s11+s4], $0x1800, $0x38;
	[tilespmem:$0x1EC00] =	vst v63  }
0x68: {  	_ =	swait.ge [sflag:s15], $0x1800  }
0x69: {  	[sflag:s15] =	ssyncset.done $0x0  }
0x6a: {  	[sflag:s15] =	ssyncadd.s32 $0xFFFFE800  }
0x6b: {  	[tilespmem:s19], [sflag:$0x1] =	stream.indirect.gather [hbm4b:s5+s2], $0x80, s4, s2, $0xb8;
	[tilespmem:$0x1EC00] =	vst v63  }
0x6c: {  	_ = 	snop  }
0x6d: {  	[tilespmem:s21], [sflag:$0x2] =	stream.indirect.gather [hbm4b:s5+s18], $0x80, s2, s18, $0xb8;
	[tilespmem:$0x1EC00] =	vst v63  }
0x6e: {  	_ =	swait.ge [sflag:s22], $0x4000  }
0x6f: {  	[sflag:s22] =	ssyncset.done $0x0  }
0x70: {  	[sflag:s22] =	ssyncadd.s32 $0xFFFFC000  }
0x71: {  	[spmem:s3] =	stream.indirect.scatter.add.f32 [tilespmem:s19], [sflag:$0x3], $0x80, s0, s18, $0xb8;
	[tilespmem:$0x1EC00] =	vst v63  }
0x72: {  	p1 =	sle.u32 s6, $0x2;
	_ =	swait.ge [sflag:s15], $0x4000  }
0x73: {  	s17 =	simm.s32 @!p1 $0x3000;
	[sflag:s15] =	ssyncset.done $0x0  }
0x74: {  	s11 =	simm.s32 @!p1 $0x80;
	s2 =	simm.s32 @!p1 $0x100;
	[sflag:s15] =	ssyncadd.s32 $0xFFFFC000  }
0x75: {  	[tilespmem:s17], [sflag:$0x1] =	stream.indirect.gather @!p1 [hbm4b:s5+s11], $0x80, s2, s11, $0xb8;
	[tilespmem:$0x1EC00] =	vst v63  }
0x76: {  	s2 =	sadd.s32 $0xFFFFFFFF, s16  }
0x77: {  	p1 =	sne.s32 s2, $0x0  }
.Ltmp3:
0x78: {  	_ =	swait.ge [sflag:s23], $0x4000;
	(pc) =	sbr.rel @!p1 .LBB2_8-.Ltmp3, $4  }
0x79: {  	s9 =	smov.u32 s8;
	[sflag:s23] =	ssyncset.done $0x0  }
0x7a: {  	s10 =	smov.u32 s24;
	s24 =	simm.s32 $0x1880;
	[sflag:s23] =	ssyncadd.s32 $0xFFFFC000  }
0x7b: {  	[spmem:s3] =	stream.indirect.scatter.add.f32 [tilespmem:s21], [sflag:$0x3], $0x80, s24, s18, $0xb8;
	[tilespmem:$0x1EC00] =	vst v63  }
0x7c: {  	s17 =	simm.s32 $0x180;
	s11 =	simm.s32 $0x4;
	_ =	swait.ge [sflag:s15], $0x4000  }
.LBB2_7:
0x7d: {  	s2 =	sadd.s32 $0xFFFFFFFF, s2;
	[sflag:s15] =	ssyncset.done $0x0;
	s0 =	sadd.s32 $0x100, s0  }
0x7e: {  	p1 =	sne.s32 s2, $0x0;
	[sflag:s15] =	ssyncadd.s32 $0xFFFFC000  }
0x7f: {  	[tilespmem:s21], [sflag:$0x2] =	stream.indirect.gather [hbm4b:s5+s18], $0x80, s17, s18, $0xb8;
	[tilespmem:$0x1EC00] =	vst v63  }
0x80: {  	_ =	swait.ge [sflag:s22], $0x4000  }
0x81: {  	[sflag:s22] =	ssyncset.done $0x0  }
0x82: {  	[sflag:s22] =	ssyncadd.s32 $0xFFFFC000  }
0x83: {  	[spmem:s3] =	stream.indirect.scatter.add.f32 [tilespmem:s19], [sflag:$0x3], $0x80, s0, s18, $0xb8;
	[tilespmem:$0x1EC00] =	vst v63  }
0x84: {  	p2 =	sge.u32 s11, s6;
	_ =	swait.ge [sflag:s15], $0x4000  }
0x85: {  	s24 =	sadd.s32 @!p2 $0x80, s17;
	s7 =	simm.s32 @!p2 $0x80;
	[sflag:s15] =	ssyncset.done $0x0  }
0x86: {  	s8 =	simm.s32 @!p2 $0x3000;
	[sflag:s15] =	ssyncadd.s32 $0xFFFFC000  }
0x87: {  	[tilespmem:s8], [sflag:$0x1] =	stream.indirect.gather @!p2 [hbm4b:s5+s7], $0x80, s24, s7, $0xb8;
	[tilespmem:$0x1EC00] =	vst v63  }
.Ltmp4:
0x88: {  	_ =	swait.ge [sflag:s23], $0x4000;
	(pc) =	sbr.rel @p1 .LBB2_7-.Ltmp4, $4  }
0x89: {  	s7 =	sadd.s32 $0x80, s0;
	[sflag:s23] =	ssyncset.done $0x0  }
0x8a: {  	[sflag:s23] =	ssyncadd.s32 $0xFFFFC000  }
0x8b: {  	[spmem:s3] =	stream.indirect.scatter.add.f32 [tilespmem:s21], [sflag:$0x3], $0x80, s7, s18, $0xb8;
	[tilespmem:$0x1EC00] =	vst v63  }
0x8c: {  	s11 =	sadd.s32 $0x2, s11;
	s17 =	sadd.s32 $0x100, s17;
	_ =	swait.ge [sflag:s15], $0x4000  }
.LBB2_8:
0x8d: {  	[sflag:s15] =	ssyncset.done $0x0  }
0x8e: {  	[sflag:s15] =	ssyncadd.s32 $0xFFFFC000  }
0x8f: {  	[tilespmem:s21], [sflag:$0x2] =	stream.indirect.gather [hbm4b:s5+s18], $0x80, s28, s18, $0xb8;
	[tilespmem:$0x1EC00] =	vst v63  }
0x90: {  	_ =	swait.ge [sflag:s22], $0x4000  }
0x91: {  	[sflag:s22] =	ssyncset.done $0x0  }
0x92: {  	[sflag:s22] =	ssyncadd.s32 $0xFFFFC000  }
0x93: {  	[spmem:s3] =	stream.indirect.scatter.add.f32 [tilespmem:s19], [sflag:$0x3], $0x80, s29, s18, $0xb8;
	[tilespmem:$0x1EC00] =	vst v63  }
0x94: {  	_ =	swait.ge [sflag:s15], $0x4000  }
0x95: {  	[sflag:s15] =	ssyncset.done $0x0  }
0x96: {  	[sflag:s15] =	ssyncadd.s32 $0xFFFFC000  }
0x97: {  	[tilespmem:s1], [sflag:$0x1] =	stream.indirect.gather @!p0 [hbm4b:s5+s31], $0x80, s30, s31, $0xb8;
	[tilespmem:$0x1EC00] =	vst v63  }
0x98: {  	_ =	swait.ge [sflag:s23], $0x4000  }
0x99: {  	[sflag:s23] =	ssyncset.done $0x0  }
0x9a: {  	[sflag:s23] =	ssyncadd.s32 $0xFFFFC000  }
0x9b: {  	[spmem:s3] =	stream.indirect.scatter.add.f32 [tilespmem:s21], [sflag:$0x3], $0x80, s26, s18, $0xb8;
	[tilespmem:$0x1EC00] =	vst v63  }
0x9c: {  	_ =	swait.ge [sflag:s15], $0x4000  }
0x9d: {  	[sflag:s15] =	ssyncset.done $0x0  }
0x9e: {  	[sflag:s15] =	ssyncadd.s32 $0xFFFFC000  }
0x9f: {  	[bflag:$0x0] =	sbarrier.arrive $0xFFFF  }
0xa0: {  	s7 =	rddreg [dreg:$0x4]  }
0xa1: {  	s0 =	rddreg [dreg:$0x7]  }
0xa2: {  	[hbm:s0], [sflag:s7] =	dma.local [spmem:s13], $0x2780  }
0xa3: {  	_ =	swait.ge [sflag:s15], $0x2780  }
0xa4: {  	s25 =	sadd.s32 $0x1, s25;
	s31 =	rddreg [dreg:$0x6]  }
0xa5: {  	p0 =	sne.s32 s25, s31  }
.Ltmp5:
0xa6: {  	_ = 	snop;
	(pc) =	sbr.rel @p0 .LBB2_1-.Ltmp5, $4  }
.Ltmp6:
0xa7: {  	_ = 	snop;
	(pc) =	sbr.rel @!p0 .LBB2_9-.Ltmp6, $4  }
0xa8: {  	_ = 	snop  }
0xa9: {  	[sflag:s15] =	ssyncset.done $0x0  }
0xaa: {  	s8 =	smov.u32 s9;
	s24 =	smov.u32 s10;
	[sflag:s15] =	ssyncadd.s32 $0xFFFFD880  }
0xab: {  	_ = 	snop  }
.LBB2_2:
.Ltmp7:
0xac: {  	(pc) =	sbr.rel .LBB2_6-.Ltmp7, $2  }
0xad: {  	_ =	sdelay $0x2  }
0xae: {  	s1 =	simm.s32 $0x2  }
.LBB2_9:
0xaf: {  	_ =	sfence.sel $0x180000  }
0xb0: {  	[bflag:$0x0] =	sbarrier.arrive $0xFFFF  }
0xb1: {  	_ =	strace $0x90000047  }
0xb2: {  	s0 =	stileid.u32;
	[bflag:$0x2] =	sbarrier.arrive $0xFFFF  }
0xb3: {  	p0 =	sne.s32 s0, $0x0;
	s0 =	rddreg [dreg:$0x3]  }
0xb4: {  	s0 =	sadd.s32 @!p0 $0x100000, s0  }
0xb5: {  	[sflag:s0] =	ssyncadd.tile.s32 @!p0 $0x1;
	_ =	shalt  }
.Lfunc_end2:
_tile_overlayer_lowered:
.L_overlay_start_2:
0xb6: {  	(tag) =	ssettag $0x2  }
0xb7: {  	s0 =	rddreg [dreg:$0x0];
	s2 =	stileid.u32  }
0xb8: {  	s1 =	rddreg [dreg:$0x1];
	p0 =	sne.s32 s2, $0x0  }
0xb9: {  	s3 =	rddreg [dreg:$0x2];
	[bflag:$0x3] =	sbarrier.arrive $0xFFFF;
	s2 =	simm.s32 @!p0 $0x1C03  }
0xba: {  	[timem:s3], [sflag:s2] =	dma.local @!p0 [hbm:s0], s1  }
0xbb: {  	s0 =	simm.s32 @!p0 $0x3  }
0xbc: {  	_ =	swait.ge @!p0 [sflag:s0], s1  }
0xbd: {  	s1 =	ssub.s32 @!p0 $0x0, s1;
	[sflag:s0] =	ssyncset.done @!p0 $0x0  }
0xbe: {  	[sflag:s0] =	ssyncadd.s32 @!p0 s1  }
0xbf: {  	[bflag:$0x3] =	sbarrier.arrive $0xFFFF  }
0xc0: {  	_ =	shalt  }

// kernel: kernel.13.cloned.1.call-start
scs
__scs_entry_jumppad:
0x0: {  	(pc) =	sbr.rel $0x88, $3  }
0x1: {  	(tag) =	ssettag $0x0;
	lr =	simm.s32 $0x1  }
0x2: {  	[smem:$0x3F99] =	sst lr;
	_ =	strace $0xD0000000  }
0x3: {  	_ = 	snop  }
0x4: {  	_ = 	snop  }
0x5: {  	_ = 	snop  }
0x6: {  	_ = 	snop  }
0x7: {  	_ = 	snop  }
__scs_overlays_trampoline_lowered:
0x8: {  	[smem:$0x3FA8] =	sst s0  }
0x9: {  	[smem:$0x3FA9] =	sst s1  }
0xa: {  	[smem:$0x3FAA] =	sst s2  }
0xb: {  	[smem:$0x3FAB] =	sst s3  }
0xc: {  	[smem:$0x3FAC] =	sst s4  }
0xd: {  	[smem:$0x3FAD] =	sst s5  }
0xe: {  	[smem:$0x3FAE] =	sst s6  }
0xf: {  	[smem:$0x3FAF] =	sst s7  }
0x10: {  	[smem:$0x3FB0] =	sst s8  }
0x11: {  	[smem:$0x3FB1] =	sst s9;
	s0 =	simm.s32 @!p0 $0x0  }
0x12: {  	s1 =	sld [smem:$0x3F97];
	s0 =	simm.s32 @p0 $0x1  }
0x13: {  	[smem:$0x3FB2] =	sst s0;
	s0 =	simm.s32 @!p1 $0x0  }
0x14: {  	s2 =	sld [smem:$0x3F96];
	s0 =	simm.s32 @p1 $0x1  }
0x15: {  	[smem:$0x3FB3] =	sst s0;
	s0 =	simm.s32 @!p2 $0x0  }
0x16: {  	s3 =	sld [smem:$0x3FDB];
	s0 =	simm.s32 @p2 $0x1  }
0x17: {  	s4 =	simm.s32 $0x1BF5;
	[smem:$0x3FB5] =	sst s0  }
0x18: {  	s0 =	sld [smem:$0x3F98];
	_ =	swait.ge [sflag:s4], $0x0  }
0x19: {  	s7 =	sld [smem:$0x3F99]  }
0x1a: {  	s8 =	sadd.s32 $0xFFFFE003, lr  }
0x1b: {  	s9 =	sadd.s32 $0xFFFFFEF7, lr;
	s5 =	simm.s32 $0xFFFFFFFF;
	p2 =	slt.u32 s8, $0xFFFFF086  }
0x1c: {  	p1 =	slt.u32 s9, $0xF7A;
	s5 =	simm.s32 @!p2 $0x0  }
0x1d: {  	s5 =	simm.s32 @p1 $0x1;
	p0 =	seq.s32 s7, s2  }
0x1e: {  	s7 =	smul.u32 @!p0 $0xF7A, s2;
	p2 =	seq.s32 @!p0 s5, $0x0  }
0x1f: {  	s9 =	smul.u32 $0xF7A, s1;
	s8 =	simm.s32 @!p0 $0x1BF5;
	p2 =	por !p2, p0  }
0x20: {  	[sflag:s8] =	ssyncset.s32 @!p0 $0xFFFFF086;
	s6 =	sadd.s32 @!p0 s3, s7;
	s7 =	simm.s32 @!p0 $0x108  }
0x21: {  	s3 =	sadd.s32 s3, s9;
	s6 =	sadd.s32 @!p0 $0x88, s6;
	s7 =	simm.s32 @p2 $0x1082  }
0x22: {  	[simem:s7], [sflag:s8] =	dma.local @!p0 [hbm:s6], $0xF7A  }
0x23: {  	s9 =	sor.u32 $0xD0000000, s2;
	s6 =	simm.s32 $0x108;
	_ =	swait.ge @!p0 [sflag:s8], $0x0  }
0x24: {  	s3 =	sadd.s32 $0x88, s3;
	s6 =	simm.s32 @!p1 $0x1082;
	[sflag:s4] =	ssyncset.s32 $0xFFFFF086  }
0x25: {  	[simem:s6], [sflag:s4] =	dma.local [hbm:s3], $0xF7A  }
0x26: {  	[smem:$0x3F99] =	sst s1;
	(tag) =	ssettag s2;
	_ =	strace s9  }
0x27: {  	s1 =	sld [smem:$0x3FA9]  }
0x28: {  	s2 =	sld [smem:$0x3FAA]  }
0x29: {  	s4 =	sld [smem:$0x3FAC]  }
0x2a: {  	p0 =	seq.s32 s5, $0x0;
	s5 =	sld [smem:$0x3FAD]  }
0x2b: {  	s6 =	sld [smem:$0x3FAE]  }
0x2c: {  	s7 =	sld [smem:$0x3FAF]  }
0x2d: {  	s3 =	simm.s32 $0x108;
	s8 =	sld [smem:$0x3FB0]  }
0x2e: {  	s3 =	simm.s32 @!p0 $0x1082;
	s9 =	sld [smem:$0x3FB1]  }
0x2f: {  	lr =	sadd.s32 s0, s3;
	s0 =	sld [smem:$0x3FA8]  }
0x30: {  	s3 =	sld [smem:$0x3FAB]  }
0x31: {  	[smem:$0x3FB4] =	sst s10  }
0x32: {  	s10 =	sld [smem:$0x3FB2];
	_ =	sdelay $0x3  }
0x33: {  	p0 =	seq.s32 s10, $0x1;
	s10 =	sld [smem:$0x3FB4];
	_ =	sdelay $0x3  }
0x34: {  	[smem:$0x3FB4] =	sst s10  }
0x35: {  	s10 =	sld [smem:$0x3FB3];
	_ =	sdelay $0x3  }
0x36: {  	p1 =	seq.s32 s10, $0x1;
	s10 =	sld [smem:$0x3FB4];
	_ =	sdelay $0x3  }
0x37: {  	[smem:$0x3FB4] =	sst s10  }
0x38: {  	s10 =	sld [smem:$0x3FB5]  }
0x39: {  	_ = 	snop;
	(pc) =	sbr.ind lr, $3  }
0x3a: {  	_ = 	snop  }
0x3b: {  	_ = 	snop  }
0x3c: {  	p2 =	seq.s32 s10, $0x1;
	s10 =	sld [smem:$0x3FB4]  }
0x3d: {  	_ =	shalt  }
0x3e: {  	_ =	shalt  }
0x3f: {  	_ =	shalt  }
0x40: {  	_ =	shalt  }
0x41: {  	_ =	shalt  }
0x42: {  	_ =	shalt  }
0x43: {  	_ =	shalt  }
0x44: {  	_ =	shalt  }
0x45: {  	_ =	shalt  }
0x46: {  	_ =	shalt  }
0x47: {  	_ =	shalt  }
0x48: {  	_ =	shalt  }
0x49: {  	_ =	shalt  }
0x4a: {  	_ =	shalt  }
0x4b: {  	_ =	shalt  }
0x4c: {  	_ =	shalt  }
0x4d: {  	_ =	shalt  }
0x4e: {  	_ =	shalt  }
0x4f: {  	_ =	shalt  }
0x50: {  	_ =	shalt  }
0x51: {  	_ =	shalt  }
0x52: {  	_ =	shalt  }
0x53: {  	_ =	shalt  }
0x54: {  	_ =	shalt  }
0x55: {  	_ =	shalt  }
0x56: {  	_ =	shalt  }
0x57: {  	_ =	shalt  }
0x58: {  	_ =	shalt  }
0x59: {  	_ =	shalt  }
0x5a: {  	_ =	shalt  }
0x5b: {  	_ =	shalt  }
0x5c: {  	_ =	shalt  }
0x5d: {  	_ =	shalt  }
0x5e: {  	_ =	shalt  }
0x5f: {  	_ =	shalt  }
0x60: {  	_ =	shalt  }
0x61: {  	_ =	shalt  }
0x62: {  	_ =	shalt  }
0x63: {  	_ =	shalt  }
0x64: {  	_ =	shalt  }
0x65: {  	_ =	shalt  }
0x66: {  	_ =	shalt  }
0x67: {  	_ =	shalt  }
0x68: {  	_ =	shalt  }
0x69: {  	_ =	shalt  }
0x6a: {  	_ =	shalt  }
0x6b: {  	_ =	shalt  }
0x6c: {  	_ =	shalt  }
0x6d: {  	_ =	shalt  }
0x6e: {  	_ =	shalt  }
0x6f: {  	_ =	shalt  }
0x70: {  	_ =	shalt  }
0x71: {  	_ =	shalt  }
0x72: {  	_ =	shalt  }
0x73: {  	_ =	shalt  }
0x74: {  	_ =	shalt  }
0x75: {  	_ =	shalt  }
0x76: {  	_ =	shalt  }
0x77: {  	_ =	shalt  }
0x78: {  	_ =	shalt  }
0x79: {  	_ =	shalt  }
0x7a: {  	_ =	shalt  }
0x7b: {  	_ =	shalt  }
0x7c: {  	_ =	shalt  }
0x7d: {  	_ =	shalt  }
0x7e: {  	_ =	shalt  }
0x7f: {  	_ =	shalt  }
0x80: {  	_ =	shalt  }
0x81: {  	_ =	shalt  }
0x82: {  	_ =	shalt  }
0x83: {  	_ =	shalt  }
0x84: {  	_ =	shalt  }
0x85: {  	_ =	shalt  }
0x86: {  	_ =	shalt  }
0x87: {  	_ =	shalt  }
.Lfunc_end0:
.L_simem_size_0:
called_computation.1_lowered:
.L_overlay_start_0:
0x88: {  	s2 =	sld [smem:$0x3FD9]  }
0x89: {  	s3 =	sld [smem:$0x3FFE];
	_ =	sdelay $0x1  }
0x8a: {  	s1 =	srdreg.scid  }
0x8b: {  	s0 =	sand.u32 $0x1, s1  }
0x8c: {  	s17 =	sshll.u32 s0, $0xA;
	s2 =	sadd.s32 s3, s2  }
0x8d: {  	s2 =	sadd.s32 s2, s17  }
0x8e: {  	[smem:$0x3FC0] =	sst s2  }
0x8f: {  	_ = 	snop  }
0x90: {  	s2 =	sld [smem:$0x3FD0];
	(tm) =	ssettm $0x1  }
0x91: {  	s18 =	sld [smem:$0x3FFB];
	_ =	sdelay $0x3  }
0x92: {  	_ =	strace s18  }
0x93: {  	s3 =	sld [smem:$0x3FFC];
	_ =	sdelay $0x3  }
0x94: {  	_ =	strace s3  }
0x95: {  	s3 =	sld [smem:$0x3FFD];
	_ =	sdelay $0x3  }
0x96: {  	_ =	strace s3  }
0x97: {  	_ =	strace $0x8FFFFFFF  }
0x98: {  	s19 =	sld [smem:$0x3FDB];
	_ =	sdelay $0x1  }
0x99: {  	s4 =	simm.s32 $_scs_section_size  }
0x9a: {  	s5 =	simm.s32 $_size__tile_overlayer_lowered;
	s6 =	simm.s32 $_tile_overlayer_lowered  }
0x9b: {  	s22 =	simm.s32 $0x1BFF;
	s21 =	sshll.u32 s6, $0x1;
	s3 =	sadd.s32 s4, s19  }
0x9c: {  	s7 =	simm.s32 $0x0;
	s20 =	sshll.u32 s5, $0x1;
	s5 =	sadd.s32 s21, s3  }
0x9d: {  	[timem:s7], [sflag:s22] =	dma.local [hbm:s5], s20  }
0x9e: {  	_ =	swait.ge [sflag:s22], s20  }
0x9f: {  	s4 =	ssub.s32 $0x0, s20;
	[sflag:s22] =	ssyncset.done $0x0  }
0xa0: {  	[sflag:s22] =	ssyncadd.s32 s4;
	_ =	sdelay $0x1  }
0xa1: {  	s23 =	simm.s32 $0x1B8B  }
0xa2: {  	_ =	swait.ge [sflag:s23], $0x1  }
0xa3: {  	[sflag:s23] =	ssyncset.done $0x0  }
0xa4: {  	s25 =	simm.s32 $0x1B8E;
	s24 =	sld [smem:$0x3FFE];
	[sflag:s23] =	ssyncadd.s32 $0xFFFFFFFF  }
0xa5: {  	s26 =	simm.s32 $execute0_lowered;
	[smem:$0x3FD2] =	sst s25  }
0xa6: {  	s5 =	sshll.u32 s26, $0x1;
	_ =	strace $0x80000049;
	[dreg:$0x1] =	wrdreg $0xFFFFFFFF  }
0xa7: {  	s28 =	simm.s32 $_size_execute0_lowered;
	s3 =	sadd.s32 s3, s5;
	[dreg:$0x0] =	wrdreg $0x0  }
0xa8: {  	s5 =	sshll.u32 s28, $0x1;
	[dreg:$0x2] =	wrdreg s3  }
0xa9: {  	[dreg:$0x3] =	wrdreg s5  }
0xaa: {  	[dreg:$0x4] =	wrdreg $0xC0  }
0xab: {  	_ =	task [dreg:s7], $0x5FFFF  }
0xac: {  	[dreg:$0x1] =	wrdreg $0xFFFFFFFF  }
0xad: {  	[dreg:$0x0] =	wrdreg $0x60  }
0xae: {  	[dreg:$0x2] =	wrdreg s24  }
0xaf: {  	[dreg:$0x3] =	wrdreg s2  }
0xb0: {  	[dreg:$0x4] =	wrdreg $0xB0000  }
0xb1: {  	[dreg:$0x5] =	wrdreg $0x9  }
0xb2: {  	_ =	task.clear_ibuf [dreg:s7], $0x6FFFF;
	_ =	strace $0x90000049  }
0xb3: {  	s29 =	simm.s32 $0x9;
	_ =	strace $0x8000004B  }
0xb4: {  	_ =	swait.ge [sflag:s29], $0x1  }
0xb5: {  	[sflag:s29] =	ssyncadd.s32 $0xFFFFFFFF  }
0xb6: {  	_ =	strace $0x9000004B  }
0xb7: {  	_ =	sfence  }
0xb8: {  	s30 =	sld [smem:$0x0];
	_ =	sdelay $0x2  }
0xb9: {  	s31 =	sshll.u32 s1, $0xD;
	s1 =	sshrl.u32 s1, $0x2  }
0xba: {  	s3 =	sand.u32 $0x4000, s31;
	s1 =	sadd.s32 s1, s30  }
0xbb: {  	s0 =	sor.u32 s3, s0;
	s1 =	sshll.u32 s1, $0x11  }
0xbc: {  	s0 =	sor.u32 s1, s0  }
0xbd: {  	s0 =	sadd.s32 $0x8F2B, s0  }
0xbe: {  	[sflag:s0] =	ssyncadd.remote.s32 $0x1  }
0xbf: {  	_ =	sfence.sel $0xFFFF  }
0xc0: {  	[dreg:$0x0] =	wrdreg $0xFFFFFFFF;
	(pc) =	sbr.abs _section_cstart, $3  }
0xc1: {  	[dreg:$0x1] =	wrdreg $0xFFFFFFFF  }
0xc2: {  	_ =	task.clear_ibuf [dreg:s7], $0x2FFFF;
	_ =	strace $0x9FFFFFFF  }
0xc3: {  	(tm) =	ssettm $0x7FFFFFFF  }
tec
execute0_lowered:
.L_overlay_start_1:
0x0: {  	(tag) =	ssettag $0x1  }
0x1: {  	s0 =	rddreg [dreg:$0x0];
	s1 =	srdreg.scid  }
0x2: {  	s12 =	stileid.u32;
	s3 =	rddreg [dreg:$0x2];
	s4 =	simm.s32 $0x0  }
0x3: {  	s15 =	simm.s32 $0x3;
	s18 =	simm.s32 $0x80;
	s19 =	simm.s32 $0x3000  }
0x4: {  	s21 =	simm.s32 $0x7000;
	s22 =	simm.s32 $0x1;
	s23 =	simm.s32 $0x2  }
0x5: {  	s1 =	sand.u32 $0x1, s1;
	s2 =	sshll.u32 s12, $0x1;
	s8 =	smul.u32 $0x4F000, s12  }
0x6: {  	[smem:$0x7FF] =	sst s4;
	s5 =	sadd.s32 $0x1D800, s0;
	s17 =	smul.u32 $0x2780, s12  }
0x7: {  	s26 =	sshll.u32 s12, $0x6;
	s2 =	sor.u32 s1, s2;
	s6 =	smul.u32 $0x27800, s1  }
0x8: {  	_ =	strace $0x8000004A;
	s7 =	ssub.s32 $0x2, s1;
	p0 =	seq.s32 s1, $0x0  }
0x9: {  	s2 =	smul.u32 $0x680, s2;
	s9 =	sshrl.u32 s7, $0x1;
	s25 =	sshrl.u32 s8, $0x2  }
0xa: {  	s11 =	ssub.s32 s7, s9;
	s28 =	sadd.s32 s25, s3;
	s7 =	sor.u32 $0x1C03, s26  }
0xb: {  	s25 =	simm.s32 $0x0;
	s2 =	sadd.s32 s2, s0;
	s0 =	sadd.s32 s6, s0  }
0xc: {  	s6 =	simm.s32 $0x30;
	s31 =	smax.u32 s11, $0x1;
	s13 =	sshrl.u32 s28, $0x3  }
0xd: {  	[dreg:$0x4] =	wrdreg s7;
	s6 =	simm.s32 @!p0 $0x20;
	s8 =	sadd.s32 $0x10800, s2  }
0xe: {  	s0 =	sadd.s32 $0x44A00, s0;
	[dreg:$0x6] =	wrdreg s31;
	s30 =	sshll.u32 s6, $0x4  }
0xf: {  	s29 =	sshrl.u32 s6, $0x1;
	s0 =	sadd.s32 s17, s0;
	[dreg:$0x5] =	wrdreg s30  }
0x10: {  	s24 =	sadd.s32 $0x3800, s2;
	s12 =	sadd.s32 $0xFFFFFFFF, s29;
	[dreg:$0x7] =	wrdreg s0  }
.LBB2_1:
0x11: {  	s0 =	rddreg [dreg:$0x1]  }
0x12: {  	[spmem:s13], [sflag:s7] =	dma.local [hbm:s0], $0x2780  }
0x13: {  	_ =	swait.ge [sflag:s15], $0x2780  }
0x14: {  	[sflag:s15] =	ssyncset.done $0x0  }
0x15: {  	[sflag:s15] =	ssyncadd.s32 $0xFFFFD880  }
0x16: {  	[bflag:$0x0] =	sbarrier.arrive $0xFFFF  }
0x17: {  	[tilespmem:s4], [sflag:$0x3] =	stream.linear.gather [hbm4b:s8+s4], $0x1800, $0x38;
	[tilespmem:$0x1EC00] =	vst v63  }
0x18: {  	_ =	swait.ge [sflag:s15], $0x1800  }
0x19: {  	[sflag:s15] =	ssyncset.done $0x0  }
0x1a: {  	s31 =	simm.s32 $0x1800;
	p1 =	sne.s32 s12, $0x1;
	[sflag:s15] =	ssyncadd.s32 $0xFFFFE800  }
0x1b: {  	[tilespmem:s31], [sflag:$0x3] =	stream.linear.gather [hbm4b:s24+s4], $0x1800, $0x38;
	[tilespmem:$0x1EC00] =	vst v63  }
.Ltmp0:
0x1c: {  	_ = 	snop;
	(pc) =	sbr.rel @!p1 .LBB2_2-.Ltmp0, $4  }
0x1d: {  	_ =	swait.ge [sflag:s15], $0x1800  }
0x1e: {  	s30 =	simm.s32 $0x100;
	[sflag:s15] =	ssyncset.done $0x0  }
0x1f: {  	s26 =	simm.s32 $0x1880;
	p0 =	por $0x0, $0x0;
	[sflag:s15] =	ssyncadd.s32 $0xFFFFE800  }
0x20: {  	[tilespmem:s19], [sflag:$0x1] =	stream.indirect.gather [hbm4b:s5+s18], $0x80, s4, s18, $0xb8;
	[tilespmem:$0x1EC00] =	vst v63  }
0x21: {  	s0 =	simm.s32 $0x80  }
0x22: {  	[tilespmem:s21], [sflag:$0x2] =	stream.indirect.gather [hbm4b:s5+s18], $0x80, s0, s18, $0xb8;
	[tilespmem:$0x1EC00] =	vst v63  }
0x23: {  	_ =	swait.ge [sflag:s22], $0x4000  }
0x24: {  	[sflag:s22] =	ssyncset.done $0x0  }
0x25: {  	s31 =	simm.s32 $0x1800;
	[sflag:s22] =	ssyncadd.s32 $0xFFFFC000  }
0x26: {  	[spmem:s3] =	stream.indirect.scatter.add.f32 [tilespmem:s19], [sflag:$0x3], $0x80, s31, s18, $0xb8;
	[tilespmem:$0x1EC00] =	vst v63  }
0x27: {  	_ =	swait.ge [sflag:s15], $0x4000  }
0x28: {  	p0 =	sle.u32 s6, $0x2;
	[sflag:s15] =	ssyncset.done $0x0  }
0x29: {  	s0 =	simm.s32 @!p0 $0x80;
	s1 =	simm.s32 @!p0 $0x3000;
	[sflag:s15] =	ssyncadd.s32 $0xFFFFC000  }
0x2a: {  	[tilespmem:s1], [sflag:$0x1] =	stream.indirect.gather @!p0 [hbm4b:s5+s0], $0x80, s30, s0, $0xb8;
	[tilespmem:$0x1EC00] =	vst v63  }
0x2b: {  	p1 =	sne.s32 s12, $0x2;
	_ =	swait.ge [sflag:s23], $0x4000  }
.Ltmp1:
0x2c: {  	[sflag:s23] =	ssyncset.done $0x0;
	(pc) =	sbr.rel @!p1 .LBB2_6-.Ltmp1, $4  }
0x2d: {  	s2 =	simm.s32 $0x2;
	s0 =	simm.s32 $0x2;
	[sflag:s23] =	ssyncadd.s32 $0xFFFFC000  }
0x2e: {  	[spmem:s3] =	stream.indirect.scatter.add.f32 [tilespmem:s21], [sflag:$0x3], $0x80, s26, s18, $0xb8;
	[tilespmem:$0x1EC00] =	vst v63  }
0x2f: {  	s30 =	simm.s32 $0x200;
	s1 =	simm.s32 $0x4;
	_ =	swait.ge [sflag:s15], $0x4000  }
0x30: {  	p0 =	por $0x1, $0x1;
	s26 =	simm.s32 $0x1980;
	[sflag:s15] =	ssyncset.done $0x0  }
.LBB2_4:
0x31: {  	s0 =	sadd.s32 $0x1, s0;
	s11 =	sadd.s32 $0xFFFFFF80, s30;
	[sflag:s15] =	ssyncadd.s32 $0xFFFFC000  }
0x32: {  	[tilespmem:s21], [sflag:$0x2] =	stream.indirect.gather [hbm4b:s5+s18], $0x80, s11, s18, $0xb8;
	[tilespmem:$0x1EC00] =	vst v63  }
0x33: {  	p1 =	sne.s32 s12, s0;
	_ =	swait.ge [sflag:s22], $0x4000  }
0x34: {  	[sflag:s22] =	ssyncset.done $0x0  }
0x35: {  	s11 =	sadd.s32 $0xFFFFFF80, s26;
	[sflag:s22] =	ssyncadd.s32 $0xFFFFC000  }
0x36: {  	[spmem:s3] =	stream.indirect.scatter.add.f32 [tilespmem:s19], [sflag:$0x3], $0x80, s11, s18, $0xb8;
	[tilespmem:$0x1EC00] =	vst v63  }
0x37: {  	_ =	swait.ge [sflag:s15], $0x4000  }
0x38: {  	p2 =	sge.u32 s1, s6;
	[sflag:s15] =	ssyncset.done $0x0  }
0x39: {  	s14 =	simm.s32 @!p2 $0x3000;
	s11 =	simm.s32 @!p2 $0x80;
	[sflag:s15] =	ssyncadd.s32 $0xFFFFC000  }
0x3a: {  	[tilespmem:s14], [sflag:$0x1] =	stream.indirect.gather @!p2 [hbm4b:s5+s11], $0x80, s30, s11, $0xb8;
	[tilespmem:$0x1EC00] =	vst v63  }
0x3b: {  	_ =	swait.ge [sflag:s23], $0x4000  }
.Ltmp2:
0x3c: {  	s16 =	sadd.s32 $0x1, s2;
	[sflag:s23] =	ssyncset.done $0x0;
	(pc) =	sbr.rel @p1 .LBB2_4-.Ltmp2, $4  }
0x3d: {  	s20 =	sadd.s32 $0x100, s30;
	s1 =	sadd.s32 $0x2, s1;
	[sflag:s23] =	ssyncadd.s32 $0xFFFFC000  }
0x3e: {  	[spmem:s3] =	stream.indirect.scatter.add.f32 [tilespmem:s21], [sflag:$0x3], $0x80, s26, s18, $0xb8;
	[tilespmem:$0x1EC00] =	vst v63  }
0x3f: {  	s2 =	smov.u32 s16;
	s14 =	sadd.s32 $0x100, s26;
	_ =	swait.ge [sflag:s15], $0x4000  }
0x40: {  	s30 =	smov.u32 s20;
	s26 =	smov.u32 s14;
	[sflag:s15] =	ssyncset.done $0x0  }
0x41: {  	s30 =	smov.u32 s20;
	s26 =	smov.u32 s14  }
.LBB2_6:
0x42: {  	s0 =	sadd.s32 $0xFFFFFF80, s30;
	[sflag:s15] =	ssyncadd.s32 @p0 $0xFFFFC000  }
0x43: {  	[tilespmem:s21], [sflag:$0x2] =	stream.indirect.gather [hbm4b:s5+s18], $0x80, s0, s18, $0xb8;
	[tilespmem:$0x1EC00] =	vst v63  }
0x44: {  	_ =	swait.ge [sflag:s22], $0x4000  }
0x45: {  	[sflag:s22] =	ssyncset.done $0x0  }
0x46: {  	s9 =	sadd.s32 $0xFFFFFF80, s26;
	[sflag:s22] =	ssyncadd.s32 $0xFFFFC000  }
0x47: {  	[spmem:s3] =	stream.indirect.scatter.add.f32 [tilespmem:s19], [sflag:$0x3], $0x80, s9, s18, $0xb8;
	[tilespmem:$0x1EC00] =	vst v63  }
0x48: {  	_ =	swait.ge [sflag:s15], $0x4000  }
0x49: {  	p0 =	sge.u32 s1, s6;
	[sflag:s15] =	ssyncset.done $0x0  }
0x4a: {  	s0 =	simm.s32 @!p0 $0x80;
	s2 =	simm.s32 @!p0 $0x3000;
	[sflag:s15] =	ssyncadd.s32 $0xFFFFC000  }
0x4b: {  	[tilespmem:s2], [sflag:$0x1] =	stream.indirect.gather @!p0 [hbm4b:s5+s0], $0x80, s30, s0, $0xb8;
	[tilespmem:$0x1EC00] =	vst v63  }
0x4c: {  	_ =	swait.ge [sflag:s23], $0x4000  }
0x4d: {  	[sflag:s23] =	ssyncset.done $0x0  }
0x4e: {  	[sflag:s23] =	ssyncadd.s32 $0xFFFFC000  }
0x4f: {  	[spmem:s3] =	stream.indirect.scatter.add.f32 [tilespmem:s21], [sflag:$0x3], $0x80, s26, s18, $0xb8;
	[tilespmem:$0x1EC00] =	vst v63  }
0x50: {  	_ =	swait.ge [sflag:s15], $0x4000  }
0x51: {  	[sflag:s15] =	ssyncset.done $0x0  }
0x52: {  	s28 =	sadd.s32 $0x80, s20;
	[sflag:s15] =	ssyncadd.s32 $0xFFFFC000  }
0x53: {  	[tilespmem:s21], [sflag:$0x2] =	stream.indirect.gather [hbm4b:s5+s18], $0x80, s28, s18, $0xb8;
	[tilespmem:$0x1EC00] =	vst v63  }
0x54: {  	_ =	swait.ge [sflag:s22], $0x4000  }
0x55: {  	[sflag:s22] =	ssyncset.done $0x0  }
0x56: {  	s29 =	sadd.s32 $0x80, s14;
	[sflag:s22] =	ssyncadd.s32 $0xFFFFC000  }
0x57: {  	[spmem:s3] =	stream.indirect.scatter.add.f32 [tilespmem:s19], [sflag:$0x3], $0x80, s29, s18, $0xb8;
	[tilespmem:$0x1EC00] =	vst v63  }
0x58: {  	s10 =	sadd.s32 $0x2, s1;
	s11 =	simm.s32 $0x2;
	_ =	swait.ge [sflag:s15], $0x4000  }
0x59: {  	s30 =	sadd.s32 $0x100, s30;
	p0 =	sge.u32 s10, s6;
	[sflag:s15] =	ssyncset.done $0x0  }
0x5a: {  	s31 =	simm.s32 @!p0 $0x80;
	s1 =	simm.s32 @!p0 $0x3000;
	[sflag:s15] =	ssyncadd.s32 $0xFFFFC000  }
0x5b: {  	[tilespmem:s1], [sflag:$0x1] =	stream.indirect.gather @!p0 [hbm4b:s5+s31], $0x80, s30, s31, $0xb8;
	[tilespmem:$0x1EC00] =	vst v63  }
0x5c: {  	_ =	swait.ge [sflag:s11], $0x4000  }
0x5d: {  	[sflag:s11] =	ssyncset.done $0x0  }
0x5e: {  	s2 =	simm.s32 $0x80;
	s26 =	sadd.s32 $0x100, s26;
	[sflag:s11] =	ssyncadd.s32 $0xFFFFC000  }
0x5f: {  	[spmem:s3] =	stream.indirect.scatter.add.f32 [tilespmem:s21], [sflag:$0x3], $0x80, s26, s2, $0xb8;
	[tilespmem:$0x1EC00] =	vst v63  }
0x60: {  	_ =	swait.ge [sflag:s15], $0x4000  }
0x61: {  	[sflag:s15] =	ssyncset.done $0x0;
	s7 =	rddreg [dreg:$0x5]  }
0x62: {  	[sflag:s15] =	ssyncadd.s32 $0xFFFFC000;
	s17 =	sadd.s32 s7, s8  }
0x63: {  	[tilespmem:s4], [sflag:$0x3] =	stream.linear.gather [hbm4b:s17+s4], $0x1800, $0x38;
	[tilespmem:$0x1EC00] =	vst v63  }
0x64: {  	_ =	swait.ge [sflag:s15], $0x1800  }
0x65: {  	[sflag:s15] =	ssyncset.done $0x0  }
0x66: {  	s0 =	simm.s32 $0x1800;
	s11 =	sadd.s32 s7, s24;
	[sflag:s15] =	ssyncadd.s32 $0xFFFFE800  }
0x67: {  	[tilespmem:s0], [sflag:$0x3] =	stream.linear.gather [hbm4b:s11+s4], $0x1800, $0x38;
	[tilespmem:$0x1EC00] =	vst v63  }
0x68: {  	_ =	swait.ge [sflag:s15], $0x1800  }
0x69: {  	[sflag:s15] =	ssyncset.done $0x0  }
0x6a: {  	[sflag:s15] =	ssyncadd.s32 $0xFFFFE800  }
0x6b: {  	[tilespmem:s19], [sflag:$0x1] =	stream.indirect.gather [hbm4b:s5+s2], $0x80, s4, s2, $0xb8;
	[tilespmem:$0x1EC00] =	vst v63  }
0x6c: {  	_ = 	snop  }
0x6d: {  	[tilespmem:s21], [sflag:$0x2] =	stream.indirect.gather [hbm4b:s5+s18], $0x80, s2, s18, $0xb8;
	[tilespmem:$0x1EC00] =	vst v63  }
0x6e: {  	_ =	swait.ge [sflag:s22], $0x4000  }
0x6f: {  	[sflag:s22] =	ssyncset.done $0x0  }
0x70: {  	[sflag:s22] =	ssyncadd.s32 $0xFFFFC000  }
0x71: {  	[spmem:s3] =	stream.indirect.scatter.add.f32 [tilespmem:s19], [sflag:$0x3], $0x80, s0, s18, $0xb8;
	[tilespmem:$0x1EC00] =	vst v63  }
0x72: {  	p1 =	sle.u32 s6, $0x2;
	_ =	swait.ge [sflag:s15], $0x4000  }
0x73: {  	s17 =	simm.s32 @!p1 $0x3000;
	[sflag:s15] =	ssyncset.done $0x0  }
0x74: {  	s11 =	simm.s32 @!p1 $0x80;
	s2 =	simm.s32 @!p1 $0x100;
	[sflag:s15] =	ssyncadd.s32 $0xFFFFC000  }
0x75: {  	[tilespmem:s17], [sflag:$0x1] =	stream.indirect.gather @!p1 [hbm4b:s5+s11], $0x80, s2, s11, $0xb8;
	[tilespmem:$0x1EC00] =	vst v63  }
0x76: {  	s2 =	sadd.s32 $0xFFFFFFFF, s16  }
0x77: {  	p1 =	sne.s32 s2, $0x0  }
.Ltmp3:
0x78: {  	_ =	swait.ge [sflag:s23], $0x4000;
	(pc) =	sbr.rel @!p1 .LBB2_8-.Ltmp3, $4  }
0x79: {  	s9 =	smov.u32 s8;
	[sflag:s23] =	ssyncset.done $0x0  }
0x7a: {  	s10 =	smov.u32 s24;
	s24 =	simm.s32 $0x1880;
	[sflag:s23] =	ssyncadd.s32 $0xFFFFC000  }
0x7b: {  	[spmem:s3] =	stream.indirect.scatter.add.f32 [tilespmem:s21], [sflag:$0x3], $0x80, s24, s18, $0xb8;
	[tilespmem:$0x1EC00] =	vst v63  }
0x7c: {  	s17 =	simm.s32 $0x180;
	s11 =	simm.s32 $0x4;
	_ =	swait.ge [sflag:s15], $0x4000  }
.LBB2_7:
0x7d: {  	s2 =	sadd.s32 $0xFFFFFFFF, s2;
	[sflag:s15] =	ssyncset.done $0x0;
	s0 =	sadd.s32 $0x100, s0  }
0x7e: {  	p1 =	sne.s32 s2, $0x0;
	[sflag:s15] =	ssyncadd.s32 $0xFFFFC000  }
0x7f: {  	[tilespmem:s21], [sflag:$0x2] =	stream.indirect.gather [hbm4b:s5+s18], $0x80, s17, s18, $0xb8;
	[tilespmem:$0x1EC00] =	vst v63  }
0x80: {  	_ =	swait.ge [sflag:s22], $0x4000  }
0x81: {  	[sflag:s22] =	ssyncset.done $0x0  }
0x82: {  	[sflag:s22] =	ssyncadd.s32 $0xFFFFC000  }
0x83: {  	[spmem:s3] =	stream.indirect.scatter.add.f32 [tilespmem:s19], [sflag:$0x3], $0x80, s0, s18, $0xb8;
	[tilespmem:$0x1EC00] =	vst v63  }
0x84: {  	p2 =	sge.u32 s11, s6;
	_ =	swait.ge [sflag:s15], $0x4000  }
0x85: {  	s24 =	sadd.s32 @!p2 $0x80, s17;
	s7 =	simm.s32 @!p2 $0x80;
	[sflag:s15] =	ssyncset.done $0x0  }
0x86: {  	s8 =	simm.s32 @!p2 $0x3000;
	[sflag:s15] =	ssyncadd.s32 $0xFFFFC000  }
0x87: {  	[tilespmem:s8], [sflag:$0x1] =	stream.indirect.gather @!p2 [hbm4b:s5+s7], $0x80, s24, s7, $0xb8;
	[tilespmem:$0x1EC00] =	vst v63  }
.Ltmp4:
0x88: {  	_ =	swait.ge [sflag:s23], $0x4000;
	(pc) =	sbr.rel @p1 .LBB2_7-.Ltmp4, $4  }
0x89: {  	s7 =	sadd.s32 $0x80, s0;
	[sflag:s23] =	ssyncset.done $0x0  }
0x8a: {  	[sflag:s23] =	ssyncadd.s32 $0xFFFFC000  }
0x8b: {  	[spmem:s3] =	stream.indirect.scatter.add.f32 [tilespmem:s21], [sflag:$0x3], $0x80, s7, s18, $0xb8;
	[tilespmem:$0x1EC00] =	vst v63  }
0x8c: {  	s11 =	sadd.s32 $0x2, s11;
	s17 =	sadd.s32 $0x100, s17;
	_ =	swait.ge [sflag:s15], $0x4000  }
.LBB2_8:
0x8d: {  	[sflag:s15] =	ssyncset.done $0x0  }
0x8e: {  	[sflag:s15] =	ssyncadd.s32 $0xFFFFC000  }
0x8f: {  	[tilespmem:s21], [sflag:$0x2] =	stream.indirect.gather [hbm4b:s5+s18], $0x80, s28, s18, $0xb8;
	[tilespmem:$0x1EC00] =	vst v63  }
0x90: {  	_ =	swait.ge [sflag:s22], $0x4000  }
0x91: {  	[sflag:s22] =	ssyncset.done $0x0  }
0x92: {  	[sflag:s22] =	ssyncadd.s32 $0xFFFFC000  }
0x93: {  	[spmem:s3] =	stream.indirect.scatter.add.f32 [tilespmem:s19], [sflag:$0x3], $0x80, s29, s18, $0xb8;
	[tilespmem:$0x1EC00] =	vst v63  }
0x94: {  	_ =	swait.ge [sflag:s15], $0x4000  }
0x95: {  	[sflag:s15] =	ssyncset.done $0x0  }
0x96: {  	[sflag:s15] =	ssyncadd.s32 $0xFFFFC000  }
0x97: {  	[tilespmem:s1], [sflag:$0x1] =	stream.indirect.gather @!p0 [hbm4b:s5+s31], $0x80, s30, s31, $0xb8;
	[tilespmem:$0x1EC00] =	vst v63  }
0x98: {  	_ =	swait.ge [sflag:s23], $0x4000  }
0x99: {  	[sflag:s23] =	ssyncset.done $0x0  }
0x9a: {  	[sflag:s23] =	ssyncadd.s32 $0xFFFFC000  }
0x9b: {  	[spmem:s3] =	stream.indirect.scatter.add.f32 [tilespmem:s21], [sflag:$0x3], $0x80, s26, s18, $0xb8;
	[tilespmem:$0x1EC00] =	vst v63  }
0x9c: {  	_ =	swait.ge [sflag:s15], $0x4000  }
0x9d: {  	[sflag:s15] =	ssyncset.done $0x0  }
0x9e: {  	[sflag:s15] =	ssyncadd.s32 $0xFFFFC000  }
0x9f: {  	[bflag:$0x0] =	sbarrier.arrive $0xFFFF  }
0xa0: {  	s7 =	rddreg [dreg:$0x4]  }
0xa1: {  	s0 =	rddreg [dreg:$0x7]  }
0xa2: {  	[hbm:s0], [sflag:s7] =	dma.local [spmem:s13], $0x2780  }
0xa3: {  	_ =	swait.ge [sflag:s15], $0x2780  }
0xa4: {  	s25 =	sadd.s32 $0x1, s25;
	s31 =	rddreg [dreg:$0x6]  }
0xa5: {  	p0 =	sne.s32 s25, s31  }
.Ltmp5:
0xa6: {  	_ = 	snop;
	(pc) =	sbr.rel @p0 .LBB2_1-.Ltmp5, $4  }
.Ltmp6:
0xa7: {  	_ = 	snop;
	(pc) =	sbr.rel @!p0 .LBB2_9-.Ltmp6, $4  }
0xa8: {  	_ = 	snop  }
0xa9: {  	[sflag:s15] =	ssyncset.done $0x0  }
0xaa: {  	s8 =	smov.u32 s9;
	s24 =	smov.u32 s10;
	[sflag:s15] =	ssyncadd.s32 $0xFFFFD880  }
0xab: {  	_ = 	snop  }
.LBB2_2:
.Ltmp7:
0xac: {  	(pc) =	sbr.rel .LBB2_6-.Ltmp7, $2  }
0xad: {  	_ =	sdelay $0x2  }
0xae: {  	s1 =	simm.s32 $0x2  }
.LBB2_9:
0xaf: {  	_ =	sfence.sel $0x180000  }
0xb0: {  	[bflag:$0x0] =	sbarrier.arrive $0xFFFF  }
0xb1: {  	_ =	strace $0x9000004A  }
0xb2: {  	s0 =	stileid.u32;
	[bflag:$0x2] =	sbarrier.arrive $0xFFFF  }
0xb3: {  	p0 =	sne.s32 s0, $0x0;
	s0 =	rddreg [dreg:$0x3]  }
0xb4: {  	s0 =	sadd.s32 @!p0 $0x100000, s0  }
0xb5: {  	[sflag:s0] =	ssyncadd.tile.s32 @!p0 $0x1;
	_ =	shalt  }
.Lfunc_end2:
_tile_overlayer_lowered:
.L_overlay_start_2:
0xb6: {  	(tag) =	ssettag $0x2  }
0xb7: {  	s0 =	rddreg [dreg:$0x0];
	s2 =	stileid.u32  }
0xb8: {  	s1 =	rddreg [dreg:$0x1];
	p0 =	sne.s32 s2, $0x0  }
0xb9: {  	s3 =	rddreg [dreg:$0x2];
	[bflag:$0x3] =	sbarrier.arrive $0xFFFF;
	s2 =	simm.s32 @!p0 $0x1C03  }
0xba: {  	[timem:s3], [sflag:s2] =	dma.local @!p0 [hbm:s0], s1  }
0xbb: {  	s0 =	simm.s32 @!p0 $0x3  }
0xbc: {  	_ =	swait.ge @!p0 [sflag:s0], s1  }
0xbd: {  	s1 =	ssub.s32 @!p0 $0x0, s1;
	[sflag:s0] =	ssyncset.done @!p0 $0x0  }
0xbe: {  	[sflag:s0] =	ssyncadd.s32 @!p0 s1  }
0xbf: {  	[bflag:$0x3] =	sbarrier.arrive $0xFFFF  }
0xc0: {  	_ =	shalt  }

// kernel: kernel.16.cloned.1.call-start
scs
__scs_entry_jumppad:
0x0: {  	(pc) =	sbr.rel $0x88, $3  }
0x1: {  	(tag) =	ssettag $0x0;
	lr =	simm.s32 $0x1  }
0x2: {  	[smem:$0x3F99] =	sst lr;
	_ =	strace $0xD0000000  }
0x3: {  	_ = 	snop  }
0x4: {  	_ = 	snop  }
0x5: {  	_ = 	snop  }
0x6: {  	_ = 	snop  }
0x7: {  	_ = 	snop  }
__scs_overlays_trampoline_lowered:
0x8: {  	[smem:$0x3FA8] =	sst s0  }
0x9: {  	[smem:$0x3FA9] =	sst s1  }
0xa: {  	[smem:$0x3FAA] =	sst s2  }
0xb: {  	[smem:$0x3FAB] =	sst s3  }
0xc: {  	[smem:$0x3FAC] =	sst s4  }
0xd: {  	[smem:$0x3FAD] =	sst s5  }
0xe: {  	[smem:$0x3FAE] =	sst s6  }
0xf: {  	[smem:$0x3FAF] =	sst s7  }
0x10: {  	[smem:$0x3FB0] =	sst s8  }
0x11: {  	[smem:$0x3FB1] =	sst s9;
	s0 =	simm.s32 @!p0 $0x0  }
0x12: {  	s1 =	sld [smem:$0x3F97];
	s0 =	simm.s32 @p0 $0x1  }
0x13: {  	[smem:$0x3FB2] =	sst s0;
	s0 =	simm.s32 @!p1 $0x0  }
0x14: {  	s2 =	sld [smem:$0x3F96];
	s0 =	simm.s32 @p1 $0x1  }
0x15: {  	[smem:$0x3FB3] =	sst s0;
	s0 =	simm.s32 @!p2 $0x0  }
0x16: {  	s3 =	sld [smem:$0x3FDB];
	s0 =	simm.s32 @p2 $0x1  }
0x17: {  	s4 =	simm.s32 $0x1BF5;
	[smem:$0x3FB5] =	sst s0  }
0x18: {  	s0 =	sld [smem:$0x3F98];
	_ =	swait.ge [sflag:s4], $0x0  }
0x19: {  	s7 =	sld [smem:$0x3F99]  }
0x1a: {  	s8 =	sadd.s32 $0xFFFFE003, lr  }
0x1b: {  	s9 =	sadd.s32 $0xFFFFFEF7, lr;
	s5 =	simm.s32 $0xFFFFFFFF;
	p2 =	slt.u32 s8, $0xFFFFF086  }
0x1c: {  	p1 =	slt.u32 s9, $0xF7A;
	s5 =	simm.s32 @!p2 $0x0  }
0x1d: {  	s5 =	simm.s32 @p1 $0x1;
	p0 =	seq.s32 s7, s2  }
0x1e: {  	s7 =	smul.u32 @!p0 $0xF7A, s2;
	p2 =	seq.s32 @!p0 s5, $0x0  }
0x1f: {  	s9 =	smul.u32 $0xF7A, s1;
	s8 =	simm.s32 @!p0 $0x1BF5;
	p2 =	por !p2, p0  }
0x20: {  	[sflag:s8] =	ssyncset.s32 @!p0 $0xFFFFF086;
	s6 =	sadd.s32 @!p0 s3, s7;
	s7 =	simm.s32 @!p0 $0x108  }
0x21: {  	s3 =	sadd.s32 s3, s9;
	s6 =	sadd.s32 @!p0 $0x88, s6;
	s7 =	simm.s32 @p2 $0x1082  }
0x22: {  	[simem:s7], [sflag:s8] =	dma.local @!p0 [hbm:s6], $0xF7A  }
0x23: {  	s9 =	sor.u32 $0xD0000000, s2;
	s6 =	simm.s32 $0x108;
	_ =	swait.ge @!p0 [sflag:s8], $0x0  }
0x24: {  	s3 =	sadd.s32 $0x88, s3;
	s6 =	simm.s32 @!p1 $0x1082;
	[sflag:s4] =	ssyncset.s32 $0xFFFFF086  }
0x25: {  	[simem:s6], [sflag:s4] =	dma.local [hbm:s3], $0xF7A  }
0x26: {  	[smem:$0x3F99] =	sst s1;
	(tag) =	ssettag s2;
	_ =	strace s9  }
0x27: {  	s1 =	sld [smem:$0x3FA9]  }
0x28: {  	s2 =	sld [smem:$0x3FAA]  }
0x29: {  	s4 =	sld [smem:$0x3FAC]  }
0x2a: {  	p0 =	seq.s32 s5, $0x0;
	s5 =	sld [smem:$0x3FAD]  }
0x2b: {  	s6 =	sld [smem:$0x3FAE]  }
0x2c: {  	s7 =	sld [smem:$0x3FAF]  }
0x2d: {  	s3 =	simm.s32 $0x108;
	s8 =	sld [smem:$0x3FB0]  }
0x2e: {  	s3 =	simm.s32 @!p0 $0x1082;
	s9 =	sld [smem:$0x3FB1]  }
0x2f: {  	lr =	sadd.s32 s0, s3;
	s0 =	sld [smem:$0x3FA8]  }
0x30: {  	s3 =	sld [smem:$0x3FAB]  }
0x31: {  	[smem:$0x3FB4] =	sst s10  }
0x32: {  	s10 =	sld [smem:$0x3FB2];
	_ =	sdelay $0x3  }
0x33: {  	p0 =	seq.s32 s10, $0x1;
	s10 =	sld [smem:$0x3FB4];
	_ =	sdelay $0x3  }
0x34: {  	[smem:$0x3FB4] =	sst s10  }
0x35: {  	s10 =	sld [smem:$0x3FB3];
	_ =	sdelay $0x3  }
0x36: {  	p1 =	seq.s32 s10, $0x1;
	s10 =	sld [smem:$0x3FB4];
	_ =	sdelay $0x3  }
0x37: {  	[smem:$0x3FB4] =	sst s10  }
0x38: {  	s10 =	sld [smem:$0x3FB5]  }
0x39: {  	_ = 	snop;
	(pc) =	sbr.ind lr, $3  }
0x3a: {  	_ = 	snop  }
0x3b: {  	_ = 	snop  }
0x3c: {  	p2 =	seq.s32 s10, $0x1;
	s10 =	sld [smem:$0x3FB4]  }
0x3d: {  	_ =	shalt  }
0x3e: {  	_ =	shalt  }
0x3f: {  	_ =	shalt  }
0x40: {  	_ =	shalt  }
0x41: {  	_ =	shalt  }
0x42: {  	_ =	shalt  }
0x43: {  	_ =	shalt  }
0x44: {  	_ =	shalt  }
0x45: {  	_ =	shalt  }
0x46: {  	_ =	shalt  }
0x47: {  	_ =	shalt  }
0x48: {  	_ =	shalt  }
0x49: {  	_ =	shalt  }
0x4a: {  	_ =	shalt  }
0x4b: {  	_ =	shalt  }
0x4c: {  	_ =	shalt  }
0x4d: {  	_ =	shalt  }
0x4e: {  	_ =	shalt  }
0x4f: {  	_ =	shalt  }
0x50: {  	_ =	shalt  }
0x51: {  	_ =	shalt  }
0x52: {  	_ =	shalt  }
0x53: {  	_ =	shalt  }
0x54: {  	_ =	shalt  }
0x55: {  	_ =	shalt  }
0x56: {  	_ =	shalt  }
0x57: {  	_ =	shalt  }
0x58: {  	_ =	shalt  }
0x59: {  	_ =	shalt  }
0x5a: {  	_ =	shalt  }
0x5b: {  	_ =	shalt  }
0x5c: {  	_ =	shalt  }
0x5d: {  	_ =	shalt  }
0x5e: {  	_ =	shalt  }
0x5f: {  	_ =	shalt  }
0x60: {  	_ =	shalt  }
0x61: {  	_ =	shalt  }
0x62: {  	_ =	shalt  }
0x63: {  	_ =	shalt  }
0x64: {  	_ =	shalt  }
0x65: {  	_ =	shalt  }
0x66: {  	_ =	shalt  }
0x67: {  	_ =	shalt  }
0x68: {  	_ =	shalt  }
0x69: {  	_ =	shalt  }
0x6a: {  	_ =	shalt  }
0x6b: {  	_ =	shalt  }
0x6c: {  	_ =	shalt  }
0x6d: {  	_ =	shalt  }
0x6e: {  	_ =	shalt  }
0x6f: {  	_ =	shalt  }
0x70: {  	_ =	shalt  }
0x71: {  	_ =	shalt  }
0x72: {  	_ =	shalt  }
0x73: {  	_ =	shalt  }
0x74: {  	_ =	shalt  }
0x75: {  	_ =	shalt  }
0x76: {  	_ =	shalt  }
0x77: {  	_ =	shalt  }
0x78: {  	_ =	shalt  }
0x79: {  	_ =	shalt  }
0x7a: {  	_ =	shalt  }
0x7b: {  	_ =	shalt  }
0x7c: {  	_ =	shalt  }
0x7d: {  	_ =	shalt  }
0x7e: {  	_ =	shalt  }
0x7f: {  	_ =	shalt  }
0x80: {  	_ =	shalt  }
0x81: {  	_ =	shalt  }
0x82: {  	_ =	shalt  }
0x83: {  	_ =	shalt  }
0x84: {  	_ =	shalt  }
0x85: {  	_ =	shalt  }
0x86: {  	_ =	shalt  }
0x87: {  	_ =	shalt  }
.Lfunc_end0:
.L_simem_size_0:
called_computation.2_lowered:
.L_overlay_start_0:
0x88: {  	s2 =	sld [smem:$0x3FD9]  }
0x89: {  	s3 =	sld [smem:$0x3FFE];
	_ =	sdelay $0x1  }
0x8a: {  	s1 =	srdreg.scid  }
0x8b: {  	s0 =	sand.u32 $0x1, s1  }
0x8c: {  	s17 =	sshll.u32 s0, $0xA;
	s2 =	sadd.s32 s3, s2  }
0x8d: {  	s2 =	sadd.s32 s2, s17  }
0x8e: {  	[smem:$0x3FC0] =	sst s2  }
0x8f: {  	_ = 	snop  }
0x90: {  	s2 =	sld [smem:$0x3FD0];
	(tm) =	ssettm $0x1  }
0x91: {  	s18 =	sld [smem:$0x3FFB];
	_ =	sdelay $0x3  }
0x92: {  	_ =	strace s18  }
0x93: {  	s3 =	sld [smem:$0x3FFC];
	_ =	sdelay $0x3  }
0x94: {  	_ =	strace s3  }
0x95: {  	s3 =	sld [smem:$0x3FFD];
	_ =	sdelay $0x3  }
0x96: {  	_ =	strace s3  }
0x97: {  	_ =	strace $0x8FFFFFFF  }
0x98: {  	s19 =	sld [smem:$0x3FDB];
	_ =	sdelay $0x1  }
0x99: {  	s4 =	simm.s32 $_scs_section_size  }
0x9a: {  	s5 =	simm.s32 $_size__tile_overlayer_lowered;
	s6 =	simm.s32 $_tile_overlayer_lowered  }
0x9b: {  	s22 =	simm.s32 $0x1BFF;
	s21 =	sshll.u32 s6, $0x1;
	s3 =	sadd.s32 s4, s19  }
0x9c: {  	s7 =	simm.s32 $0x0;
	s20 =	sshll.u32 s5, $0x1;
	s5 =	sadd.s32 s21, s3  }
0x9d: {  	[timem:s7], [sflag:s22] =	dma.local [hbm:s5], s20  }
0x9e: {  	_ =	swait.ge [sflag:s22], s20  }
0x9f: {  	s4 =	ssub.s32 $0x0, s20;
	[sflag:s22] =	ssyncset.done $0x0  }
0xa0: {  	[sflag:s22] =	ssyncadd.s32 s4;
	_ =	sdelay $0x1  }
0xa1: {  	s23 =	simm.s32 $0x1B8B  }
0xa2: {  	_ =	swait.ge [sflag:s23], $0x1  }
0xa3: {  	[sflag:s23] =	ssyncset.done $0x0  }
0xa4: {  	s25 =	simm.s32 $0x1B8E;
	s24 =	sld [smem:$0x3FFE];
	[sflag:s23] =	ssyncadd.s32 $0xFFFFFFFF  }
0xa5: {  	s26 =	simm.s32 $execute0_lowered;
	[smem:$0x3FD2] =	sst s25  }
0xa6: {  	s5 =	sshll.u32 s26, $0x1;
	_ =	strace $0x8000004C;
	[dreg:$0x1] =	wrdreg $0xFFFFFFFF  }
0xa7: {  	s28 =	simm.s32 $_size_execute0_lowered;
	s3 =	sadd.s32 s3, s5;
	[dreg:$0x0] =	wrdreg $0x0  }
0xa8: {  	s5 =	sshll.u32 s28, $0x1;
	[dreg:$0x2] =	wrdreg s3  }
0xa9: {  	[dreg:$0x3] =	wrdreg s5  }
0xaa: {  	[dreg:$0x4] =	wrdreg $0xC0  }
0xab: {  	_ =	task [dreg:s7], $0x5FFFF  }
0xac: {  	[dreg:$0x1] =	wrdreg $0xFFFFFFFF  }
0xad: {  	[dreg:$0x0] =	wrdreg $0x60  }
0xae: {  	[dreg:$0x2] =	wrdreg s24  }
0xaf: {  	[dreg:$0x3] =	wrdreg s2  }
0xb0: {  	[dreg:$0x4] =	wrdreg $0xB0000  }
0xb1: {  	[dreg:$0x5] =	wrdreg $0x9  }
0xb2: {  	_ =	task.clear_ibuf [dreg:s7], $0x6FFFF;
	_ =	strace $0x9000004C  }
0xb3: {  	s29 =	simm.s32 $0x9;
	_ =	strace $0x8000004E  }
0xb4: {  	_ =	swait.ge [sflag:s29], $0x1  }
0xb5: {  	[sflag:s29] =	ssyncadd.s32 $0xFFFFFFFF  }
0xb6: {  	_ =	strace $0x9000004E  }
0xb7: {  	_ =	sfence  }
0xb8: {  	s30 =	sld [smem:$0x0];
	_ =	sdelay $0x2  }
0xb9: {  	s31 =	sshll.u32 s1, $0xD;
	s1 =	sshrl.u32 s1, $0x2  }
0xba: {  	s3 =	sand.u32 $0x4000, s31;
	s1 =	sadd.s32 s1, s30  }
0xbb: {  	s0 =	sor.u32 s3, s0;
	s1 =	sshll.u32 s1, $0x11  }
0xbc: {  	s0 =	sor.u32 s1, s0  }
0xbd: {  	s0 =	sadd.s32 $0x8F2B, s0  }
0xbe: {  	[sflag:s0] =	ssyncadd.remote.s32 $0x1  }
0xbf: {  	_ =	sfence.sel $0xFFFF  }
0xc0: {  	[dreg:$0x0] =	wrdreg $0xFFFFFFFF;
	(pc) =	sbr.abs _section_cstart, $3  }
0xc1: {  	[dreg:$0x1] =	wrdreg $0xFFFFFFFF  }
0xc2: {  	_ =	task.clear_ibuf [dreg:s7], $0x2FFFF;
	_ =	strace $0x9FFFFFFF  }
0xc3: {  	(tm) =	ssettm $0x7FFFFFFF  }
tec
execute0_lowered:
.L_overlay_start_1:
0x0: {  	(tag) =	ssettag $0x1  }
0x1: {  	s0 =	rddreg [dreg:$0x0];
	s1 =	srdreg.scid  }
0x2: {  	s12 =	stileid.u32;
	s3 =	rddreg [dreg:$0x2];
	s4 =	simm.s32 $0x0  }
0x3: {  	s15 =	simm.s32 $0x3;
	s18 =	simm.s32 $0x80;
	s19 =	simm.s32 $0x3000  }
0x4: {  	s21 =	simm.s32 $0x7000;
	s22 =	simm.s32 $0x1;
	s23 =	simm.s32 $0x2  }
0x5: {  	s1 =	sand.u32 $0x1, s1;
	s2 =	sshll.u32 s12, $0x1;
	s8 =	smul.u32 $0x4F000, s12  }
0x6: {  	[smem:$0x7FF] =	sst s4;
	s5 =	sadd.s32 $0x1D800, s0;
	s17 =	smul.u32 $0x2780, s12  }
0x7: {  	s26 =	sshll.u32 s12, $0x6;
	s2 =	sor.u32 s1, s2;
	s6 =	smul.u32 $0x27800, s1  }
0x8: {  	_ =	strace $0x8000004D;
	s7 =	ssub.s32 $0x2, s1;
	p0 =	seq.s32 s1, $0x0  }
0x9: {  	s2 =	smul.u32 $0x680, s2;
	s9 =	sshrl.u32 s7, $0x1;
	s25 =	sshrl.u32 s8, $0x2  }
0xa: {  	s11 =	ssub.s32 s7, s9;
	s28 =	sadd.s32 s25, s3;
	s7 =	sor.u32 $0x1C03, s26  }
0xb: {  	s25 =	simm.s32 $0x0;
	s2 =	sadd.s32 s2, s0;
	s0 =	sadd.s32 s6, s0  }
0xc: {  	s6 =	simm.s32 $0x30;
	s31 =	smax.u32 s11, $0x1;
	s13 =	sshrl.u32 s28, $0x3  }
0xd: {  	[dreg:$0x4] =	wrdreg s7;
	s6 =	simm.s32 @!p0 $0x20;
	s8 =	sadd.s32 $0x10800, s2  }
0xe: {  	s0 =	sadd.s32 $0x44A00, s0;
	[dreg:$0x6] =	wrdreg s31;
	s30 =	sshll.u32 s6, $0x4  }
0xf: {  	s29 =	sshrl.u32 s6, $0x1;
	s0 =	sadd.s32 s17, s0;
	[dreg:$0x5] =	wrdreg s30  }
0x10: {  	s24 =	sadd.s32 $0x3800, s2;
	s12 =	sadd.s32 $0xFFFFFFFF, s29;
	[dreg:$0x7] =	wrdreg s0  }
.LBB2_1:
0x11: {  	s0 =	rddreg [dreg:$0x1]  }
0x12: {  	[spmem:s13], [sflag:s7] =	dma.local [hbm:s0], $0x2780  }
0x13: {  	_ =	swait.ge [sflag:s15], $0x2780  }
0x14: {  	[sflag:s15] =	ssyncset.done $0x0  }
0x15: {  	[sflag:s15] =	ssyncadd.s32 $0xFFFFD880  }
0x16: {  	[bflag:$0x0] =	sbarrier.arrive $0xFFFF  }
0x17: {  	[tilespmem:s4], [sflag:$0x3] =	stream.linear.gather [hbm4b:s8+s4], $0x1800, $0x38;
	[tilespmem:$0x1EC00] =	vst v63  }
0x18: {  	_ =	swait.ge [sflag:s15], $0x1800  }
0x19: {  	[sflag:s15] =	ssyncset.done $0x0  }
0x1a: {  	s31 =	simm.s32 $0x1800;
	p1 =	sne.s32 s12, $0x1;
	[sflag:s15] =	ssyncadd.s32 $0xFFFFE800  }
0x1b: {  	[tilespmem:s31], [sflag:$0x3] =	stream.linear.gather [hbm4b:s24+s4], $0x1800, $0x38;
	[tilespmem:$0x1EC00] =	vst v63  }
.Ltmp0:
0x1c: {  	_ = 	snop;
	(pc) =	sbr.rel @!p1 .LBB2_2-.Ltmp0, $4  }
0x1d: {  	_ =	swait.ge [sflag:s15], $0x1800  }
0x1e: {  	s30 =	simm.s32 $0x100;
	[sflag:s15] =	ssyncset.done $0x0  }
0x1f: {  	s26 =	simm.s32 $0x1880;
	p0 =	por $0x0, $0x0;
	[sflag:s15] =	ssyncadd.s32 $0xFFFFE800  }
0x20: {  	[tilespmem:s19], [sflag:$0x1] =	stream.indirect.gather [hbm4b:s5+s18], $0x80, s4, s18, $0xb8;
	[tilespmem:$0x1EC00] =	vst v63  }
0x21: {  	s0 =	simm.s32 $0x80  }
0x22: {  	[tilespmem:s21], [sflag:$0x2] =	stream.indirect.gather [hbm4b:s5+s18], $0x80, s0, s18, $0xb8;
	[tilespmem:$0x1EC00] =	vst v63  }
0x23: {  	_ =	swait.ge [sflag:s22], $0x4000  }
0x24: {  	[sflag:s22] =	ssyncset.done $0x0  }
0x25: {  	s31 =	simm.s32 $0x1800;
	[sflag:s22] =	ssyncadd.s32 $0xFFFFC000  }
0x26: {  	[spmem:s3] =	stream.indirect.scatter.add.f32 [tilespmem:s19], [sflag:$0x3], $0x80, s31, s18, $0xb8;
	[tilespmem:$0x1EC00] =	vst v63  }
0x27: {  	_ =	swait.ge [sflag:s15], $0x4000  }
0x28: {  	p0 =	sle.u32 s6, $0x2;
	[sflag:s15] =	ssyncset.done $0x0  }
0x29: {  	s0 =	simm.s32 @!p0 $0x80;
	s1 =	simm.s32 @!p0 $0x3000;
	[sflag:s15] =	ssyncadd.s32 $0xFFFFC000  }
0x2a: {  	[tilespmem:s1], [sflag:$0x1] =	stream.indirect.gather @!p0 [hbm4b:s5+s0], $0x80, s30, s0, $0xb8;
	[tilespmem:$0x1EC00] =	vst v63  }
0x2b: {  	p1 =	sne.s32 s12, $0x2;
	_ =	swait.ge [sflag:s23], $0x4000  }
.Ltmp1:
0x2c: {  	[sflag:s23] =	ssyncset.done $0x0;
	(pc) =	sbr.rel @!p1 .LBB2_6-.Ltmp1, $4  }
0x2d: {  	s2 =	simm.s32 $0x2;
	s0 =	simm.s32 $0x2;
	[sflag:s23] =	ssyncadd.s32 $0xFFFFC000  }
0x2e: {  	[spmem:s3] =	stream.indirect.scatter.add.f32 [tilespmem:s21], [sflag:$0x3], $0x80, s26, s18, $0xb8;
	[tilespmem:$0x1EC00] =	vst v63  }
0x2f: {  	s30 =	simm.s32 $0x200;
	s1 =	simm.s32 $0x4;
	_ =	swait.ge [sflag:s15], $0x4000  }
0x30: {  	p0 =	por $0x1, $0x1;
	s26 =	simm.s32 $0x1980;
	[sflag:s15] =	ssyncset.done $0x0  }
.LBB2_4:
0x31: {  	s0 =	sadd.s32 $0x1, s0;
	s11 =	sadd.s32 $0xFFFFFF80, s30;
	[sflag:s15] =	ssyncadd.s32 $0xFFFFC000  }
0x32: {  	[tilespmem:s21], [sflag:$0x2] =	stream.indirect.gather [hbm4b:s5+s18], $0x80, s11, s18, $0xb8;
	[tilespmem:$0x1EC00] =	vst v63  }
0x33: {  	p1 =	sne.s32 s12, s0;
	_ =	swait.ge [sflag:s22], $0x4000  }
0x34: {  	[sflag:s22] =	ssyncset.done $0x0  }
0x35: {  	s11 =	sadd.s32 $0xFFFFFF80, s26;
	[sflag:s22] =	ssyncadd.s32 $0xFFFFC000  }
0x36: {  	[spmem:s3] =	stream.indirect.scatter.add.f32 [tilespmem:s19], [sflag:$0x3], $0x80, s11, s18, $0xb8;
	[tilespmem:$0x1EC00] =	vst v63  }
0x37: {  	_ =	swait.ge [sflag:s15], $0x4000  }
0x38: {  	p2 =	sge.u32 s1, s6;
	[sflag:s15] =	ssyncset.done $0x0  }
0x39: {  	s14 =	simm.s32 @!p2 $0x3000;
	s11 =	simm.s32 @!p2 $0x80;
	[sflag:s15] =	ssyncadd.s32 $0xFFFFC000  }
0x3a: {  	[tilespmem:s14], [sflag:$0x1] =	stream.indirect.gather @!p2 [hbm4b:s5+s11], $0x80, s30, s11, $0xb8;
	[tilespmem:$0x1EC00] =	vst v63  }
0x3b: {  	_ =	swait.ge [sflag:s23], $0x4000  }
.Ltmp2:
0x3c: {  	s16 =	sadd.s32 $0x1, s2;
	[sflag:s23] =	ssyncset.done $0x0;
	(pc) =	sbr.rel @p1 .LBB2_4-.Ltmp2, $4  }
0x3d: {  	s20 =	sadd.s32 $0x100, s30;
	s1 =	sadd.s32 $0x2, s1;
	[sflag:s23] =	ssyncadd.s32 $0xFFFFC000  }
0x3e: {  	[spmem:s3] =	stream.indirect.scatter.add.f32 [tilespmem:s21], [sflag:$0x3], $0x80, s26, s18, $0xb8;
	[tilespmem:$0x1EC00] =	vst v63  }
0x3f: {  	s2 =	smov.u32 s16;
	s14 =	sadd.s32 $0x100, s26;
	_ =	swait.ge [sflag:s15], $0x4000  }
0x40: {  	s30 =	smov.u32 s20;
	s26 =	smov.u32 s14;
	[sflag:s15] =	ssyncset.done $0x0  }
0x41: {  	s30 =	smov.u32 s20;
	s26 =	smov.u32 s14  }
.LBB2_6:
0x42: {  	s0 =	sadd.s32 $0xFFFFFF80, s30;
	[sflag:s15] =	ssyncadd.s32 @p0 $0xFFFFC000  }
0x43: {  	[tilespmem:s21], [sflag:$0x2] =	stream.indirect.gather [hbm4b:s5+s18], $0x80, s0, s18, $0xb8;
	[tilespmem:$0x1EC00] =	vst v63  }
0x44: {  	_ =	swait.ge [sflag:s22], $0x4000  }
0x45: {  	[sflag:s22] =	ssyncset.done $0x0  }
0x46: {  	s9 =	sadd.s32 $0xFFFFFF80, s26;
	[sflag:s22] =	ssyncadd.s32 $0xFFFFC000  }
0x47: {  	[spmem:s3] =	stream.indirect.scatter.add.f32 [tilespmem:s19], [sflag:$0x3], $0x80, s9, s18, $0xb8;
	[tilespmem:$0x1EC00] =	vst v63  }
0x48: {  	_ =	swait.ge [sflag:s15], $0x4000  }
0x49: {  	p0 =	sge.u32 s1, s6;
	[sflag:s15] =	ssyncset.done $0x0  }
0x4a: {  	s0 =	simm.s32 @!p0 $0x80;
	s2 =	simm.s32 @!p0 $0x3000;
	[sflag:s15] =	ssyncadd.s32 $0xFFFFC000  }
0x4b: {  	[tilespmem:s2], [sflag:$0x1] =	stream.indirect.gather @!p0 [hbm4b:s5+s0], $0x80, s30, s0, $0xb8;
	[tilespmem:$0x1EC00] =	vst v63  }
0x4c: {  	_ =	swait.ge [sflag:s23], $0x4000  }
0x4d: {  	[sflag:s23] =	ssyncset.done $0x0  }
0x4e: {  	[sflag:s23] =	ssyncadd.s32 $0xFFFFC000  }
0x4f: {  	[spmem:s3] =	stream.indirect.scatter.add.f32 [tilespmem:s21], [sflag:$0x3], $0x80, s26, s18, $0xb8;
	[tilespmem:$0x1EC00] =	vst v63  }
0x50: {  	_ =	swait.ge [sflag:s15], $0x4000  }
0x51: {  	[sflag:s15] =	ssyncset.done $0x0  }
0x52: {  	s28 =	sadd.s32 $0x80, s20;
	[sflag:s15] =	ssyncadd.s32 $0xFFFFC000  }
0x53: {  	[tilespmem:s21], [sflag:$0x2] =	stream.indirect.gather [hbm4b:s5+s18], $0x80, s28, s18, $0xb8;
	[tilespmem:$0x1EC00] =	vst v63  }
0x54: {  	_ =	swait.ge [sflag:s22], $0x4000  }
0x55: {  	[sflag:s22] =	ssyncset.done $0x0  }
0x56: {  	s29 =	sadd.s32 $0x80, s14;
	[sflag:s22] =	ssyncadd.s32 $0xFFFFC000  }
0x57: {  	[spmem:s3] =	stream.indirect.scatter.add.f32 [tilespmem:s19], [sflag:$0x3], $0x80, s29, s18, $0xb8;
	[tilespmem:$0x1EC00] =	vst v63  }
0x58: {  	s10 =	sadd.s32 $0x2, s1;
	s11 =	simm.s32 $0x2;
	_ =	swait.ge [sflag:s15], $0x4000  }
0x59: {  	s30 =	sadd.s32 $0x100, s30;
	p0 =	sge.u32 s10, s6;
	[sflag:s15] =	ssyncset.done $0x0  }
0x5a: {  	s31 =	simm.s32 @!p0 $0x80;
	s1 =	simm.s32 @!p0 $0x3000;
	[sflag:s15] =	ssyncadd.s32 $0xFFFFC000  }
0x5b: {  	[tilespmem:s1], [sflag:$0x1] =	stream.indirect.gather @!p0 [hbm4b:s5+s31], $0x80, s30, s31, $0xb8;
	[tilespmem:$0x1EC00] =	vst v63  }
0x5c: {  	_ =	swait.ge [sflag:s11], $0x4000  }
0x5d: {  	[sflag:s11] =	ssyncset.done $0x0  }
0x5e: {  	s2 =	simm.s32 $0x80;
	s26 =	sadd.s32 $0x100, s26;
	[sflag:s11] =	ssyncadd.s32 $0xFFFFC000  }
0x5f: {  	[spmem:s3] =	stream.indirect.scatter.add.f32 [tilespmem:s21], [sflag:$0x3], $0x80, s26, s2, $0xb8;
	[tilespmem:$0x1EC00] =	vst v63  }
0x60: {  	_ =	swait.ge [sflag:s15], $0x4000  }
0x61: {  	[sflag:s15] =	ssyncset.done $0x0;
	s7 =	rddreg [dreg:$0x5]  }
0x62: {  	[sflag:s15] =	ssyncadd.s32 $0xFFFFC000;
	s17 =	sadd.s32 s7, s8  }
0x63: {  	[tilespmem:s4], [sflag:$0x3] =	stream.linear.gather [hbm4b:s17+s4], $0x1800, $0x38;
	[tilespmem:$0x1EC00] =	vst v63  }
0x64: {  	_ =	swait.ge [sflag:s15], $0x1800  }
0x65: {  	[sflag:s15] =	ssyncset.done $0x0  }
0x66: {  	s0 =	simm.s32 $0x1800;
	s11 =	sadd.s32 s7, s24;
	[sflag:s15] =	ssyncadd.s32 $0xFFFFE800  }
0x67: {  	[tilespmem:s0], [sflag:$0x3] =	stream.linear.gather [hbm4b:s11+s4], $0x1800, $0x38;
	[tilespmem:$0x1EC00] =	vst v63  }
0x68: {  	_ =	swait.ge [sflag:s15], $0x1800  }
0x69: {  	[sflag:s15] =	ssyncset.done $0x0  }
0x6a: {  	[sflag:s15] =	ssyncadd.s32 $0xFFFFE800  }
0x6b: {  	[tilespmem:s19], [sflag:$0x1] =	stream.indirect.gather [hbm4b:s5+s2], $0x80, s4, s2, $0xb8;
	[tilespmem:$0x1EC00] =	vst v63  }
0x6c: {  	_ = 	snop  }
0x6d: {  	[tilespmem:s21], [sflag:$0x2] =	stream.indirect.gather [hbm4b:s5+s18], $0x80, s2, s18, $0xb8;
	[tilespmem:$0x1EC00] =	vst v63  }
0x6e: {  	_ =	swait.ge [sflag:s22], $0x4000  }
0x6f: {  	[sflag:s22] =	ssyncset.done $0x0  }
0x70: {  	[sflag:s22] =	ssyncadd.s32 $0xFFFFC000  }
0x71: {  	[spmem:s3] =	stream.indirect.scatter.add.f32 [tilespmem:s19], [sflag:$0x3], $0x80, s0, s18, $0xb8;
	[tilespmem:$0x1EC00] =	vst v63  }
0x72: {  	p1 =	sle.u32 s6, $0x2;
	_ =	swait.ge [sflag:s15], $0x4000  }
0x73: {  	s17 =	simm.s32 @!p1 $0x3000;
	[sflag:s15] =	ssyncset.done $0x0  }
0x74: {  	s11 =	simm.s32 @!p1 $0x80;
	s2 =	simm.s32 @!p1 $0x100;
	[sflag:s15] =	ssyncadd.s32 $0xFFFFC000  }
0x75: {  	[tilespmem:s17], [sflag:$0x1] =	stream.indirect.gather @!p1 [hbm4b:s5+s11], $0x80, s2, s11, $0xb8;
	[tilespmem:$0x1EC00] =	vst v63  }
0x76: {  	s2 =	sadd.s32 $0xFFFFFFFF, s16  }
0x77: {  	p1 =	sne.s32 s2, $0x0  }
.Ltmp3:
0x78: {  	_ =	swait.ge [sflag:s23], $0x4000;
	(pc) =	sbr.rel @!p1 .LBB2_8-.Ltmp3, $4  }
0x79: {  	s9 =	smov.u32 s8;
	[sflag:s23] =	ssyncset.done $0x0  }
0x7a: {  	s10 =	smov.u32 s24;
	s24 =	simm.s32 $0x1880;
	[sflag:s23] =	ssyncadd.s32 $0xFFFFC000  }
0x7b: {  	[spmem:s3] =	stream.indirect.scatter.add.f32 [tilespmem:s21], [sflag:$0x3], $0x80, s24, s18, $0xb8;
	[tilespmem:$0x1EC00] =	vst v63  }
0x7c: {  	s17 =	simm.s32 $0x180;
	s11 =	simm.s32 $0x4;
	_ =	swait.ge [sflag:s15], $0x4000  }
.LBB2_7:
0x7d: {  	s2 =	sadd.s32 $0xFFFFFFFF, s2;
	[sflag:s15] =	ssyncset.done $0x0;
	s0 =	sadd.s32 $0x100, s0  }
0x7e: {  	p1 =	sne.s32 s2, $0x0;
	[sflag:s15] =	ssyncadd.s32 $0xFFFFC000  }
0x7f: {  	[tilespmem:s21], [sflag:$0x2] =	stream.indirect.gather [hbm4b:s5+s18], $0x80, s17, s18, $0xb8;
	[tilespmem:$0x1EC00] =	vst v63  }
0x80: {  	_ =	swait.ge [sflag:s22], $0x4000  }
0x81: {  	[sflag:s22] =	ssyncset.done $0x0  }
0x82: {  	[sflag:s22] =	ssyncadd.s32 $0xFFFFC000  }
0x83: {  	[spmem:s3] =	stream.indirect.scatter.add.f32 [tilespmem:s19], [sflag:$0x3], $0x80, s0, s18, $0xb8;
	[tilespmem:$0x1EC00] =	vst v63  }
0x84: {  	p2 =	sge.u32 s11, s6;
	_ =	swait.ge [sflag:s15], $0x4000  }
0x85: {  	s24 =	sadd.s32 @!p2 $0x80, s17;
	s7 =	simm.s32 @!p2 $0x80;
	[sflag:s15] =	ssyncset.done $0x0  }
0x86: {  	s8 =	simm.s32 @!p2 $0x3000;
	[sflag:s15] =	ssyncadd.s32 $0xFFFFC000  }
0x87: {  	[tilespmem:s8], [sflag:$0x1] =	stream.indirect.gather @!p2 [hbm4b:s5+s7], $0x80, s24, s7, $0xb8;
	[tilespmem:$0x1EC00] =	vst v63  }
.Ltmp4:
0x88: {  	_ =	swait.ge [sflag:s23], $0x4000;
	(pc) =	sbr.rel @p1 .LBB2_7-.Ltmp4, $4  }
0x89: {  	s7 =	sadd.s32 $0x80, s0;
	[sflag:s23] =	ssyncset.done $0x0  }
0x8a: {  	[sflag:s23] =	ssyncadd.s32 $0xFFFFC000  }
0x8b: {  	[spmem:s3] =	stream.indirect.scatter.add.f32 [tilespmem:s21], [sflag:$0x3], $0x80, s7, s18, $0xb8;
	[tilespmem:$0x1EC00] =	vst v63  }
0x8c: {  	s11 =	sadd.s32 $0x2, s11;
	s17 =	sadd.s32 $0x100, s17;
	_ =	swait.ge [sflag:s15], $0x4000  }
.LBB2_8:
0x8d: {  	[sflag:s15] =	ssyncset.done $0x0  }
0x8e: {  	[sflag:s15] =	ssyncadd.s32 $0xFFFFC000  }
0x8f: {  	[tilespmem:s21], [sflag:$0x2] =	stream.indirect.gather [hbm4b:s5+s18], $0x80, s28, s18, $0xb8;
	[tilespmem:$0x1EC00] =	vst v63  }
0x90: {  	_ =	swait.ge [sflag:s22], $0x4000  }
0x91: {  	[sflag:s22] =	ssyncset.done $0x0  }
0x92: {  	[sflag:s22] =	ssyncadd.s32 $0xFFFFC000  }
0x93: {  	[spmem:s3] =	stream.indirect.scatter.add.f32 [tilespmem:s19], [sflag:$0x3], $0x80, s29, s18, $0xb8;
	[tilespmem:$0x1EC00] =	vst v63  }
0x94: {  	_ =	swait.ge [sflag:s15], $0x4000  }
0x95: {  	[sflag:s15] =	ssyncset.done $0x0  }
0x96: {  	[sflag:s15] =	ssyncadd.s32 $0xFFFFC000  }
0x97: {  	[tilespmem:s1], [sflag:$0x1] =	stream.indirect.gather @!p0 [hbm4b:s5+s31], $0x80, s30, s31, $0xb8;
	[tilespmem:$0x1EC00] =	vst v63  }
0x98: {  	_ =	swait.ge [sflag:s23], $0x4000  }
0x99: {  	[sflag:s23] =	ssyncset.done $0x0  }
0x9a: {  	[sflag:s23] =	ssyncadd.s32 $0xFFFFC000  }
0x9b: {  	[spmem:s3] =	stream.indirect.scatter.add.f32 [tilespmem:s21], [sflag:$0x3], $0x80, s26, s18, $0xb8;
	[tilespmem:$0x1EC00] =	vst v63  }
0x9c: {  	_ =	swait.ge [sflag:s15], $0x4000  }
0x9d: {  	[sflag:s15] =	ssyncset.done $0x0  }
0x9e: {  	[sflag:s15] =	ssyncadd.s32 $0xFFFFC000  }
0x9f: {  	[bflag:$0x0] =	sbarrier.arrive $0xFFFF  }
0xa0: {  	s7 =	rddreg [dreg:$0x4]  }
0xa1: {  	s0 =	rddreg [dreg:$0x7]  }
0xa2: {  	[hbm:s0], [sflag:s7] =	dma.local [spmem:s13], $0x2780  }
0xa3: {  	_ =	swait.ge [sflag:s15], $0x2780  }
0xa4: {  	s25 =	sadd.s32 $0x1, s25;
	s31 =	rddreg [dreg:$0x6]  }
0xa5: {  	p0 =	sne.s32 s25, s31  }
.Ltmp5:
0xa6: {  	_ = 	snop;
	(pc) =	sbr.rel @p0 .LBB2_1-.Ltmp5, $4  }
.Ltmp6:
0xa7: {  	_ = 	snop;
	(pc) =	sbr.rel @!p0 .LBB2_9-.Ltmp6, $4  }
0xa8: {  	_ = 	snop  }
0xa9: {  	[sflag:s15] =	ssyncset.done $0x0  }
0xaa: {  	s8 =	smov.u32 s9;
	s24 =	smov.u32 s10;
	[sflag:s15] =	ssyncadd.s32 $0xFFFFD880  }
0xab: {  	_ = 	snop  }
.LBB2_2:
.Ltmp7:
0xac: {  	(pc) =	sbr.rel .LBB2_6-.Ltmp7, $2  }
0xad: {  	_ =	sdelay $0x2  }
0xae: {  	s1 =	simm.s32 $0x2  }
.LBB2_9:
0xaf: {  	_ =	sfence.sel $0x180000  }
0xb0: {  	[bflag:$0x0] =	sbarrier.arrive $0xFFFF  }
0xb1: {  	_ =	strace $0x9000004D  }
0xb2: {  	s0 =	stileid.u32;
	[bflag:$0x2] =	sbarrier.arrive $0xFFFF  }
0xb3: {  	p0 =	sne.s32 s0, $0x0;
	s0 =	rddreg [dreg:$0x3]  }
0xb4: {  	s0 =	sadd.s32 @!p0 $0x100000, s0  }
0xb5: {  	[sflag:s0] =	ssyncadd.tile.s32 @!p0 $0x1;
	_ =	shalt  }
.Lfunc_end2:
_tile_overlayer_lowered:
.L_overlay_start_2:
0xb6: {  	(tag) =	ssettag $0x2  }
0xb7: {  	s0 =	rddreg [dreg:$0x0];
	s2 =	stileid.u32  }
0xb8: {  	s1 =	rddreg [dreg:$0x1];
	p0 =	sne.s32 s2, $0x0  }
0xb9: {  	s3 =	rddreg [dreg:$0x2];
	[bflag:$0x3] =	sbarrier.arrive $0xFFFF;
	s2 =	simm.s32 @!p0 $0x1C03  }
0xba: {  	[timem:s3], [sflag:s2] =	dma.local @!p0 [hbm:s0], s1  }
0xbb: {  	s0 =	simm.s32 @!p0 $0x3  }
0xbc: {  	_ =	swait.ge @!p0 [sflag:s0], s1  }
0xbd: {  	s1 =	ssub.s32 @!p0 $0x0, s1;
	[sflag:s0] =	ssyncset.done @!p0 $0x0  }
0xbe: {  	[sflag:s0] =	ssyncadd.s32 @!p0 s1  }
0xbf: {  	[bflag:$0x3] =	sbarrier.arrive $0xFFFF  }
0xc0: {  	_ =	shalt  }

// kernel: kernel.19.cloned.1.call-start
scs
__scs_entry_jumppad:
0x0: {  	(pc) =	sbr.rel $0x88, $3  }
0x1: {  	(tag) =	ssettag $0x0;
	lr =	simm.s32 $0x1  }
0x2: {  	[smem:$0x3F99] =	sst lr;
	_ =	strace $0xD0000000  }
0x3: {  	_ = 	snop  }
0x4: {  	_ = 	snop  }
0x5: {  	_ = 	snop  }
0x6: {  	_ = 	snop  }
0x7: {  	_ = 	snop  }
__scs_overlays_trampoline_lowered:
0x8: {  	[smem:$0x3FA8] =	sst s0  }
0x9: {  	[smem:$0x3FA9] =	sst s1  }
0xa: {  	[smem:$0x3FAA] =	sst s2  }
0xb: {  	[smem:$0x3FAB] =	sst s3  }
0xc: {  	[smem:$0x3FAC] =	sst s4  }
0xd: {  	[smem:$0x3FAD] =	sst s5  }
0xe: {  	[smem:$0x3FAE] =	sst s6  }
0xf: {  	[smem:$0x3FAF] =	sst s7  }
0x10: {  	[smem:$0x3FB0] =	sst s8  }
0x11: {  	[smem:$0x3FB1] =	sst s9;
	s0 =	simm.s32 @!p0 $0x0  }
0x12: {  	s1 =	sld [smem:$0x3F97];
	s0 =	simm.s32 @p0 $0x1  }
0x13: {  	[smem:$0x3FB2] =	sst s0;
	s0 =	simm.s32 @!p1 $0x0  }
0x14: {  	s2 =	sld [smem:$0x3F96];
	s0 =	simm.s32 @p1 $0x1  }
0x15: {  	[smem:$0x3FB3] =	sst s0;
	s0 =	simm.s32 @!p2 $0x0  }
0x16: {  	s3 =	sld [smem:$0x3FDB];
	s0 =	simm.s32 @p2 $0x1  }
0x17: {  	s4 =	simm.s32 $0x1BF5;
	[smem:$0x3FB5] =	sst s0  }
0x18: {  	s0 =	sld [smem:$0x3F98];
	_ =	swait.ge [sflag:s4], $0x0  }
0x19: {  	s7 =	sld [smem:$0x3F99]  }
0x1a: {  	s8 =	sadd.s32 $0xFFFFE003, lr  }
0x1b: {  	s9 =	sadd.s32 $0xFFFFFEF7, lr;
	s5 =	simm.s32 $0xFFFFFFFF;
	p2 =	slt.u32 s8, $0xFFFFF086  }
0x1c: {  	p1 =	slt.u32 s9, $0xF7A;
	s5 =	simm.s32 @!p2 $0x0  }
0x1d: {  	s5 =	simm.s32 @p1 $0x1;
	p0 =	seq.s32 s7, s2  }
0x1e: {  	s7 =	smul.u32 @!p0 $0xF7A, s2;
	p2 =	seq.s32 @!p0 s5, $0x0  }
0x1f: {  	s9 =	smul.u32 $0xF7A, s1;
	s8 =	simm.s32 @!p0 $0x1BF5;
	p2 =	por !p2, p0  }
0x20: {  	[sflag:s8] =	ssyncset.s32 @!p0 $0xFFFFF086;
	s6 =	sadd.s32 @!p0 s3, s7;
	s7 =	simm.s32 @!p0 $0x108  }
0x21: {  	s3 =	sadd.s32 s3, s9;
	s6 =	sadd.s32 @!p0 $0x88, s6;
	s7 =	simm.s32 @p2 $0x1082  }
0x22: {  	[simem:s7], [sflag:s8] =	dma.local @!p0 [hbm:s6], $0xF7A  }
0x23: {  	s9 =	sor.u32 $0xD0000000, s2;
	s6 =	simm.s32 $0x108;
	_ =	swait.ge @!p0 [sflag:s8], $0x0  }
0x24: {  	s3 =	sadd.s32 $0x88, s3;
	s6 =	simm.s32 @!p1 $0x1082;
	[sflag:s4] =	ssyncset.s32 $0xFFFFF086  }
0x25: {  	[simem:s6], [sflag:s4] =	dma.local [hbm:s3], $0xF7A  }
0x26: {  	[smem:$0x3F99] =	sst s1;
	(tag) =	ssettag s2;
	_ =	strace s9  }
0x27: {  	s1 =	sld [smem:$0x3FA9]  }
0x28: {  	s2 =	sld [smem:$0x3FAA]  }
0x29: {  	s4 =	sld [smem:$0x3FAC]  }
0x2a: {  	p0 =	seq.s32 s5, $0x0;
	s5 =	sld [smem:$0x3FAD]  }
0x2b: {  	s6 =	sld [smem:$0x3FAE]  }
0x2c: {  	s7 =	sld [smem:$0x3FAF]  }
0x2d: {  	s3 =	simm.s32 $0x108;
	s8 =	sld [smem:$0x3FB0]  }
0x2e: {  	s3 =	simm.s32 @!p0 $0x1082;
	s9 =	sld [smem:$0x3FB1]  }
0x2f: {  	lr =	sadd.s32 s0, s3;
	s0 =	sld [smem:$0x3FA8]  }
0x30: {  	s3 =	sld [smem:$0x3FAB]  }
0x31: {  	[smem:$0x3FB4] =	sst s10  }
0x32: {  	s10 =	sld [smem:$0x3FB2];
	_ =	sdelay $0x3  }
0x33: {  	p0 =	seq.s32 s10, $0x1;
	s10 =	sld [smem:$0x3FB4];
	_ =	sdelay $0x3  }
0x34: {  	[smem:$0x3FB4] =	sst s10  }
0x35: {  	s10 =	sld [smem:$0x3FB3];
	_ =	sdelay $0x3  }
0x36: {  	p1 =	seq.s32 s10, $0x1;
	s10 =	sld [smem:$0x3FB4];
	_ =	sdelay $0x3  }
0x37: {  	[smem:$0x3FB4] =	sst s10  }
0x38: {  	s10 =	sld [smem:$0x3FB5]  }
0x39: {  	_ = 	snop;
	(pc) =	sbr.ind lr, $3  }
0x3a: {  	_ = 	snop  }
0x3b: {  	_ = 	snop  }
0x3c: {  	p2 =	seq.s32 s10, $0x1;
	s10 =	sld [smem:$0x3FB4]  }
0x3d: {  	_ =	shalt  }
0x3e: {  	_ =	shalt  }
0x3f: {  	_ =	shalt  }
0x40: {  	_ =	shalt  }
0x41: {  	_ =	shalt  }
0x42: {  	_ =	shalt  }
0x43: {  	_ =	shalt  }
0x44: {  	_ =	shalt  }
0x45: {  	_ =	shalt  }
0x46: {  	_ =	shalt  }
0x47: {  	_ =	shalt  }
0x48: {  	_ =	shalt  }
0x49: {  	_ =	shalt  }
0x4a: {  	_ =	shalt  }
0x4b: {  	_ =	shalt  }
0x4c: {  	_ =	shalt  }
0x4d: {  	_ =	shalt  }
0x4e: {  	_ =	shalt  }
0x4f: {  	_ =	shalt  }
0x50: {  	_ =	shalt  }
0x51: {  	_ =	shalt  }
0x52: {  	_ =	shalt  }
0x53: {  	_ =	shalt  }
0x54: {  	_ =	shalt  }
0x55: {  	_ =	shalt  }
0x56: {  	_ =	shalt  }
0x57: {  	_ =	shalt  }
0x58: {  	_ =	shalt  }
0x59: {  	_ =	shalt  }
0x5a: {  	_ =	shalt  }
0x5b: {  	_ =	shalt  }
0x5c: {  	_ =	shalt  }
0x5d: {  	_ =	shalt  }
0x5e: {  	_ =	shalt  }
0x5f: {  	_ =	shalt  }
0x60: {  	_ =	shalt  }
0x61: {  	_ =	shalt  }
0x62: {  	_ =	shalt  }
0x63: {  	_ =	shalt  }
0x64: {  	_ =	shalt  }
0x65: {  	_ =	shalt  }
0x66: {  	_ =	shalt  }
0x67: {  	_ =	shalt  }
0x68: {  	_ =	shalt  }
0x69: {  	_ =	shalt  }
0x6a: {  	_ =	shalt  }
0x6b: {  	_ =	shalt  }
0x6c: {  	_ =	shalt  }
0x6d: {  	_ =	shalt  }
0x6e: {  	_ =	shalt  }
0x6f: {  	_ =	shalt  }
0x70: {  	_ =	shalt  }
0x71: {  	_ =	shalt  }
0x72: {  	_ =	shalt  }
0x73: {  	_ =	shalt  }
0x74: {  	_ =	shalt  }
0x75: {  	_ =	shalt  }
0x76: {  	_ =	shalt  }
0x77: {  	_ =	shalt  }
0x78: {  	_ =	shalt  }
0x79: {  	_ =	shalt  }
0x7a: {  	_ =	shalt  }
0x7b: {  	_ =	shalt  }
0x7c: {  	_ =	shalt  }
0x7d: {  	_ =	shalt  }
0x7e: {  	_ =	shalt  }
0x7f: {  	_ =	shalt  }
0x80: {  	_ =	shalt  }
0x81: {  	_ =	shalt  }
0x82: {  	_ =	shalt  }
0x83: {  	_ =	shalt  }
0x84: {  	_ =	shalt  }
0x85: {  	_ =	shalt  }
0x86: {  	_ =	shalt  }
0x87: {  	_ =	shalt  }
.Lfunc_end0:
.L_simem_size_0:
called_computation.3_lowered:
.L_overlay_start_0:
0x88: {  	s2 =	sld [smem:$0x3FD9]  }
0x89: {  	s3 =	sld [smem:$0x3FFE];
	_ =	sdelay $0x1  }
0x8a: {  	s1 =	srdreg.scid  }
0x8b: {  	s0 =	sand.u32 $0x1, s1  }
0x8c: {  	s16 =	sshll.u32 s0, $0xA;
	s2 =	sadd.s32 s3, s2  }
0x8d: {  	s2 =	sadd.s32 s2, s16  }
0x8e: {  	[smem:$0x3FC0] =	sst s2  }
0x8f: {  	_ = 	snop  }
0x90: {  	(tm) =	ssettm $0x1  }
0x91: {  	s17 =	sld [smem:$0x3FFB];
	_ =	sdelay $0x3  }
0x92: {  	_ =	strace s17  }
0x93: {  	s2 =	sld [smem:$0x3FFC];
	_ =	sdelay $0x3  }
0x94: {  	_ =	strace s2  }
0x95: {  	s2 =	sld [smem:$0x3FFD];
	_ =	sdelay $0x3  }
0x96: {  	_ =	strace s2  }
0x97: {  	_ =	strace $0x8FFFFFFF  }
0x98: {  	s18 =	sld [smem:$0x3FDB];
	_ =	sdelay $0x1  }
0x99: {  	s19 =	simm.s32 $_scs_section_size  }
0x9a: {  	s4 =	simm.s32 $_size__tile_overlayer_lowered;
	s5 =	simm.s32 $_tile_overlayer_lowered  }
0x9b: {  	s22 =	simm.s32 $0x1BFF;
	s21 =	sshll.u32 s5, $0x1;
	s2 =	sadd.s32 s19, s18  }
0x9c: {  	s6 =	simm.s32 $0x0;
	s20 =	sshll.u32 s4, $0x1;
	s4 =	sadd.s32 s21, s2  }
0x9d: {  	[timem:s6], [sflag:s22] =	dma.local [hbm:s4], s20  }
0x9e: {  	_ =	swait.ge [sflag:s22], s20  }
0x9f: {  	s3 =	ssub.s32 $0x0, s20;
	[sflag:s22] =	ssyncset.done $0x0  }
0xa0: {  	[sflag:s22] =	ssyncadd.s32 s3;
	_ =	sdelay $0x1  }
0xa1: {  	s23 =	simm.s32 $0x1B8B  }
0xa2: {  	_ =	swait.ge [sflag:s23], $0x1  }
0xa3: {  	[sflag:s23] =	ssyncset.done $0x0  }
0xa4: {  	s25 =	simm.s32 $0x1B8E;
	s24 =	sld [smem:$0x3FFE];
	[sflag:s23] =	ssyncadd.s32 $0xFFFFFFFF  }
0xa5: {  	s26 =	simm.s32 $execute0_lowered;
	[smem:$0x3FD2] =	sst s25  }
0xa6: {  	s4 =	sshll.u32 s26, $0x1;
	_ =	strace $0x8000004F;
	[dreg:$0x1] =	wrdreg $0xFFFFFFFF  }
0xa7: {  	s28 =	simm.s32 $_size_execute0_lowered;
	s2 =	sadd.s32 s2, s4;
	[dreg:$0x0] =	wrdreg $0x0  }
0xa8: {  	s4 =	sshll.u32 s28, $0x1;
	[dreg:$0x2] =	wrdreg s2  }
0xa9: {  	[dreg:$0x3] =	wrdreg s4  }
0xaa: {  	[dreg:$0x4] =	wrdreg $0xC0  }
0xab: {  	_ =	task [dreg:s6], $0x5FFFF  }
0xac: {  	[dreg:$0x1] =	wrdreg $0xFFFFFFFF  }
0xad: {  	[dreg:$0x0] =	wrdreg $0x60  }
0xae: {  	[dreg:$0x2] =	wrdreg s24  }
0xaf: {  	[dreg:$0x3] =	wrdreg $0x9  }
0xb0: {  	_ =	task.clear_ibuf [dreg:s6], $0x4FFFF;
	_ =	strace $0x9000004F  }
0xb1: {  	s29 =	simm.s32 $0x9;
	_ =	strace $0x80000051  }
0xb2: {  	_ =	swait.ge [sflag:s29], $0x1  }
0xb3: {  	[sflag:s29] =	ssyncadd.s32 $0xFFFFFFFF  }
0xb4: {  	_ =	strace $0x90000051  }
0xb5: {  	_ =	sfence  }
0xb6: {  	s30 =	sld [smem:$0x0];
	_ =	sdelay $0x2  }
0xb7: {  	s31 =	sshll.u32 s1, $0xD;
	s1 =	sshrl.u32 s1, $0x2  }
0xb8: {  	s3 =	sand.u32 $0x4000, s31;
	s1 =	sadd.s32 s1, s30  }
0xb9: {  	s0 =	sor.u32 s3, s0;
	s1 =	sshll.u32 s1, $0x11  }
0xba: {  	s0 =	sor.u32 s1, s0  }
0xbb: {  	s0 =	sadd.s32 $0x8F2B, s0  }
0xbc: {  	[sflag:s0] =	ssyncadd.remote.s32 $0x1  }
0xbd: {  	_ =	sfence.sel $0xFFFF  }
0xbe: {  	[dreg:$0x0] =	wrdreg $0xFFFFFFFF;
	(pc) =	sbr.abs _section_cstart, $3  }
0xbf: {  	[dreg:$0x1] =	wrdreg $0xFFFFFFFF  }
0xc0: {  	_ =	task.clear_ibuf [dreg:s6], $0x2FFFF;
	_ =	strace $0x9FFFFFFF  }
0xc1: {  	(tm) =	ssettm $0x7FFFFFFF  }
tec
execute0_lowered:
.L_overlay_start_1:
0x0: {  	(tag) =	ssettag $0x1  }
0x1: {  	s1 =	srdreg.scid;
	s0 =	stileid.u32  }
0x2: {  	s6 =	sand.u32 $0x1, s1;
	s30 =	sshll.u32 s0, $0x1  }
0x3: {  	s9 =	rddreg [dreg:$0x0];
	s7 =	sor.u32 s6, s30  }
0x4: {  	s2 =	simm.s32 $0x0;
	s1 =	rddreg [dreg:$0x1];
	s3 =	smul.u32 $0x7, s7  }
0x5: {  	s8 =	simm.s32 $0x1;
	[smem:$0x7FF] =	sst s2;
	s5 =	sadd.s32 $0x3800, s9  }
0x6: {  	_ =	strace $0x80000050;
	s11 =	ssub.s32 $0x2, s6;
	s3 =	sadd.s32 s3, s9  }
0x7: {  	s6 =	simm.s32 $0x38;
	s4 =	sadd.s32 $0x93A00, s3;
	s3 =	simm.s32 $0x2  }
0x8: {  	[tilespmem:s2], [sflag:$0x2] =	stream.linear.gather [hbm4b:s4+s2], $0x38, $0x38;
	[tilespmem:$0x1C80] =	vst v63  }
0x9: {  	s10 =	smul.u32 $0x380, s7;
	s12 =	sshrl.u32 s11, $0x1;
	_ =	swait.ge [sflag:s3], $0x38  }
0xa: {  	s7 =	simm.s32 $0x80;
	s31 =	ssub.s32 s11, s12;
	[sflag:s3] =	ssyncset.done $0x0  }
0xb: {  	s9 =	sadd.s32 s10, s9;
	s10 =	smax.u32 s31, $0x1;
	[sflag:s3] =	ssyncadd.s32 $0xFFFFFFC8  }
0xc: {  	[tilespmem:s7], [sflag:$0x1] =	stream.indirect.gather [hbm4b:s5+s6], $0x80, s2, s6, $0xb8;
	[tilespmem:$0x1C80] =	vst v63  }
0xd: {  	p0 =	sne.s32 s10, $0x1;
	_ =	swait.ge [sflag:s8], $0x1C00  }
.Ltmp0:
0xe: {  	[sflag:s8] =	ssyncset.done $0x0;
	(pc) =	sbr.rel @!p0 .LBB2_2-.Ltmp0, $4  }
0xf: {  	s9 =	sadd.s32 $0x2AA00, s9;
	[sflag:s8] =	ssyncadd.s32 $0xFFFFE400  }
0x10: {  	[hbm4b:s9+s2] =	stream.linear.scatter [tilespmem:s7], [sflag:$0x2], $0x1C00, $0x38;
	[tilespmem:$0x1C80] =	vst v63  }
0x11: {  	_ =	swait.ge [sflag:s3], $0x1C00  }
0x12: {  	s10 =	sadd.s32 $0xFFFFFFFF, s10;
	[sflag:s3] =	ssyncset.done $0x0  }
.LBB2_1:
0x13: {  	p0 =	sne.s32 s10, $0x1;
	s10 =	sadd.s32 $0xFFFFFFFF, s10;
	[sflag:s3] =	ssyncadd.s32 $0xFFFFE400  }
0x14: {  	[tilespmem:s2], [sflag:$0x2] =	stream.linear.gather [hbm4b:s4+s2], $0x38, $0x38;
	[tilespmem:$0x1C80] =	vst v63  }
0x15: {  	_ =	swait.ge [sflag:s3], $0x38  }
0x16: {  	[sflag:s3] =	ssyncset.done $0x0  }
0x17: {  	[sflag:s3] =	ssyncadd.s32 $0xFFFFFFC8  }
0x18: {  	[tilespmem:s7], [sflag:$0x1] =	stream.indirect.gather [hbm4b:s5+s6], $0x80, s2, s6, $0xb8;
	[tilespmem:$0x1C80] =	vst v63  }
0x19: {  	_ =	swait.ge [sflag:s8], $0x1C00  }
.Ltmp1:
0x1a: {  	[sflag:s8] =	ssyncset.done $0x0;
	(pc) =	sbr.rel @p0 .LBB2_1-.Ltmp1, $4  }
0x1b: {  	[sflag:s8] =	ssyncadd.s32 $0xFFFFE400  }
0x1c: {  	[hbm4b:s9+s2] =	stream.linear.scatter [tilespmem:s7], [sflag:$0x2], $0x1C00, $0x38;
	[tilespmem:$0x1C80] =	vst v63  }
0x1d: {  	_ =	swait.ge [sflag:s3], $0x1C00  }
0x1e: {  	[sflag:s3] =	ssyncset.done $0x0  }
.LBB2_2:
0x1f: {  	[sflag:s3] =	ssyncadd.s32 $0xFFFFE400  }
0x20: {  	_ =	sfence.sel $0x180000  }
0x21: {  	[bflag:$0x0] =	sbarrier.arrive $0xFFFF  }
0x22: {  	p0 =	sne.s32 s0, $0x0;
	_ =	strace $0x90000050  }
0x23: {  	s0 =	sadd.s32 @!p0 $0x100000, s1;
	[bflag:$0x2] =	sbarrier.arrive $0xFFFF  }
0x24: {  	[sflag:s0] =	ssyncadd.tile.s32 @!p0 $0x1;
	_ =	shalt  }
.Lfunc_end2:
_tile_overlayer_lowered:
.L_overlay_start_2:
0x25: {  	(tag) =	ssettag $0x2  }
0x26: {  	s0 =	rddreg [dreg:$0x0];
	s2 =	stileid.u32  }
0x27: {  	s1 =	rddreg [dreg:$0x1];
	p0 =	sne.s32 s2, $0x0  }
0x28: {  	s3 =	rddreg [dreg:$0x2];
	[bflag:$0x3] =	sbarrier.arrive $0xFFFF;
	s2 =	simm.s32 @!p0 $0x1C02  }
0x29: {  	[timem:s3], [sflag:s2] =	dma.local @!p0 [hbm:s0], s1  }
0x2a: {  	s0 =	simm.s32 @!p0 $0x2  }
0x2b: {  	_ =	swait.ge @!p0 [sflag:s0], s1  }
0x2c: {  	s1 =	ssub.s32 @!p0 $0x0, s1;
	[sflag:s0] =	ssyncset.done @!p0 $0x0  }
0x2d: {  	[sflag:s0] =	ssyncadd.s32 @!p0 s1  }
0x2e: {  	[bflag:$0x3] =	sbarrier.arrive $0xFFFF  }
0x2f: {  	_ =	shalt  }

</sc_bundles>
